<compile_context>
chip_gen: v7x
topology: tpu7x:2x2x1
jax: 0.10.2.dev20260603
libtpu: 0.0.44.dev20260713+nightly
codegen_flags: <defaults>
</compile_context>

<pallas_src>
import functools
import math

import jax
import jax.numpy as jnp
from jax import lax
from jax.experimental import pallas as pl
from jax.experimental.pallas import tpu as pltpu
from jax.experimental.pallas import tpu_sc as plsc

D_MODEL = 128
SCALE = math.sqrt(128.0)
ROWS_PER_DMA = 64
NBUF = 10
LANES = 16


def _round_up(n, m):
    return (n + m - 1) // m * m


@functools.lru_cache(maxsize=None)
def _build(batch):
    info = plsc.get_sparse_core_info()
    nc, ns = info.num_cores, info.num_subcores
    nw = nc * ns
    per_w = batch // nw
    nchunk = per_w // ROWS_PER_DMA
    slab = _round_up(nchunk, 8) + 8
    assert per_w % ROWS_PER_DMA == 0 and nchunk % NBUF == 0

    mesh = plsc.VectorSubcoreMesh(core_axis_name="c", subcore_axis_name="s")

    @functools.partial(
        pl.kernel,
        out_type=jax.ShapeDtypeStruct((batch, D_MODEL), jnp.float32),
        mesh=mesh,
        scratch_types=[
            pltpu.VMEM((slab, ROWS_PER_DMA), jnp.int32),
            [pltpu.VMEM((ROWS_PER_DMA, D_MODEL), jnp.float32)
             for _ in range(NBUF)],
            [pltpu.SemaphoreType.DMA for _ in range(NBUF)],
            [pltpu.SemaphoreType.DMA for _ in range(NBUF)],
        ],
    )
    def emb_kernel(table_hbm, idx_hbm, out_hbm, idx_v, bufs, gsems, wsems):
        wid = lax.axis_index("s") * nc + lax.axis_index("c")
        start = wid * nchunk
        total = nw * nchunk
        a0 = pl.multiple_of(
            jnp.minimum(start - lax.rem(start, 8), total - slab), 8)
        phase = start - a0
        pltpu.sync_copy(idx_hbm.at[pl.ds(a0, slab)], idx_v)

        def gather(c, b):
            pltpu.async_copy(table_hbm.at[idx_v.at[phase + c]],
                             bufs[b], gsems[b])

        for b in range(NBUF):
            gather(b, b)

        row_base = wid * per_w

        def out_slice(c):
            return out_hbm.at[pl.ds(row_base + c * ROWS_PER_DMA,
                                    ROWS_PER_DMA)]

        @pl.loop(0, nchunk, step=NBUF)
        def _chunks(g):
            for b in range(NBUF):
                c = g + b
                buf = bufs[b]
                pltpu.make_async_copy(
                    table_hbm.at[idx_v.at[0]], buf, gsems[b]).wait()

                @plsc.parallel_loop(0, ROWS_PER_DMA, unroll=2)
                def _rows(j, buf=buf):
                    for k in range(D_MODEL // LANES):
                        sl = (j, pl.ds(k * LANES, LANES))
                        buf[sl] = buf[sl] * SCALE

                pb = (b - 1) % NBUF
                pc = c - 1 + NBUF

                @pl.when(jnp.logical_and(c >= 1, pc < nchunk))
                def _refill(pb=pb, pc=pc):
                    pltpu.make_async_copy(
                        bufs[pb], out_slice(0), wsems[pb]).wait()
                    gather(pc, pb)

                pltpu.async_copy(buf, out_slice(c), wsems[b])

        for b in range(NBUF):
            pltpu.make_async_copy(bufs[b], out_slice(0), wsems[b]).wait()

    return emb_kernel


def kernel(x, table):
    rows, cols = x.shape
    batch = rows * cols
    idx = x.astype(jnp.int32).reshape(batch // ROWS_PER_DMA, ROWS_PER_DMA)
    out = _build(batch)(table, idx)
    return out.reshape(rows, cols, D_MODEL)

# --- scband reference (transcript-rebuilt; emitter-appended) ---
"""Pipeline reference for scband-input-embeddings-24446953848999 (READ-ONLY COPY).

The authoritative reference and input builder live on the scoring server;
editing this copy changes nothing except your own understanding.
"""

import jax, jax.numpy as jnp
import numpy as np
import math

VOCAB_SIZE = 100000
D_MODEL = 128

def setup_inputs(seed: int = 0) -> dict:
    key = jax.random.key(seed)
    k1, k2 = jax.random.split(key)
    x = jax.random.randint(k1, (1024, 200), 0, VOCAB_SIZE, dtype=jnp.int64 if jax.config.jax_enable_x64 else jnp.int32)
    table = jax.random.normal(k2, (VOCAB_SIZE, D_MODEL), dtype=jnp.float32)
    return {"x": x, "table": table}

def reference(x, table):
    # nn.Embedding lookup followed by scaling by sqrt(d_model)
    emb = jnp.take(table, x, axis=0)
    return emb * math.sqrt(D_MODEL)

if __name__ == "__main__":
    import jax
    _d = setup_inputs()
    print(jax.jit(kernel)(*tuple(_d.values())))

</pallas_src>

<mosaic_0001>
#map = affine_map<(d0, d1) -> (0, 0)>
module attributes {stable_mosaic.version = 14 : i64} {
  func.func @emb_kernel(%arg0: i32, %arg1: i32, %arg2: memref<100000x128xf32, #tpu.memory_space<hbm>>, %arg3: memref<3200x64xi32, #tpu.memory_space<hbm>>, %arg4: memref<204800x128xf32, #tpu.memory_space<hbm>>, %arg5: memref<112x64xi32, #tpu.memory_space<vmem>>, %arg6: memref<64x128xf32, #tpu.memory_space<vmem>>, %arg7: memref<64x128xf32, #tpu.memory_space<vmem>>, %arg8: memref<64x128xf32, #tpu.memory_space<vmem>>, %arg9: memref<64x128xf32, #tpu.memory_space<vmem>>, %arg10: memref<64x128xf32, #tpu.memory_space<vmem>>, %arg11: memref<64x128xf32, #tpu.memory_space<vmem>>, %arg12: memref<64x128xf32, #tpu.memory_space<vmem>>, %arg13: memref<64x128xf32, #tpu.memory_space<vmem>>, %arg14: memref<64x128xf32, #tpu.memory_space<vmem>>, %arg15: memref<64x128xf32, #tpu.memory_space<vmem>>, %arg16: memref<!tpu.dma_semaphore, #tpu.memory_space<semaphore_mem>>, %arg17: memref<!tpu.dma_semaphore, #tpu.memory_space<semaphore_mem>>, %arg18: memref<!tpu.dma_semaphore, #tpu.memory_space<semaphore_mem>>, %arg19: memref<!tpu.dma_semaphore, #tpu.memory_space<semaphore_mem>>, %arg20: memref<!tpu.dma_semaphore, #tpu.memory_space<semaphore_mem>>, %arg21: memref<!tpu.dma_semaphore, #tpu.memory_space<semaphore_mem>>, %arg22: memref<!tpu.dma_semaphore, #tpu.memory_space<semaphore_mem>>, %arg23: memref<!tpu.dma_semaphore, #tpu.memory_space<semaphore_mem>>, %arg24: memref<!tpu.dma_semaphore, #tpu.memory_space<semaphore_mem>>, %arg25: memref<!tpu.dma_semaphore, #tpu.memory_space<semaphore_mem>>, %arg26: memref<!tpu.dma_semaphore, #tpu.memory_space<semaphore_mem>>, %arg27: memref<!tpu.dma_semaphore, #tpu.memory_space<semaphore_mem>>, %arg28: memref<!tpu.dma_semaphore, #tpu.memory_space<semaphore_mem>>, %arg29: memref<!tpu.dma_semaphore, #tpu.memory_space<semaphore_mem>>, %arg30: memref<!tpu.dma_semaphore, #tpu.memory_space<semaphore_mem>>, %arg31: memref<!tpu.dma_semaphore, #tpu.memory_space<semaphore_mem>>, %arg32: memref<!tpu.dma_semaphore, #tpu.memory_space<semaphore_mem>>, %arg33: memref<!tpu.dma_semaphore, #tpu.memory_space<semaphore_mem>>, %arg34: memref<!tpu.dma_semaphore, #tpu.memory_space<semaphore_mem>>, %arg35: memref<!tpu.dma_semaphore, #tpu.memory_space<semaphore_mem>>) attributes {dimension_semantics = [#tpu.dimension_semantics<core_parallel>, #tpu.dimension_semantics<subcore_parallel>], iteration_bounds = array<i64: 2, 16>, scalar_prefetch = 0 : i64, scratch_operands = 31 : i64, tpu.core_type = #tpu.core_type<sc_vector_subcore>, window_params = [{transform_indices = #map}, {transform_indices = #map}, {transform_indices = #map}]} {
    %mul3A = arith.constant 2 : i32
    %mul3A_0 = arith.muli %arg1, %mul3A : i32
    %add3A = arith.addi %mul3A_0, %arg0 : i32
    %mul3A_1 = arith.constant 100 : i32
    %mul3A_2 = arith.muli %add3A, %mul3A_1 : i32
    %rem3A = arith.constant 8 : i32
    %rem3A_3 = arith.remsi %mul3A_2, %rem3A : i32
    %sub3A = arith.subi %mul3A_2, %rem3A_3 : i32
    %min3A = arith.constant 3088 : i32
    %min3A_4 = arith.minsi %sub3A, %min3A : i32
    %multiple_of3A = tpu.assume_multiple %min3A_4, 8 : i32
    %sub3A_5 = arith.subi %mul3A_2, %multiple_of3A : i32
    "tpu.region"() ({
      %run_scoped3A = tpu.sem_alloc : memref<!tpu.dma_semaphore, #tpu.memory_space<semaphore_mem>>
      %dma_start3A_150 = arith.constant 0 : i32
      %dma_start3A_151 = tpu.memref_slice %arg3[%multiple_of3A, %dma_start3A_150] : memref<3200x64xi32, #tpu.memory_space<hbm>> -> memref<112x64xi32, #tpu.memory_space<hbm>>
      %dma_start3A_152 = arith.constant 0 : i32
      %dma_start3A_153 = tpu.memref_slice %arg3[%multiple_of3A, %dma_start3A_152] : memref<3200x64xi32, #tpu.memory_space<hbm>> -> memref<112x64xi32, #tpu.memory_space<hbm>>
      tpu.enqueue_dma source(%dma_start3A_153 : memref<112x64xi32, #tpu.memory_space<hbm>>) target(%arg5 : memref<112x64xi32, #tpu.memory_space<vmem>>) target_semaphore(%run_scoped3A : memref<!tpu.dma_semaphore, #tpu.memory_space<semaphore_mem>>)
      %dma_wait3A_154 = arith.constant 0 : i32
      %dma_wait3A_155 = tpu.memref_slice %arg3[%multiple_of3A, %dma_wait3A_154] : memref<3200x64xi32, #tpu.memory_space<hbm>> -> memref<112x64xi32, #tpu.memory_space<hbm>>
      %dma_wait3A_156 = arith.constant 0 : i32
      %dma_wait3A_157 = tpu.memref_slice %arg3[%multiple_of3A, %dma_wait3A_156] : memref<3200x64xi32, #tpu.memory_space<hbm>> -> memref<112x64xi32, #tpu.memory_space<hbm>>
      tpu.wait_dma2 semaphore(%run_scoped3A : memref<!tpu.dma_semaphore, #tpu.memory_space<semaphore_mem>>) src(%dma_wait3A_157 : memref<112x64xi32, #tpu.memory_space<hbm>>) dst(%arg5 : memref<112x64xi32, #tpu.memory_space<vmem>>)
      tpu.yield
    }) : () -> ()
    %add3A_6 = arith.constant 0 : i32
    %add3A_7 = arith.addi %sub3A_5, %add3A_6 : i32
    %dma_start3A = arith.constant 0 : i32
    %dma_start3A_8 = tpu.memref_slice %arg5[%add3A_7, %dma_start3A] : memref<112x64xi32, #tpu.memory_space<vmem>> -> memref<1x64xi32, #tpu.memory_space<vmem>>
    %dma_start3A_9 = tpu.memref_squeeze %dma_start3A_8 : memref<1x64xi32, #tpu.memory_space<vmem>> -> memref<64xi32, #tpu.memory_space<vmem>>
    %dma_start3A_10 = arith.constant 0 : i32
    %dma_start3A_11 = arith.constant 0 : i32
    %dma_start3A_12 = tpu.memref_slice %arg2[%dma_start3A_10, %dma_start3A_11] : memref<100000x128xf32, #tpu.memory_space<hbm>> -> memref<100000x128xf32, #tpu.memory_space<hbm>>
    tpu.enqueue_indirect_dma source(%dma_start3A_12 : memref<100000x128xf32, #tpu.memory_space<hbm>>) target(%arg6 : memref<64x128xf32, #tpu.memory_space<vmem>>) offsets(%dma_start3A_9 : memref<64xi32, #tpu.memory_space<vmem>>) semaphore(%arg16 : memref<!tpu.dma_semaphore, #tpu.memory_space<semaphore_mem>>)
    %add3A_13 = arith.constant 1 : i32
    %add3A_14 = arith.addi %sub3A_5, %add3A_13 : i32
    %dma_start3A_15 = arith.constant 0 : i32
    %dma_start3A_16 = tpu.memref_slice %arg5[%add3A_14, %dma_start3A_15] : memref<112x64xi32, #tpu.memory_space<vmem>> -> memref<1x64xi32, #tpu.memory_space<vmem>>
    %dma_start3A_17 = tpu.memref_squeeze %dma_start3A_16 : memref<1x64xi32, #tpu.memory_space<vmem>> -> memref<64xi32, #tpu.memory_space<vmem>>
    %dma_start3A_18 = arith.constant 0 : i32
    %dma_start3A_19 = arith.constant 0 : i32
    %dma_start3A_20 = tpu.memref_slice %arg2[%dma_start3A_18, %dma_start3A_19] : memref<100000x128xf32, #tpu.memory_space<hbm>> -> memref<100000x128xf32, #tpu.memory_space<hbm>>
    tpu.enqueue_indirect_dma source(%dma_start3A_20 : memref<100000x128xf32, #tpu.memory_space<hbm>>) target(%arg7 : memref<64x128xf32, #tpu.memory_space<vmem>>) offsets(%dma_start3A_17 : memref<64xi32, #tpu.memory_space<vmem>>) semaphore(%arg17 : memref<!tpu.dma_semaphore, #tpu.memory_space<semaphore_mem>>)
    %add3A_21 = arith.constant 2 : i32
    %add3A_22 = arith.addi %sub3A_5, %add3A_21 : i32
    %dma_start3A_23 = arith.constant 0 : i32
    %dma_start3A_24 = tpu.memref_slice %arg5[%add3A_22, %dma_start3A_23] : memref<112x64xi32, #tpu.memory_space<vmem>> -> memref<1x64xi32, #tpu.memory_space<vmem>>
    %dma_start3A_25 = tpu.memref_squeeze %dma_start3A_24 : memref<1x64xi32, #tpu.memory_space<vmem>> -> memref<64xi32, #tpu.memory_space<vmem>>
    %dma_start3A_26 = arith.constant 0 : i32
    %dma_start3A_27 = arith.constant 0 : i32
    %dma_start3A_28 = tpu.memref_slice %arg2[%dma_start3A_26, %dma_start3A_27] : memref<100000x128xf32, #tpu.memory_space<hbm>> -> memref<100000x128xf32, #tpu.memory_space<hbm>>
    tpu.enqueue_indirect_dma source(%dma_start3A_28 : memref<100000x128xf32, #tpu.memory_space<hbm>>) target(%arg8 : memref<64x128xf32, #tpu.memory_space<vmem>>) offsets(%dma_start3A_25 : memref<64xi32, #tpu.memory_space<vmem>>) semaphore(%arg18 : memref<!tpu.dma_semaphore, #tpu.memory_space<semaphore_mem>>)
    %add3A_29 = arith.constant 3 : i32
    %add3A_30 = arith.addi %sub3A_5, %add3A_29 : i32
    %dma_start3A_31 = arith.constant 0 : i32
    %dma_start3A_32 = tpu.memref_slice %arg5[%add3A_30, %dma_start3A_31] : memref<112x64xi32, #tpu.memory_space<vmem>> -> memref<1x64xi32, #tpu.memory_space<vmem>>
    %dma_start3A_33 = tpu.memref_squeeze %dma_start3A_32 : memref<1x64xi32, #tpu.memory_space<vmem>> -> memref<64xi32, #tpu.memory_space<vmem>>
    %dma_start3A_34 = arith.constant 0 : i32
    %dma_start3A_35 = arith.constant 0 : i32
    %dma_start3A_36 = tpu.memref_slice %arg2[%dma_start3A_34, %dma_start3A_35] : memref<100000x128xf32, #tpu.memory_space<hbm>> -> memref<100000x128xf32, #tpu.memory_space<hbm>>
    tpu.enqueue_indirect_dma source(%dma_start3A_36 : memref<100000x128xf32, #tpu.memory_space<hbm>>) target(%arg9 : memref<64x128xf32, #tpu.memory_space<vmem>>) offsets(%dma_start3A_33 : memref<64xi32, #tpu.memory_space<vmem>>) semaphore(%arg19 : memref<!tpu.dma_semaphore, #tpu.memory_space<semaphore_mem>>)
    %add3A_37 = arith.constant 4 : i32
    %add3A_38 = arith.addi %sub3A_5, %add3A_37 : i32
    %dma_start3A_39 = arith.constant 0 : i32
    %dma_start3A_40 = tpu.memref_slice %arg5[%add3A_38, %dma_start3A_39] : memref<112x64xi32, #tpu.memory_space<vmem>> -> memref<1x64xi32, #tpu.memory_space<vmem>>
    %dma_start3A_41 = tpu.memref_squeeze %dma_start3A_40 : memref<1x64xi32, #tpu.memory_space<vmem>> -> memref<64xi32, #tpu.memory_space<vmem>>
    %dma_start3A_42 = arith.constant 0 : i32
    %dma_start3A_43 = arith.constant 0 : i32
    %dma_start3A_44 = tpu.memref_slice %arg2[%dma_start3A_42, %dma_start3A_43] : memref<100000x128xf32, #tpu.memory_space<hbm>> -> memref<100000x128xf32, #tpu.memory_space<hbm>>
    tpu.enqueue_indirect_dma source(%dma_start3A_44 : memref<100000x128xf32, #tpu.memory_space<hbm>>) target(%arg10 : memref<64x128xf32, #tpu.memory_space<vmem>>) offsets(%dma_start3A_41 : memref<64xi32, #tpu.memory_space<vmem>>) semaphore(%arg20 : memref<!tpu.dma_semaphore, #tpu.memory_space<semaphore_mem>>)
    %add3A_45 = arith.constant 5 : i32
    %add3A_46 = arith.addi %sub3A_5, %add3A_45 : i32
    %dma_start3A_47 = arith.constant 0 : i32
    %dma_start3A_48 = tpu.memref_slice %arg5[%add3A_46, %dma_start3A_47] : memref<112x64xi32, #tpu.memory_space<vmem>> -> memref<1x64xi32, #tpu.memory_space<vmem>>
    %dma_start3A_49 = tpu.memref_squeeze %dma_start3A_48 : memref<1x64xi32, #tpu.memory_space<vmem>> -> memref<64xi32, #tpu.memory_space<vmem>>
    %dma_start3A_50 = arith.constant 0 : i32
    %dma_start3A_51 = arith.constant 0 : i32
    %dma_start3A_52 = tpu.memref_slice %arg2[%dma_start3A_50, %dma_start3A_51] : memref<100000x128xf32, #tpu.memory_space<hbm>> -> memref<100000x128xf32, #tpu.memory_space<hbm>>
    tpu.enqueue_indirect_dma source(%dma_start3A_52 : memref<100000x128xf32, #tpu.memory_space<hbm>>) target(%arg11 : memref<64x128xf32, #tpu.memory_space<vmem>>) offsets(%dma_start3A_49 : memref<64xi32, #tpu.memory_space<vmem>>) semaphore(%arg21 : memref<!tpu.dma_semaphore, #tpu.memory_space<semaphore_mem>>)
    %add3A_53 = arith.constant 6 : i32
    %add3A_54 = arith.addi %sub3A_5, %add3A_53 : i32
    %dma_start3A_55 = arith.constant 0 : i32
    %dma_start3A_56 = tpu.memref_slice %arg5[%add3A_54, %dma_start3A_55] : memref<112x64xi32, #tpu.memory_space<vmem>> -> memref<1x64xi32, #tpu.memory_space<vmem>>
    %dma_start3A_57 = tpu.memref_squeeze %dma_start3A_56 : memref<1x64xi32, #tpu.memory_space<vmem>> -> memref<64xi32, #tpu.memory_space<vmem>>
    %dma_start3A_58 = arith.constant 0 : i32
    %dma_start3A_59 = arith.constant 0 : i32
    %dma_start3A_60 = tpu.memref_slice %arg2[%dma_start3A_58, %dma_start3A_59] : memref<100000x128xf32, #tpu.memory_space<hbm>> -> memref<100000x128xf32, #tpu.memory_space<hbm>>
    tpu.enqueue_indirect_dma source(%dma_start3A_60 : memref<100000x128xf32, #tpu.memory_space<hbm>>) target(%arg12 : memref<64x128xf32, #tpu.memory_space<vmem>>) offsets(%dma_start3A_57 : memref<64xi32, #tpu.memory_space<vmem>>) semaphore(%arg22 : memref<!tpu.dma_semaphore, #tpu.memory_space<semaphore_mem>>)
    %add3A_61 = arith.constant 7 : i32
    %add3A_62 = arith.addi %sub3A_5, %add3A_61 : i32
    %dma_start3A_63 = arith.constant 0 : i32
    %dma_start3A_64 = tpu.memref_slice %arg5[%add3A_62, %dma_start3A_63] : memref<112x64xi32, #tpu.memory_space<vmem>> -> memref<1x64xi32, #tpu.memory_space<vmem>>
    %dma_start3A_65 = tpu.memref_squeeze %dma_start3A_64 : memref<1x64xi32, #tpu.memory_space<vmem>> -> memref<64xi32, #tpu.memory_space<vmem>>
    %dma_start3A_66 = arith.constant 0 : i32
    %dma_start3A_67 = arith.constant 0 : i32
    %dma_start3A_68 = tpu.memref_slice %arg2[%dma_start3A_66, %dma_start3A_67] : memref<100000x128xf32, #tpu.memory_space<hbm>> -> memref<100000x128xf32, #tpu.memory_space<hbm>>
    tpu.enqueue_indirect_dma source(%dma_start3A_68 : memref<100000x128xf32, #tpu.memory_space<hbm>>) target(%arg13 : memref<64x128xf32, #tpu.memory_space<vmem>>) offsets(%dma_start3A_65 : memref<64xi32, #tpu.memory_space<vmem>>) semaphore(%arg23 : memref<!tpu.dma_semaphore, #tpu.memory_space<semaphore_mem>>)
    %add3A_69 = arith.constant 8 : i32
    %add3A_70 = arith.addi %sub3A_5, %add3A_69 : i32
    %dma_start3A_71 = arith.constant 0 : i32
    %dma_start3A_72 = tpu.memref_slice %arg5[%add3A_70, %dma_start3A_71] : memref<112x64xi32, #tpu.memory_space<vmem>> -> memref<1x64xi32, #tpu.memory_space<vmem>>
    %dma_start3A_73 = tpu.memref_squeeze %dma_start3A_72 : memref<1x64xi32, #tpu.memory_space<vmem>> -> memref<64xi32, #tpu.memory_space<vmem>>
    %dma_start3A_74 = arith.constant 0 : i32
    %dma_start3A_75 = arith.constant 0 : i32
    %dma_start3A_76 = tpu.memref_slice %arg2[%dma_start3A_74, %dma_start3A_75] : memref<100000x128xf32, #tpu.memory_space<hbm>> -> memref<100000x128xf32, #tpu.memory_space<hbm>>
    tpu.enqueue_indirect_dma source(%dma_start3A_76 : memref<100000x128xf32, #tpu.memory_space<hbm>>) target(%arg14 : memref<64x128xf32, #tpu.memory_space<vmem>>) offsets(%dma_start3A_73 : memref<64xi32, #tpu.memory_space<vmem>>) semaphore(%arg24 : memref<!tpu.dma_semaphore, #tpu.memory_space<semaphore_mem>>)
    %add3A_77 = arith.constant 9 : i32
    %add3A_78 = arith.addi %sub3A_5, %add3A_77 : i32
    %dma_start3A_79 = arith.constant 0 : i32
    %dma_start3A_80 = tpu.memref_slice %arg5[%add3A_78, %dma_start3A_79] : memref<112x64xi32, #tpu.memory_space<vmem>> -> memref<1x64xi32, #tpu.memory_space<vmem>>
    %dma_start3A_81 = tpu.memref_squeeze %dma_start3A_80 : memref<1x64xi32, #tpu.memory_space<vmem>> -> memref<64xi32, #tpu.memory_space<vmem>>
    %dma_start3A_82 = arith.constant 0 : i32
    %dma_start3A_83 = arith.constant 0 : i32
    %dma_start3A_84 = tpu.memref_slice %arg2[%dma_start3A_82, %dma_start3A_83] : memref<100000x128xf32, #tpu.memory_space<hbm>> -> memref<100000x128xf32, #tpu.memory_space<hbm>>
    tpu.enqueue_indirect_dma source(%dma_start3A_84 : memref<100000x128xf32, #tpu.memory_space<hbm>>) target(%arg15 : memref<64x128xf32, #tpu.memory_space<vmem>>) offsets(%dma_start3A_81 : memref<64xi32, #tpu.memory_space<vmem>>) semaphore(%arg25 : memref<!tpu.dma_semaphore, #tpu.memory_space<semaphore_mem>>)
    %mul3A_85 = arith.constant 6400 : i32
    %mul3A_86 = arith.muli %add3A, %mul3A_85 : i32
    %scan3A = arith.constant 0 : i32
    %scan3A_87 = arith.constant 10 : i32
    %scan3A_88 = arith.addi %scan3A, %scan3A_87 : i32
    %scan3A_89 = arith.constant 1 : i32
    scf.for %scan3A_150 = %scan3A to %scan3A_88 step %scan3A_89  : i32 {
      %mul3A_151 = arith.constant 10 : i32
      %mul3A_152 = arith.muli %scan3A_150, %mul3A_151 : i32
      %add3A_153 = arith.constant 0 : i32
      %add3A_154 = arith.addi %add3A_153, %mul3A_152 : i32
      %add3A_155 = arith.constant 0 : i32
      %add3A_156 = arith.addi %add3A_154, %add3A_155 : i32
      %dma_wait3A_157 = arith.constant 0 : i32
      %dma_wait3A_158 = arith.constant 0 : i32
      %dma_wait3A_159 = tpu.memref_slice %arg5[%dma_wait3A_157, %dma_wait3A_158] : memref<112x64xi32, #tpu.memory_space<vmem>> -> memref<1x64xi32, #tpu.memory_space<vmem>>
      %dma_wait3A_160 = tpu.memref_squeeze %dma_wait3A_159 : memref<1x64xi32, #tpu.memory_space<vmem>> -> memref<64xi32, #tpu.memory_space<vmem>>
      %dma_wait3A_161 = arith.constant 0 : i32
      %dma_wait3A_162 = arith.constant 0 : i32
      %dma_wait3A_163 = tpu.memref_slice %arg2[%dma_wait3A_161, %dma_wait3A_162] : memref<100000x128xf32, #tpu.memory_space<hbm>> -> memref<100000x128xf32, #tpu.memory_space<hbm>>
      tpu.wait_indirect_dma semaphore(%arg16 : memref<!tpu.dma_semaphore, #tpu.memory_space<semaphore_mem>>) src(%dma_wait3A_163 : memref<100000x128xf32, #tpu.memory_space<hbm>>) dst(%arg6 : memref<64x128xf32, #tpu.memory_space<vmem>>)
      %parallel_loop3A = arith.constant 0 : i32
      %parallel_loop3A_164 = arith.constant 64 : i32
      %parallel_loop3A_165 = arith.constant 1 : i32
      scf.for %parallel_loop3A_459 = %parallel_loop3A to %parallel_loop3A_164 step %parallel_loop3A_165  : i32 {
        %parallel_loop3A_460 = arith.index_cast %parallel_loop3A_459 : i32 to index
        %parallel_loop3A_461 = arith.constant 0 : index
        %parallel_loop3A_462 = tpu.vector_load %arg6[%parallel_loop3A_460, %parallel_loop3A_461] {strides = array<i32>} : memref<64x128xf32, #tpu.memory_space<vmem>>, vector<1x16xf32>,
        %parallel_loop3A_463 = vector.shape_cast %parallel_loop3A_462 : vector<1x16xf32> to vector<16xf32>
        %parallel_loop3A_464 = arith.constant 11.3137083 : f32
        %parallel_loop3A_465 = vector.broadcast %parallel_loop3A_464 : f32 to vector<16xf32>
        %parallel_loop3A_466 = arith.mulf %parallel_loop3A_463, %parallel_loop3A_465 : vector<16xf32>
        %parallel_loop3A_467 = arith.index_cast %parallel_loop3A_459 : i32 to index
        %parallel_loop3A_468 = arith.constant 0 : index
        %parallel_loop3A_469 = tpu.vector_load %arg6[%parallel_loop3A_467, %parallel_loop3A_468] {strides = array<i32>} : memref<64x128xf32, #tpu.memory_space<vmem>>, vector<1x16xf32>,
        %parallel_loop3A_470 = vector.shape_cast %parallel_loop3A_469 : vector<1x16xf32> to vector<16xf32>
        %parallel_loop3A_471 = vector.shape_cast %parallel_loop3A_466 : vector<16xf32> to vector<1x16xf32>
        tpu.vector_store %arg6[%parallel_loop3A_467, %parallel_loop3A_468], %parallel_loop3A_471 {strides = array<i32>} : memref<64x128xf32, #tpu.memory_space<vmem>>, vector<1x16xf32>,
        %parallel_loop3A_472 = arith.index_cast %parallel_loop3A_459 : i32 to index
        %parallel_loop3A_473 = arith.constant 16 : index
        %parallel_loop3A_474 = tpu.vector_load %arg6[%parallel_loop3A_472, %parallel_loop3A_473] {strides = array<i32>} : memref<64x128xf32, #tpu.memory_space<vmem>>, vector<1x16xf32>,
        %parallel_loop3A_475 = vector.shape_cast %parallel_loop3A_474 : vector<1x16xf32> to vector<16xf32>
        %parallel_loop3A_476 = arith.constant 11.3137083 : f32
        %parallel_loop3A_477 = vector.broadcast %parallel_loop3A_476 : f32 to vector<16xf32>
        %parallel_loop3A_478 = arith.mulf %parallel_loop3A_475, %parallel_loop3A_477 : vector<16xf32>
        %parallel_loop3A_479 = arith.index_cast %parallel_loop3A_459 : i32 to index
        %parallel_loop3A_480 = arith.constant 16 : index
        %parallel_loop3A_481 = tpu.vector_load %arg6[%parallel_loop3A_479, %parallel_loop3A_480] {strides = array<i32>} : memref<64x128xf32, #tpu.memory_space<vmem>>, vector<1x16xf32>,
        %parallel_loop3A_482 = vector.shape_cast %parallel_loop3A_481 : vector<1x16xf32> to vector<16xf32>
        %parallel_loop3A_483 = vector.shape_cast %parallel_loop3A_478 : vector<16xf32> to vector<1x16xf32>
        tpu.vector_store %arg6[%parallel_loop3A_479, %parallel_loop3A_480], %parallel_loop3A_483 {strides = array<i32>} : memref<64x128xf32, #tpu.memory_space<vmem>>, vector<1x16xf32>,
        %parallel_loop3A_484 = arith.index_cast %parallel_loop3A_459 : i32 to index
        %parallel_loop3A_485 = arith.constant 32 : index
        %parallel_loop3A_486 = tpu.vector_load %arg6[%parallel_loop3A_484, %parallel_loop3A_485] {strides = array<i32>} : memref<64x128xf32, #tpu.memory_space<vmem>>, vector<1x16xf32>,
        %parallel_loop3A_487 = vector.shape_cast %parallel_loop3A_486 : vector<1x16xf32> to vector<16xf32>
        %parallel_loop3A_488 = arith.constant 11.3137083 : f32
        %parallel_loop3A_489 = vector.broadcast %parallel_loop3A_488 : f32 to vector<16xf32>
        %parallel_loop3A_490 = arith.mulf %parallel_loop3A_487, %parallel_loop3A_489 : vector<16xf32>
        %parallel_loop3A_491 = arith.index_cast %parallel_loop3A_459 : i32 to index
        %parallel_loop3A_492 = arith.constant 32 : index
        %parallel_loop3A_493 = tpu.vector_load %arg6[%parallel_loop3A_491, %parallel_loop3A_492] {strides = array<i32>} : memref<64x128xf32, #tpu.memory_space<vmem>>, vector<1x16xf32>,
        %parallel_loop3A_494 = vector.shape_cast %parallel_loop3A_493 : vector<1x16xf32> to vector<16xf32>
        %parallel_loop3A_495 = vector.shape_cast %parallel_loop3A_490 : vector<16xf32> to vector<1x16xf32>
        tpu.vector_store %arg6[%parallel_loop3A_491, %parallel_loop3A_492], %parallel_loop3A_495 {strides = array<i32>} : memref<64x128xf32, #tpu.memory_space<vmem>>, vector<1x16xf32>,
        %parallel_loop3A_496 = arith.index_cast %parallel_loop3A_459 : i32 to index
        %parallel_loop3A_497 = arith.constant 48 : index
        %parallel_loop3A_498 = tpu.vector_load %arg6[%parallel_loop3A_496, %parallel_loop3A_497] {strides = array<i32>} : memref<64x128xf32, #tpu.memory_space<vmem>>, vector<1x16xf32>,
        %parallel_loop3A_499 = vector.shape_cast %parallel_loop3A_498 : vector<1x16xf32> to vector<16xf32>
        %parallel_loop3A_500 = arith.constant 11.3137083 : f32
        %parallel_loop3A_501 = vector.broadcast %parallel_loop3A_500 : f32 to vector<16xf32>
        %parallel_loop3A_502 = arith.mulf %parallel_loop3A_499, %parallel_loop3A_501 : vector<16xf32>
        %parallel_loop3A_503 = arith.index_cast %parallel_loop3A_459 : i32 to index
        %parallel_loop3A_504 = arith.constant 48 : index
        %parallel_loop3A_505 = tpu.vector_load %arg6[%parallel_loop3A_503, %parallel_loop3A_504] {strides = array<i32>} : memref<64x128xf32, #tpu.memory_space<vmem>>, vector<1x16xf32>,
        %parallel_loop3A_506 = vector.shape_cast %parallel_loop3A_505 : vector<1x16xf32> to vector<16xf32>
        %parallel_loop3A_507 = vector.shape_cast %parallel_loop3A_502 : vector<16xf32> to vector<1x16xf32>
        tpu.vector_store %arg6[%parallel_loop3A_503, %parallel_loop3A_504], %parallel_loop3A_507 {strides = array<i32>} : memref<64x128xf32, #tpu.memory_space<vmem>>, vector<1x16xf32>,
        %parallel_loop3A_508 = arith.index_cast %parallel_loop3A_459 : i32 to index
        %parallel_loop3A_509 = arith.constant 64 : index
        %parallel_loop3A_510 = tpu.vector_load %arg6[%parallel_loop3A_508, %parallel_loop3A_509] {strides = array<i32>} : memref<64x128xf32, #tpu.memory_space<vmem>>, vector<1x16xf32>,
        %parallel_loop3A_511 = vector.shape_cast %parallel_loop3A_510 : vector<1x16xf32> to vector<16xf32>
        %parallel_loop3A_512 = arith.constant 11.3137083 : f32
        %parallel_loop3A_513 = vector.broadcast %parallel_loop3A_512 : f32 to vector<16xf32>
        %parallel_loop3A_514 = arith.mulf %parallel_loop3A_511, %parallel_loop3A_513 : vector<16xf32>
        %parallel_loop3A_515 = arith.index_cast %parallel_loop3A_459 : i32 to index
        %parallel_loop3A_516 = arith.constant 64 : index
        %parallel_loop3A_517 = tpu.vector_load %arg6[%parallel_loop3A_515, %parallel_loop3A_516] {strides = array<i32>} : memref<64x128xf32, #tpu.memory_space<vmem>>, vector<1x16xf32>,
        %parallel_loop3A_518 = vector.shape_cast %parallel_loop3A_517 : vector<1x16xf32> to vector<16xf32>
        %parallel_loop3A_519 = vector.shape_cast %parallel_loop3A_514 : vector<16xf32> to vector<1x16xf32>
        tpu.vector_store %arg6[%parallel_loop3A_515, %parallel_loop3A_516], %parallel_loop3A_519 {strides = array<i32>} : memref<64x128xf32, #tpu.memory_space<vmem>>, vector<1x16xf32>,
        %parallel_loop3A_520 = arith.index_cast %parallel_loop3A_459 : i32 to index
        %parallel_loop3A_521 = arith.constant 80 : index
        %parallel_loop3A_522 = tpu.vector_load %arg6[%parallel_loop3A_520, %parallel_loop3A_521] {strides = array<i32>} : memref<64x128xf32, #tpu.memory_space<vmem>>, vector<1x16xf32>,
        %parallel_loop3A_523 = vector.shape_cast %parallel_loop3A_522 : vector<1x16xf32> to vector<16xf32>
        %parallel_loop3A_524 = arith.constant 11.3137083 : f32
        %parallel_loop3A_525 = vector.broadcast %parallel_loop3A_524 : f32 to vector<16xf32>
        %parallel_loop3A_526 = arith.mulf %parallel_loop3A_523, %parallel_loop3A_525 : vector<16xf32>
        %parallel_loop3A_527 = arith.index_cast %parallel_loop3A_459 : i32 to index
        %parallel_loop3A_528 = arith.constant 80 : index
        %parallel_loop3A_529 = tpu.vector_load %arg6[%parallel_loop3A_527, %parallel_loop3A_528] {strides = array<i32>} : memref<64x128xf32, #tpu.memory_space<vmem>>, vector<1x16xf32>,
        %parallel_loop3A_530 = vector.shape_cast %parallel_loop3A_529 : vector<1x16xf32> to vector<16xf32>
        %parallel_loop3A_531 = vector.shape_cast %parallel_loop3A_526 : vector<16xf32> to vector<1x16xf32>
        tpu.vector_store %arg6[%parallel_loop3A_527, %parallel_loop3A_528], %parallel_loop3A_531 {strides = array<i32>} : memref<64x128xf32, #tpu.memory_space<vmem>>, vector<1x16xf32>,
        %parallel_loop3A_532 = arith.index_cast %parallel_loop3A_459 : i32 to index
        %parallel_loop3A_533 = arith.constant 96 : index
        %parallel_loop3A_534 = tpu.vector_load %arg6[%parallel_loop3A_532, %parallel_loop3A_533] {strides = array<i32>} : memref<64x128xf32, #tpu.memory_space<vmem>>, vector<1x16xf32>,
        %parallel_loop3A_535 = vector.shape_cast %parallel_loop3A_534 : vector<1x16xf32> to vector<16xf32>
        %parallel_loop3A_536 = arith.constant 11.3137083 : f32
        %parallel_loop3A_537 = vector.broadcast %parallel_loop3A_536 : f32 to vector<16xf32>
        %parallel_loop3A_538 = arith.mulf %parallel_loop3A_535, %parallel_loop3A_537 : vector<16xf32>
        %parallel_loop3A_539 = arith.index_cast %parallel_loop3A_459 : i32 to index
        %parallel_loop3A_540 = arith.constant 96 : index
        %parallel_loop3A_541 = tpu.vector_load %arg6[%parallel_loop3A_539, %parallel_loop3A_540] {strides = array<i32>} : memref<64x128xf32, #tpu.memory_space<vmem>>, vector<1x16xf32>,
        %parallel_loop3A_542 = vector.shape_cast %parallel_loop3A_541 : vector<1x16xf32> to vector<16xf32>
        %parallel_loop3A_543 = vector.shape_cast %parallel_loop3A_538 : vector<16xf32> to vector<1x16xf32>
        tpu.vector_store %arg6[%parallel_loop3A_539, %parallel_loop3A_540], %parallel_loop3A_543 {strides = array<i32>} : memref<64x128xf32, #tpu.memory_space<vmem>>, vector<1x16xf32>,
        %parallel_loop3A_544 = arith.index_cast %parallel_loop3A_459 : i32 to index
        %parallel_loop3A_545 = arith.constant 112 : index
        %parallel_loop3A_546 = tpu.vector_load %arg6[%parallel_loop3A_544, %parallel_loop3A_545] {strides = array<i32>} : memref<64x128xf32, #tpu.memory_space<vmem>>, vector<1x16xf32>,
        %parallel_loop3A_547 = vector.shape_cast %parallel_loop3A_546 : vector<1x16xf32> to vector<16xf32>
        %parallel_loop3A_548 = arith.constant 11.3137083 : f32
        %parallel_loop3A_549 = vector.broadcast %parallel_loop3A_548 : f32 to vector<16xf32>
        %parallel_loop3A_550 = arith.mulf %parallel_loop3A_547, %parallel_loop3A_549 : vector<16xf32>
        %parallel_loop3A_551 = arith.index_cast %parallel_loop3A_459 : i32 to index
        %parallel_loop3A_552 = arith.constant 112 : index
        %parallel_loop3A_553 = tpu.vector_load %arg6[%parallel_loop3A_551, %parallel_loop3A_552] {strides = array<i32>} : memref<64x128xf32, #tpu.memory_space<vmem>>, vector<1x16xf32>,
        %parallel_loop3A_554 = vector.shape_cast %parallel_loop3A_553 : vector<1x16xf32> to vector<16xf32>
        %parallel_loop3A_555 = vector.shape_cast %parallel_loop3A_550 : vector<16xf32> to vector<1x16xf32>
        tpu.vector_store %arg6[%parallel_loop3A_551, %parallel_loop3A_552], %parallel_loop3A_555 {strides = array<i32>} : memref<64x128xf32, #tpu.memory_space<vmem>>, vector<1x16xf32>,
      } {sc.loop_unroll_factor = 2 : i64, sc.parallel_access}
      %sub3A_166 = arith.constant 1 : i32
      %sub3A_167 = arith.subi %add3A_156, %sub3A_166 : i32
      %add3A_168 = arith.constant 10 : i32
      %add3A_169 = arith.addi %sub3A_167, %add3A_168 : i32
      %ge3A = arith.constant 1 : i32
      %ge3A_170 = arith.cmpi sge, %add3A_156, %ge3A : i32
      %lt3A = arith.constant 100 : i32
      %lt3A_171 = arith.cmpi slt, %add3A_169, %lt3A : i32
      %and3A = arith.andi %ge3A_170, %lt3A_171 : i1
      %convert_element_type3A = arith.extui %and3A : i1 to i32
      %cond3A = arith.constant 0 : i32
      %cond3A_172 = arith.cmpi ne, %convert_element_type3A, %cond3A : i32
      scf.if %cond3A_172 {
        %add3A_459 = arith.constant 0 : i32
        %add3A_460 = arith.addi %mul3A_86, %add3A_459 : i32
        %dma_wait3A_461 = arith.constant 0 : i32
        %dma_wait3A_462 = tpu.memref_slice %arg4[%add3A_460, %dma_wait3A_461] : memref<204800x128xf32, #tpu.memory_space<hbm>> -> memref<64x128xf32, #tpu.memory_space<hbm>>
        %dma_wait3A_463 = arith.constant 0 : i32
        %dma_wait3A_464 = tpu.memref_slice %arg4[%add3A_460, %dma_wait3A_463] : memref<204800x128xf32, #tpu.memory_space<hbm>> -> memref<64x128xf32, #tpu.memory_space<hbm>>
        tpu.wait_dma2 semaphore(%arg35 : memref<!tpu.dma_semaphore, #tpu.memory_space<semaphore_mem>>) src(%arg15 : memref<64x128xf32, #tpu.memory_space<vmem>>) dst(%dma_wait3A_464 : memref<64x128xf32, #tpu.memory_space<hbm>>)
        %add3A_465 = arith.addi %sub3A_5, %add3A_169 : i32
        %dma_start3A_466 = arith.constant 0 : i32
        %dma_start3A_467 = tpu.memref_slice %arg5[%add3A_465, %dma_start3A_466] : memref<112x64xi32, #tpu.memory_space<vmem>> -> memref<1x64xi32, #tpu.memory_space<vmem>>
        %dma_start3A_468 = tpu.memref_squeeze %dma_start3A_467 : memref<1x64xi32, #tpu.memory_space<vmem>> -> memref<64xi32, #tpu.memory_space<vmem>>
        %dma_start3A_469 = arith.constant 0 : i32
        %dma_start3A_470 = arith.constant 0 : i32
        %dma_start3A_471 = tpu.memref_slice %arg2[%dma_start3A_469, %dma_start3A_470] : memref<100000x128xf32, #tpu.memory_space<hbm>> -> memref<100000x128xf32, #tpu.memory_space<hbm>>
        tpu.enqueue_indirect_dma source(%dma_start3A_471 : memref<100000x128xf32, #tpu.memory_space<hbm>>) target(%arg15 : memref<64x128xf32, #tpu.memory_space<vmem>>) offsets(%dma_start3A_468 : memref<64xi32, #tpu.memory_space<vmem>>) semaphore(%arg25 : memref<!tpu.dma_semaphore, #tpu.memory_space<semaphore_mem>>)
      } else {
      }
      %mul3A_173 = arith.constant 64 : i32
      %mul3A_174 = arith.muli %add3A_156, %mul3A_173 : i32
      %add3A_175 = arith.addi %mul3A_86, %mul3A_174 : i32
      %dma_start3A_176 = arith.constant 0 : i32
      %dma_start3A_177 = tpu.memref_slice %arg4[%add3A_175, %dma_start3A_176] : memref<204800x128xf32, #tpu.memory_space<hbm>> -> memref<64x128xf32, #tpu.memory_space<hbm>>
      %dma_start3A_178 = arith.constant 0 : i32
      %dma_start3A_179 = tpu.memref_slice %arg4[%add3A_175, %dma_start3A_178] : memref<204800x128xf32, #tpu.memory_space<hbm>> -> memref<64x128xf32, #tpu.memory_space<hbm>>
      tpu.enqueue_dma source(%arg6 : memref<64x128xf32, #tpu.memory_space<vmem>>) target(%dma_start3A_179 : memref<64x128xf32, #tpu.memory_space<hbm>>) target_semaphore(%arg26 : memref<!tpu.dma_semaphore, #tpu.memory_space<semaphore_mem>>)
      %add3A_180 = arith.constant 1 : i32
      %add3A_181 = arith.addi %add3A_154, %add3A_180 : i32
      %dma_wait3A_182 = arith.constant 0 : i32
      %dma_wait3A_183 = arith.constant 0 : i32
      %dma_wait3A_184 = tpu.memref_slice %arg5[%dma_wait3A_182, %dma_wait3A_183] : memref<112x64xi32, #tpu.memory_space<vmem>> -> memref<1x64xi32, #tpu.memory_space<vmem>>
      %dma_wait3A_185 = tpu.memref_squeeze %dma_wait3A_184 : memref<1x64xi32, #tpu.memory_space<vmem>> -> memref<64xi32, #tpu.memory_space<vmem>>
      %dma_wait3A_186 = arith.constant 0 : i32
      %dma_wait3A_187 = arith.constant 0 : i32
      %dma_wait3A_188 = tpu.memref_slice %arg2[%dma_wait3A_186, %dma_wait3A_187] : memref<100000x128xf32, #tpu.memory_space<hbm>> -> memref<100000x128xf32, #tpu.memory_space<hbm>>
      tpu.wait_indirect_dma semaphore(%arg17 : memref<!tpu.dma_semaphore, #tpu.memory_space<semaphore_mem>>) src(%dma_wait3A_188 : memref<100000x128xf32, #tpu.memory_space<hbm>>) dst(%arg7 : memref<64x128xf32, #tpu.memory_space<vmem>>)
      %parallel_loop3A_189 = arith.constant 0 : i32
      %parallel_loop3A_190 = arith.constant 64 : i32
      %parallel_loop3A_191 = arith.constant 1 : i32
      scf.for %parallel_loop3A_459 = %parallel_loop3A_189 to %parallel_loop3A_190 step %parallel_loop3A_191  : i32 {
        %parallel_loop3A_460 = arith.index_cast %parallel_loop3A_459 : i32 to index
        %parallel_loop3A_461 = arith.constant 0 : index
        %parallel_loop3A_462 = tpu.vector_load %arg7[%parallel_loop3A_460, %parallel_loop3A_461] {strides = array<i32>} : memref<64x128xf32, #tpu.memory_space<vmem>>, vector<1x16xf32>,
        %parallel_loop3A_463 = vector.shape_cast %parallel_loop3A_462 : vector<1x16xf32> to vector<16xf32>
        %parallel_loop3A_464 = arith.constant 11.3137083 : f32
        %parallel_loop3A_465 = vector.broadcast %parallel_loop3A_464 : f32 to vector<16xf32>
        %parallel_loop3A_466 = arith.mulf %parallel_loop3A_463, %parallel_loop3A_465 : vector<16xf32>
        %parallel_loop3A_467 = arith.index_cast %parallel_loop3A_459 : i32 to index
        %parallel_loop3A_468 = arith.constant 0 : index
        %parallel_loop3A_469 = tpu.vector_load %arg7[%parallel_loop3A_467, %parallel_loop3A_468] {strides = array<i32>} : memref<64x128xf32, #tpu.memory_space<vmem>>, vector<1x16xf32>,
        %parallel_loop3A_470 = vector.shape_cast %parallel_loop3A_469 : vector<1x16xf32> to vector<16xf32>
        %parallel_loop3A_471 = vector.shape_cast %parallel_loop3A_466 : vector<16xf32> to vector<1x16xf32>
        tpu.vector_store %arg7[%parallel_loop3A_467, %parallel_loop3A_468], %parallel_loop3A_471 {strides = array<i32>} : memref<64x128xf32, #tpu.memory_space<vmem>>, vector<1x16xf32>,
        %parallel_loop3A_472 = arith.index_cast %parallel_loop3A_459 : i32 to index
        %parallel_loop3A_473 = arith.constant 16 : index
        %parallel_loop3A_474 = tpu.vector_load %arg7[%parallel_loop3A_472, %parallel_loop3A_473] {strides = array<i32>} : memref<64x128xf32, #tpu.memory_space<vmem>>, vector<1x16xf32>,
        %parallel_loop3A_475 = vector.shape_cast %parallel_loop3A_474 : vector<1x16xf32> to vector<16xf32>
        %parallel_loop3A_476 = arith.constant 11.3137083 : f32
        %parallel_loop3A_477 = vector.broadcast %parallel_loop3A_476 : f32 to vector<16xf32>
        %parallel_loop3A_478 = arith.mulf %parallel_loop3A_475, %parallel_loop3A_477 : vector<16xf32>
        %parallel_loop3A_479 = arith.index_cast %parallel_loop3A_459 : i32 to index
        %parallel_loop3A_480 = arith.constant 16 : index
        %parallel_loop3A_481 = tpu.vector_load %arg7[%parallel_loop3A_479, %parallel_loop3A_480] {strides = array<i32>} : memref<64x128xf32, #tpu.memory_space<vmem>>, vector<1x16xf32>,
        %parallel_loop3A_482 = vector.shape_cast %parallel_loop3A_481 : vector<1x16xf32> to vector<16xf32>
        %parallel_loop3A_483 = vector.shape_cast %parallel_loop3A_478 : vector<16xf32> to vector<1x16xf32>
        tpu.vector_store %arg7[%parallel_loop3A_479, %parallel_loop3A_480], %parallel_loop3A_483 {strides = array<i32>} : memref<64x128xf32, #tpu.memory_space<vmem>>, vector<1x16xf32>,
        %parallel_loop3A_484 = arith.index_cast %parallel_loop3A_459 : i32 to index
        %parallel_loop3A_485 = arith.constant 32 : index
        %parallel_loop3A_486 = tpu.vector_load %arg7[%parallel_loop3A_484, %parallel_loop3A_485] {strides = array<i32>} : memref<64x128xf32, #tpu.memory_space<vmem>>, vector<1x16xf32>,
        %parallel_loop3A_487 = vector.shape_cast %parallel_loop3A_486 : vector<1x16xf32> to vector<16xf32>
        %parallel_loop3A_488 = arith.constant 11.3137083 : f32
        %parallel_loop3A_489 = vector.broadcast %parallel_loop3A_488 : f32 to vector<16xf32>
        %parallel_loop3A_490 = arith.mulf %parallel_loop3A_487, %parallel_loop3A_489 : vector<16xf32>
        %parallel_loop3A_491 = arith.index_cast %parallel_loop3A_459 : i32 to index
        %parallel_loop3A_492 = arith.constant 32 : index
        %parallel_loop3A_493 = tpu.vector_load %arg7[%parallel_loop3A_491, %parallel_loop3A_492] {strides = array<i32>} : memref<64x128xf32, #tpu.memory_space<vmem>>, vector<1x16xf32>,
        %parallel_loop3A_494 = vector.shape_cast %parallel_loop3A_493 : vector<1x16xf32> to vector<16xf32>
        %parallel_loop3A_495 = vector.shape_cast %parallel_loop3A_490 : vector<16xf32> to vector<1x16xf32>
        tpu.vector_store %arg7[%parallel_loop3A_491, %parallel_loop3A_492], %parallel_loop3A_495 {strides = array<i32>} : memref<64x128xf32, #tpu.memory_space<vmem>>, vector<1x16xf32>,
        %parallel_loop3A_496 = arith.index_cast %parallel_loop3A_459 : i32 to index
        %parallel_loop3A_497 = arith.constant 48 : index
        %parallel_loop3A_498 = tpu.vector_load %arg7[%parallel_loop3A_496, %parallel_loop3A_497] {strides = array<i32>} : memref<64x128xf32, #tpu.memory_space<vmem>>, vector<1x16xf32>,
        %parallel_loop3A_499 = vector.shape_cast %parallel_loop3A_498 : vector<1x16xf32> to vector<16xf32>
        %parallel_loop3A_500 = arith.constant 11.3137083 : f32
        %parallel_loop3A_501 = vector.broadcast %parallel_loop3A_500 : f32 to vector<16xf32>
        %parallel_loop3A_502 = arith.mulf %parallel_loop3A_499, %parallel_loop3A_501 : vector<16xf32>
        %parallel_loop3A_503 = arith.index_cast %parallel_loop3A_459 : i32 to index
        %parallel_loop3A_504 = arith.constant 48 : index
        %parallel_loop3A_505 = tpu.vector_load %arg7[%parallel_loop3A_503, %parallel_loop3A_504] {strides = array<i32>} : memref<64x128xf32, #tpu.memory_space<vmem>>, vector<1x16xf32>,
        %parallel_loop3A_506 = vector.shape_cast %parallel_loop3A_505 : vector<1x16xf32> to vector<16xf32>
        %parallel_loop3A_507 = vector.shape_cast %parallel_loop3A_502 : vector<16xf32> to vector<1x16xf32>
        tpu.vector_store %arg7[%parallel_loop3A_503, %parallel_loop3A_504], %parallel_loop3A_507 {strides = array<i32>} : memref<64x128xf32, #tpu.memory_space<vmem>>, vector<1x16xf32>,
        %parallel_loop3A_508 = arith.index_cast %parallel_loop3A_459 : i32 to index
        %parallel_loop3A_509 = arith.constant 64 : index
        %parallel_loop3A_510 = tpu.vector_load %arg7[%parallel_loop3A_508, %parallel_loop3A_509] {strides = array<i32>} : memref<64x128xf32, #tpu.memory_space<vmem>>, vector<1x16xf32>,
        %parallel_loop3A_511 = vector.shape_cast %parallel_loop3A_510 : vector<1x16xf32> to vector<16xf32>
        %parallel_loop3A_512 = arith.constant 11.3137083 : f32
        %parallel_loop3A_513 = vector.broadcast %parallel_loop3A_512 : f32 to vector<16xf32>
        %parallel_loop3A_514 = arith.mulf %parallel_loop3A_511, %parallel_loop3A_513 : vector<16xf32>
        %parallel_loop3A_515 = arith.index_cast %parallel_loop3A_459 : i32 to index
        %parallel_loop3A_516 = arith.constant 64 : index
        %parallel_loop3A_517 = tpu.vector_load %arg7[%parallel_loop3A_515, %parallel_loop3A_516] {strides = array<i32>} : memref<64x128xf32, #tpu.memory_space<vmem>>, vector<1x16xf32>,
        %parallel_loop3A_518 = vector.shape_cast %parallel_loop3A_517 : vector<1x16xf32> to vector<16xf32>
        %parallel_loop3A_519 = vector.shape_cast %parallel_loop3A_514 : vector<16xf32> to vector<1x16xf32>
        tpu.vector_store %arg7[%parallel_loop3A_515, %parallel_loop3A_516], %parallel_loop3A_519 {strides = array<i32>} : memref<64x128xf32, #tpu.memory_space<vmem>>, vector<1x16xf32>,
        %parallel_loop3A_520 = arith.index_cast %parallel_loop3A_459 : i32 to index
        %parallel_loop3A_521 = arith.constant 80 : index
        %parallel_loop3A_522 = tpu.vector_load %arg7[%parallel_loop3A_520, %parallel_loop3A_521] {strides = array<i32>} : memref<64x128xf32, #tpu.memory_space<vmem>>, vector<1x16xf32>,
        %parallel_loop3A_523 = vector.shape_cast %parallel_loop3A_522 : vector<1x16xf32> to vector<16xf32>
        %parallel_loop3A_524 = arith.constant 11.3137083 : f32
        %parallel_loop3A_525 = vector.broadcast %parallel_loop3A_524 : f32 to vector<16xf32>
        %parallel_loop3A_526 = arith.mulf %parallel_loop3A_523, %parallel_loop3A_525 : vector<16xf32>
        %parallel_loop3A_527 = arith.index_cast %parallel_loop3A_459 : i32 to index
        %parallel_loop3A_528 = arith.constant 80 : index
        %parallel_loop3A_529 = tpu.vector_load %arg7[%parallel_loop3A_527, %parallel_loop3A_528] {strides = array<i32>} : memref<64x128xf32, #tpu.memory_space<vmem>>, vector<1x16xf32>,
        %parallel_loop3A_530 = vector.shape_cast %parallel_loop3A_529 : vector<1x16xf32> to vector<16xf32>
        %parallel_loop3A_531 = vector.shape_cast %parallel_loop3A_526 : vector<16xf32> to vector<1x16xf32>
        tpu.vector_store %arg7[%parallel_loop3A_527, %parallel_loop3A_528], %parallel_loop3A_531 {strides = array<i32>} : memref<64x128xf32, #tpu.memory_space<vmem>>, vector<1x16xf32>,
        %parallel_loop3A_532 = arith.index_cast %parallel_loop3A_459 : i32 to index
        %parallel_loop3A_533 = arith.constant 96 : index
        %parallel_loop3A_534 = tpu.vector_load %arg7[%parallel_loop3A_532, %parallel_loop3A_533] {strides = array<i32>} : memref<64x128xf32, #tpu.memory_space<vmem>>, vector<1x16xf32>,
        %parallel_loop3A_535 = vector.shape_cast %parallel_loop3A_534 : vector<1x16xf32> to vector<16xf32>
        %parallel_loop3A_536 = arith.constant 11.3137083 : f32
        %parallel_loop3A_537 = vector.broadcast %parallel_loop3A_536 : f32 to vector<16xf32>
        %parallel_loop3A_538 = arith.mulf %parallel_loop3A_535, %parallel_loop3A_537 : vector<16xf32>
        %parallel_loop3A_539 = arith.index_cast %parallel_loop3A_459 : i32 to index
        %parallel_loop3A_540 = arith.constant 96 : index
        %parallel_loop3A_541 = tpu.vector_load %arg7[%parallel_loop3A_539, %parallel_loop3A_540] {strides = array<i32>} : memref<64x128xf32, #tpu.memory_space<vmem>>, vector<1x16xf32>,
        %parallel_loop3A_542 = vector.shape_cast %parallel_loop3A_541 : vector<1x16xf32> to vector<16xf32>
        %parallel_loop3A_543 = vector.shape_cast %parallel_loop3A_538 : vector<16xf32> to vector<1x16xf32>
        tpu.vector_store %arg7[%parallel_loop3A_539, %parallel_loop3A_540], %parallel_loop3A_543 {strides = array<i32>} : memref<64x128xf32, #tpu.memory_space<vmem>>, vector<1x16xf32>,
        %parallel_loop3A_544 = arith.index_cast %parallel_loop3A_459 : i32 to index
        %parallel_loop3A_545 = arith.constant 112 : index
        %parallel_loop3A_546 = tpu.vector_load %arg7[%parallel_loop3A_544, %parallel_loop3A_545] {strides = array<i32>} : memref<64x128xf32, #tpu.memory_space<vmem>>, vector<1x16xf32>,
        %parallel_loop3A_547 = vector.shape_cast %parallel_loop3A_546 : vector<1x16xf32> to vector<16xf32>
        %parallel_loop3A_548 = arith.constant 11.3137083 : f32
        %parallel_loop3A_549 = vector.broadcast %parallel_loop3A_548 : f32 to vector<16xf32>
        %parallel_loop3A_550 = arith.mulf %parallel_loop3A_547, %parallel_loop3A_549 : vector<16xf32>
        %parallel_loop3A_551 = arith.index_cast %parallel_loop3A_459 : i32 to index
        %parallel_loop3A_552 = arith.constant 112 : index
        %parallel_loop3A_553 = tpu.vector_load %arg7[%parallel_loop3A_551, %parallel_loop3A_552] {strides = array<i32>} : memref<64x128xf32, #tpu.memory_space<vmem>>, vector<1x16xf32>,
        %parallel_loop3A_554 = vector.shape_cast %parallel_loop3A_553 : vector<1x16xf32> to vector<16xf32>
        %parallel_loop3A_555 = vector.shape_cast %parallel_loop3A_550 : vector<16xf32> to vector<1x16xf32>
        tpu.vector_store %arg7[%parallel_loop3A_551, %parallel_loop3A_552], %parallel_loop3A_555 {strides = array<i32>} : memref<64x128xf32, #tpu.memory_space<vmem>>, vector<1x16xf32>,
      } {sc.loop_unroll_factor = 2 : i64, sc.parallel_access}
      %sub3A_192 = arith.constant 1 : i32
      %sub3A_193 = arith.subi %add3A_181, %sub3A_192 : i32
      %add3A_194 = arith.constant 10 : i32
      %add3A_195 = arith.addi %sub3A_193, %add3A_194 : i32
      %ge3A_196 = arith.constant 1 : i32
      %ge3A_197 = arith.cmpi sge, %add3A_181, %ge3A_196 : i32
      %lt3A_198 = arith.constant 100 : i32
      %lt3A_199 = arith.cmpi slt, %add3A_195, %lt3A_198 : i32
      %and3A_200 = arith.andi %ge3A_197, %lt3A_199 : i1
      %convert_element_type3A_201 = arith.extui %and3A_200 : i1 to i32
      %cond3A_202 = arith.constant 0 : i32
      %cond3A_203 = arith.cmpi ne, %convert_element_type3A_201, %cond3A_202 : i32
      scf.if %cond3A_203 {
        %add3A_459 = arith.constant 0 : i32
        %add3A_460 = arith.addi %mul3A_86, %add3A_459 : i32
        %dma_wait3A_461 = arith.constant 0 : i32
        %dma_wait3A_462 = tpu.memref_slice %arg4[%add3A_460, %dma_wait3A_461] : memref<204800x128xf32, #tpu.memory_space<hbm>> -> memref<64x128xf32, #tpu.memory_space<hbm>>
        %dma_wait3A_463 = arith.constant 0 : i32
        %dma_wait3A_464 = tpu.memref_slice %arg4[%add3A_460, %dma_wait3A_463] : memref<204800x128xf32, #tpu.memory_space<hbm>> -> memref<64x128xf32, #tpu.memory_space<hbm>>
        tpu.wait_dma2 semaphore(%arg26 : memref<!tpu.dma_semaphore, #tpu.memory_space<semaphore_mem>>) src(%arg6 : memref<64x128xf32, #tpu.memory_space<vmem>>) dst(%dma_wait3A_464 : memref<64x128xf32, #tpu.memory_space<hbm>>)
        %add3A_465 = arith.addi %sub3A_5, %add3A_195 : i32
        %dma_start3A_466 = arith.constant 0 : i32
        %dma_start3A_467 = tpu.memref_slice %arg5[%add3A_465, %dma_start3A_466] : memref<112x64xi32, #tpu.memory_space<vmem>> -> memref<1x64xi32, #tpu.memory_space<vmem>>
        %dma_start3A_468 = tpu.memref_squeeze %dma_start3A_467 : memref<1x64xi32, #tpu.memory_space<vmem>> -> memref<64xi32, #tpu.memory_space<vmem>>
        %dma_start3A_469 = arith.constant 0 : i32
        %dma_start3A_470 = arith.constant 0 : i32
        %dma_start3A_471 = tpu.memref_slice %arg2[%dma_start3A_469, %dma_start3A_470] : memref<100000x128xf32, #tpu.memory_space<hbm>> -> memref<100000x128xf32, #tpu.memory_space<hbm>>
        tpu.enqueue_indirect_dma source(%dma_start3A_471 : memref<100000x128xf32, #tpu.memory_space<hbm>>) target(%arg6 : memref<64x128xf32, #tpu.memory_space<vmem>>) offsets(%dma_start3A_468 : memref<64xi32, #tpu.memory_space<vmem>>) semaphore(%arg16 : memref<!tpu.dma_semaphore, #tpu.memory_space<semaphore_mem>>)
      } else {
      }
      %mul3A_204 = arith.constant 64 : i32
      %mul3A_205 = arith.muli %add3A_181, %mul3A_204 : i32
      %add3A_206 = arith.addi %mul3A_86, %mul3A_205 : i32
      %dma_start3A_207 = arith.constant 0 : i32
      %dma_start3A_208 = tpu.memref_slice %arg4[%add3A_206, %dma_start3A_207] : memref<204800x128xf32, #tpu.memory_space<hbm>> -> memref<64x128xf32, #tpu.memory_space<hbm>>
      %dma_start3A_209 = arith.constant 0 : i32
      %dma_start3A_210 = tpu.memref_slice %arg4[%add3A_206, %dma_start3A_209] : memref<204800x128xf32, #tpu.memory_space<hbm>> -> memref<64x128xf32, #tpu.memory_space<hbm>>
      tpu.enqueue_dma source(%arg7 : memref<64x128xf32, #tpu.memory_space<vmem>>) target(%dma_start3A_210 : memref<64x128xf32, #tpu.memory_space<hbm>>) target_semaphore(%arg27 : memref<!tpu.dma_semaphore, #tpu.memory_space<semaphore_mem>>)
      %add3A_211 = arith.constant 2 : i32
      %add3A_212 = arith.addi %add3A_154, %add3A_211 : i32
      %dma_wait3A_213 = arith.constant 0 : i32
      %dma_wait3A_214 = arith.constant 0 : i32
      %dma_wait3A_215 = tpu.memref_slice %arg5[%dma_wait3A_213, %dma_wait3A_214] : memref<112x64xi32, #tpu.memory_space<vmem>> -> memref<1x64xi32, #tpu.memory_space<vmem>>
      %dma_wait3A_216 = tpu.memref_squeeze %dma_wait3A_215 : memref<1x64xi32, #tpu.memory_space<vmem>> -> memref<64xi32, #tpu.memory_space<vmem>>
      %dma_wait3A_217 = arith.constant 0 : i32
      %dma_wait3A_218 = arith.constant 0 : i32
      %dma_wait3A_219 = tpu.memref_slice %arg2[%dma_wait3A_217, %dma_wait3A_218] : memref<100000x128xf32, #tpu.memory_space<hbm>> -> memref<100000x128xf32, #tpu.memory_space<hbm>>
      tpu.wait_indirect_dma semaphore(%arg18 : memref<!tpu.dma_semaphore, #tpu.memory_space<semaphore_mem>>) src(%dma_wait3A_219 : memref<100000x128xf32, #tpu.memory_space<hbm>>) dst(%arg8 : memref<64x128xf32, #tpu.memory_space<vmem>>)
      %parallel_loop3A_220 = arith.constant 0 : i32
      %parallel_loop3A_221 = arith.constant 64 : i32
      %parallel_loop3A_222 = arith.constant 1 : i32
      scf.for %parallel_loop3A_459 = %parallel_loop3A_220 to %parallel_loop3A_221 step %parallel_loop3A_222  : i32 {
        %parallel_loop3A_460 = arith.index_cast %parallel_loop3A_459 : i32 to index
        %parallel_loop3A_461 = arith.constant 0 : index
        %parallel_loop3A_462 = tpu.vector_load %arg8[%parallel_loop3A_460, %parallel_loop3A_461] {strides = array<i32>} : memref<64x128xf32, #tpu.memory_space<vmem>>, vector<1x16xf32>,
        %parallel_loop3A_463 = vector.shape_cast %parallel_loop3A_462 : vector<1x16xf32> to vector<16xf32>
        %parallel_loop3A_464 = arith.constant 11.3137083 : f32
        %parallel_loop3A_465 = vector.broadcast %parallel_loop3A_464 : f32 to vector<16xf32>
        %parallel_loop3A_466 = arith.mulf %parallel_loop3A_463, %parallel_loop3A_465 : vector<16xf32>
        %parallel_loop3A_467 = arith.index_cast %parallel_loop3A_459 : i32 to index
        %parallel_loop3A_468 = arith.constant 0 : index
        %parallel_loop3A_469 = tpu.vector_load %arg8[%parallel_loop3A_467, %parallel_loop3A_468] {strides = array<i32>} : memref<64x128xf32, #tpu.memory_space<vmem>>, vector<1x16xf32>,
        %parallel_loop3A_470 = vector.shape_cast %parallel_loop3A_469 : vector<1x16xf32> to vector<16xf32>
        %parallel_loop3A_471 = vector.shape_cast %parallel_loop3A_466 : vector<16xf32> to vector<1x16xf32>
        tpu.vector_store %arg8[%parallel_loop3A_467, %parallel_loop3A_468], %parallel_loop3A_471 {strides = array<i32>} : memref<64x128xf32, #tpu.memory_space<vmem>>, vector<1x16xf32>,
        %parallel_loop3A_472 = arith.index_cast %parallel_loop3A_459 : i32 to index
        %parallel_loop3A_473 = arith.constant 16 : index
        %parallel_loop3A_474 = tpu.vector_load %arg8[%parallel_loop3A_472, %parallel_loop3A_473] {strides = array<i32>} : memref<64x128xf32, #tpu.memory_space<vmem>>, vector<1x16xf32>,
        %parallel_loop3A_475 = vector.shape_cast %parallel_loop3A_474 : vector<1x16xf32> to vector<16xf32>
        %parallel_loop3A_476 = arith.constant 11.3137083 : f32
        %parallel_loop3A_477 = vector.broadcast %parallel_loop3A_476 : f32 to vector<16xf32>
        %parallel_loop3A_478 = arith.mulf %parallel_loop3A_475, %parallel_loop3A_477 : vector<16xf32>
        %parallel_loop3A_479 = arith.index_cast %parallel_loop3A_459 : i32 to index
        %parallel_loop3A_480 = arith.constant 16 : index
        %parallel_loop3A_481 = tpu.vector_load %arg8[%parallel_loop3A_479, %parallel_loop3A_480] {strides = array<i32>} : memref<64x128xf32, #tpu.memory_space<vmem>>, vector<1x16xf32>,
        %parallel_loop3A_482 = vector.shape_cast %parallel_loop3A_481 : vector<1x16xf32> to vector<16xf32>
        %parallel_loop3A_483 = vector.shape_cast %parallel_loop3A_478 : vector<16xf32> to vector<1x16xf32>
        tpu.vector_store %arg8[%parallel_loop3A_479, %parallel_loop3A_480], %parallel_loop3A_483 {strides = array<i32>} : memref<64x128xf32, #tpu.memory_space<vmem>>, vector<1x16xf32>,
        %parallel_loop3A_484 = arith.index_cast %parallel_loop3A_459 : i32 to index
        %parallel_loop3A_485 = arith.constant 32 : index
        %parallel_loop3A_486 = tpu.vector_load %arg8[%parallel_loop3A_484, %parallel_loop3A_485] {strides = array<i32>} : memref<64x128xf32, #tpu.memory_space<vmem>>, vector<1x16xf32>,
        %parallel_loop3A_487 = vector.shape_cast %parallel_loop3A_486 : vector<1x16xf32> to vector<16xf32>
        %parallel_loop3A_488 = arith.constant 11.3137083 : f32
        %parallel_loop3A_489 = vector.broadcast %parallel_loop3A_488 : f32 to vector<16xf32>
        %parallel_loop3A_490 = arith.mulf %parallel_loop3A_487, %parallel_loop3A_489 : vector<16xf32>
        %parallel_loop3A_491 = arith.index_cast %parallel_loop3A_459 : i32 to index
        %parallel_loop3A_492 = arith.constant 32 : index
        %parallel_loop3A_493 = tpu.vector_load %arg8[%parallel_loop3A_491, %parallel_loop3A_492] {strides = array<i32>} : memref<64x128xf32, #tpu.memory_space<vmem>>, vector<1x16xf32>,
        %parallel_loop3A_494 = vector.shape_cast %parallel_loop3A_493 : vector<1x16xf32> to vector<16xf32>
        %parallel_loop3A_495 = vector.shape_cast %parallel_loop3A_490 : vector<16xf32> to vector<1x16xf32>
        tpu.vector_store %arg8[%parallel_loop3A_491, %parallel_loop3A_492], %parallel_loop3A_495 {strides = array<i32>} : memref<64x128xf32, #tpu.memory_space<vmem>>, vector<1x16xf32>,
        %parallel_loop3A_496 = arith.index_cast %parallel_loop3A_459 : i32 to index
        %parallel_loop3A_497 = arith.constant 48 : index
        %parallel_loop3A_498 = tpu.vector_load %arg8[%parallel_loop3A_496, %parallel_loop3A_497] {strides = array<i32>} : memref<64x128xf32, #tpu.memory_space<vmem>>, vector<1x16xf32>,
        %parallel_loop3A_499 = vector.shape_cast %parallel_loop3A_498 : vector<1x16xf32> to vector<16xf32>
        %parallel_loop3A_500 = arith.constant 11.3137083 : f32
        %parallel_loop3A_501 = vector.broadcast %parallel_loop3A_500 : f32 to vector<16xf32>
        %parallel_loop3A_502 = arith.mulf %parallel_loop3A_499, %parallel_loop3A_501 : vector<16xf32>
        %parallel_loop3A_503 = arith.index_cast %parallel_loop3A_459 : i32 to index
        %parallel_loop3A_504 = arith.constant 48 : index
        %parallel_loop3A_505 = tpu.vector_load %arg8[%parallel_loop3A_503, %parallel_loop3A_504] {strides = array<i32>} : memref<64x128xf32, #tpu.memory_space<vmem>>, vector<1x16xf32>,
        %parallel_loop3A_506 = vector.shape_cast %parallel_loop3A_505 : vector<1x16xf32> to vector<16xf32>
        %parallel_loop3A_507 = vector.shape_cast %parallel_loop3A_502 : vector<16xf32> to vector<1x16xf32>
        tpu.vector_store %arg8[%parallel_loop3A_503, %parallel_loop3A_504], %parallel_loop3A_507 {strides = array<i32>} : memref<64x128xf32, #tpu.memory_space<vmem>>, vector<1x16xf32>,
        %parallel_loop3A_508 = arith.index_cast %parallel_loop3A_459 : i32 to index
        %parallel_loop3A_509 = arith.constant 64 : index
        %parallel_loop3A_510 = tpu.vector_load %arg8[%parallel_loop3A_508, %parallel_loop3A_509] {strides = array<i32>} : memref<64x128xf32, #tpu.memory_space<vmem>>, vector<1x16xf32>,
        %parallel_loop3A_511 = vector.shape_cast %parallel_loop3A_510 : vector<1x16xf32> to vector<16xf32>
        %parallel_loop3A_512 = arith.constant 11.3137083 : f32
        %parallel_loop3A_513 = vector.broadcast %parallel_loop3A_512 : f32 to vector<16xf32>
        %parallel_loop3A_514 = arith.mulf %parallel_loop3A_511, %parallel_loop3A_513 : vector<16xf32>
        %parallel_loop3A_515 = arith.index_cast %parallel_loop3A_459 : i32 to index
        %parallel_loop3A_516 = arith.constant 64 : index
        %parallel_loop3A_517 = tpu.vector_load %arg8[%parallel_loop3A_515, %parallel_loop3A_516] {strides = array<i32>} : memref<64x128xf32, #tpu.memory_space<vmem>>, vector<1x16xf32>,
        %parallel_loop3A_518 = vector.shape_cast %parallel_loop3A_517 : vector<1x16xf32> to vector<16xf32>
        %parallel_loop3A_519 = vector.shape_cast %parallel_loop3A_514 : vector<16xf32> to vector<1x16xf32>
        tpu.vector_store %arg8[%parallel_loop3A_515, %parallel_loop3A_516], %parallel_loop3A_519 {strides = array<i32>} : memref<64x128xf32, #tpu.memory_space<vmem>>, vector<1x16xf32>,
        %parallel_loop3A_520 = arith.index_cast %parallel_loop3A_459 : i32 to index
        %parallel_loop3A_521 = arith.constant 80 : index
        %parallel_loop3A_522 = tpu.vector_load %arg8[%parallel_loop3A_520, %parallel_loop3A_521] {strides = array<i32>} : memref<64x128xf32, #tpu.memory_space<vmem>>, vector<1x16xf32>,
        %parallel_loop3A_523 = vector.shape_cast %parallel_loop3A_522 : vector<1x16xf32> to vector<16xf32>
        %parallel_loop3A_524 = arith.constant 11.3137083 : f32
        %parallel_loop3A_525 = vector.broadcast %parallel_loop3A_524 : f32 to vector<16xf32>
        %parallel_loop3A_526 = arith.mulf %parallel_loop3A_523, %parallel_loop3A_525 : vector<16xf32>
        %parallel_loop3A_527 = arith.index_cast %parallel_loop3A_459 : i32 to index
        %parallel_loop3A_528 = arith.constant 80 : index
        %parallel_loop3A_529 = tpu.vector_load %arg8[%parallel_loop3A_527, %parallel_loop3A_528] {strides = array<i32>} : memref<64x128xf32, #tpu.memory_space<vmem>>, vector<1x16xf32>,
        %parallel_loop3A_530 = vector.shape_cast %parallel_loop3A_529 : vector<1x16xf32> to vector<16xf32>
        %parallel_loop3A_531 = vector.shape_cast %parallel_loop3A_526 : vector<16xf32> to vector<1x16xf32>
        tpu.vector_store %arg8[%parallel_loop3A_527, %parallel_loop3A_528], %parallel_loop3A_531 {strides = array<i32>} : memref<64x128xf32, #tpu.memory_space<vmem>>, vector<1x16xf32>,
        %parallel_loop3A_532 = arith.index_cast %parallel_loop3A_459 : i32 to index
        %parallel_loop3A_533 = arith.constant 96 : index
        %parallel_loop3A_534 = tpu.vector_load %arg8[%parallel_loop3A_532, %parallel_loop3A_533] {strides = array<i32>} : memref<64x128xf32, #tpu.memory_space<vmem>>, vector<1x16xf32>,
        %parallel_loop3A_535 = vector.shape_cast %parallel_loop3A_534 : vector<1x16xf32> to vector<16xf32>
        %parallel_loop3A_536 = arith.constant 11.3137083 : f32
        %parallel_loop3A_537 = vector.broadcast %parallel_loop3A_536 : f32 to vector<16xf32>
        %parallel_loop3A_538 = arith.mulf %parallel_loop3A_535, %parallel_loop3A_537 : vector<16xf32>
        %parallel_loop3A_539 = arith.index_cast %parallel_loop3A_459 : i32 to index
        %parallel_loop3A_540 = arith.constant 96 : index
        %parallel_loop3A_541 = tpu.vector_load %arg8[%parallel_loop3A_539, %parallel_loop3A_540] {strides = array<i32>} : memref<64x128xf32, #tpu.memory_space<vmem>>, vector<1x16xf32>,
        %parallel_loop3A_542 = vector.shape_cast %parallel_loop3A_541 : vector<1x16xf32> to vector<16xf32>
        %parallel_loop3A_543 = vector.shape_cast %parallel_loop3A_538 : vector<16xf32> to vector<1x16xf32>
        tpu.vector_store %arg8[%parallel_loop3A_539, %parallel_loop3A_540], %parallel_loop3A_543 {strides = array<i32>} : memref<64x128xf32, #tpu.memory_space<vmem>>, vector<1x16xf32>,
        %parallel_loop3A_544 = arith.index_cast %parallel_loop3A_459 : i32 to index
        %parallel_loop3A_545 = arith.constant 112 : index
        %parallel_loop3A_546 = tpu.vector_load %arg8[%parallel_loop3A_544, %parallel_loop3A_545] {strides = array<i32>} : memref<64x128xf32, #tpu.memory_space<vmem>>, vector<1x16xf32>,
        %parallel_loop3A_547 = vector.shape_cast %parallel_loop3A_546 : vector<1x16xf32> to vector<16xf32>
        %parallel_loop3A_548 = arith.constant 11.3137083 : f32
        %parallel_loop3A_549 = vector.broadcast %parallel_loop3A_548 : f32 to vector<16xf32>
        %parallel_loop3A_550 = arith.mulf %parallel_loop3A_547, %parallel_loop3A_549 : vector<16xf32>
        %parallel_loop3A_551 = arith.index_cast %parallel_loop3A_459 : i32 to index
        %parallel_loop3A_552 = arith.constant 112 : index
        %parallel_loop3A_553 = tpu.vector_load %arg8[%parallel_loop3A_551, %parallel_loop3A_552] {strides = array<i32>} : memref<64x128xf32, #tpu.memory_space<vmem>>, vector<1x16xf32>,
        %parallel_loop3A_554 = vector.shape_cast %parallel_loop3A_553 : vector<1x16xf32> to vector<16xf32>
        %parallel_loop3A_555 = vector.shape_cast %parallel_loop3A_550 : vector<16xf32> to vector<1x16xf32>
        tpu.vector_store %arg8[%parallel_loop3A_551, %parallel_loop3A_552], %parallel_loop3A_555 {strides = array<i32>} : memref<64x128xf32, #tpu.memory_space<vmem>>, vector<1x16xf32>,
      } {sc.loop_unroll_factor = 2 : i64, sc.parallel_access}
      %sub3A_223 = arith.constant 1 : i32
      %sub3A_224 = arith.subi %add3A_212, %sub3A_223 : i32
      %add3A_225 = arith.constant 10 : i32
      %add3A_226 = arith.addi %sub3A_224, %add3A_225 : i32
      %ge3A_227 = arith.constant 1 : i32
      %ge3A_228 = arith.cmpi sge, %add3A_212, %ge3A_227 : i32
      %lt3A_229 = arith.constant 100 : i32
      %lt3A_230 = arith.cmpi slt, %add3A_226, %lt3A_229 : i32
      %and3A_231 = arith.andi %ge3A_228, %lt3A_230 : i1
      %convert_element_type3A_232 = arith.extui %and3A_231 : i1 to i32
      %cond3A_233 = arith.constant 0 : i32
      %cond3A_234 = arith.cmpi ne, %convert_element_type3A_232, %cond3A_233 : i32
      scf.if %cond3A_234 {
        %add3A_459 = arith.constant 0 : i32
        %add3A_460 = arith.addi %mul3A_86, %add3A_459 : i32
        %dma_wait3A_461 = arith.constant 0 : i32
        %dma_wait3A_462 = tpu.memref_slice %arg4[%add3A_460, %dma_wait3A_461] : memref<204800x128xf32, #tpu.memory_space<hbm>> -> memref<64x128xf32, #tpu.memory_space<hbm>>
        %dma_wait3A_463 = arith.constant 0 : i32
        %dma_wait3A_464 = tpu.memref_slice %arg4[%add3A_460, %dma_wait3A_463] : memref<204800x128xf32, #tpu.memory_space<hbm>> -> memref<64x128xf32, #tpu.memory_space<hbm>>
        tpu.wait_dma2 semaphore(%arg27 : memref<!tpu.dma_semaphore, #tpu.memory_space<semaphore_mem>>) src(%arg7 : memref<64x128xf32, #tpu.memory_space<vmem>>) dst(%dma_wait3A_464 : memref<64x128xf32, #tpu.memory_space<hbm>>)
        %add3A_465 = arith.addi %sub3A_5, %add3A_226 : i32
        %dma_start3A_466 = arith.constant 0 : i32
        %dma_start3A_467 = tpu.memref_slice %arg5[%add3A_465, %dma_start3A_466] : memref<112x64xi32, #tpu.memory_space<vmem>> -> memref<1x64xi32, #tpu.memory_space<vmem>>
        %dma_start3A_468 = tpu.memref_squeeze %dma_start3A_467 : memref<1x64xi32, #tpu.memory_space<vmem>> -> memref<64xi32, #tpu.memory_space<vmem>>
        %dma_start3A_469 = arith.constant 0 : i32
        %dma_start3A_470 = arith.constant 0 : i32
        %dma_start3A_471 = tpu.memref_slice %arg2[%dma_start3A_469, %dma_start3A_470] : memref<100000x128xf32, #tpu.memory_space<hbm>> -> memref<100000x128xf32, #tpu.memory_space<hbm>>
        tpu.enqueue_indirect_dma source(%dma_start3A_471 : memref<100000x128xf32, #tpu.memory_space<hbm>>) target(%arg7 : memref<64x128xf32, #tpu.memory_space<vmem>>) offsets(%dma_start3A_468 : memref<64xi32, #tpu.memory_space<vmem>>) semaphore(%arg17 : memref<!tpu.dma_semaphore, #tpu.memory_space<semaphore_mem>>)
      } else {
      }
      %mul3A_235 = arith.constant 64 : i32
      %mul3A_236 = arith.muli %add3A_212, %mul3A_235 : i32
      %add3A_237 = arith.addi %mul3A_86, %mul3A_236 : i32
      %dma_start3A_238 = arith.constant 0 : i32
      %dma_start3A_239 = tpu.memref_slice %arg4[%add3A_237, %dma_start3A_238] : memref<204800x128xf32, #tpu.memory_space<hbm>> -> memref<64x128xf32, #tpu.memory_space<hbm>>
      %dma_start3A_240 = arith.constant 0 : i32
      %dma_start3A_241 = tpu.memref_slice %arg4[%add3A_237, %dma_start3A_240] : memref<204800x128xf32, #tpu.memory_space<hbm>> -> memref<64x128xf32, #tpu.memory_space<hbm>>
      tpu.enqueue_dma source(%arg8 : memref<64x128xf32, #tpu.memory_space<vmem>>) target(%dma_start3A_241 : memref<64x128xf32, #tpu.memory_space<hbm>>) target_semaphore(%arg28 : memref<!tpu.dma_semaphore, #tpu.memory_space<semaphore_mem>>)
      %add3A_242 = arith.constant 3 : i32
      %add3A_243 = arith.addi %add3A_154, %add3A_242 : i32
      %dma_wait3A_244 = arith.constant 0 : i32
      %dma_wait3A_245 = arith.constant 0 : i32
      %dma_wait3A_246 = tpu.memref_slice %arg5[%dma_wait3A_244, %dma_wait3A_245] : memref<112x64xi32, #tpu.memory_space<vmem>> -> memref<1x64xi32, #tpu.memory_space<vmem>>
      %dma_wait3A_247 = tpu.memref_squeeze %dma_wait3A_246 : memref<1x64xi32, #tpu.memory_space<vmem>> -> memref<64xi32, #tpu.memory_space<vmem>>
      %dma_wait3A_248 = arith.constant 0 : i32
      %dma_wait3A_249 = arith.constant 0 : i32
      %dma_wait3A_250 = tpu.memref_slice %arg2[%dma_wait3A_248, %dma_wait3A_249] : memref<100000x128xf32, #tpu.memory_space<hbm>> -> memref<100000x128xf32, #tpu.memory_space<hbm>>
      tpu.wait_indirect_dma semaphore(%arg19 : memref<!tpu.dma_semaphore, #tpu.memory_space<semaphore_mem>>) src(%dma_wait3A_250 : memref<100000x128xf32, #tpu.memory_space<hbm>>) dst(%arg9 : memref<64x128xf32, #tpu.memory_space<vmem>>)
      %parallel_loop3A_251 = arith.constant 0 : i32
      %parallel_loop3A_252 = arith.constant 64 : i32
      %parallel_loop3A_253 = arith.constant 1 : i32
      scf.for %parallel_loop3A_459 = %parallel_loop3A_251 to %parallel_loop3A_252 step %parallel_loop3A_253  : i32 {
        %parallel_loop3A_460 = arith.index_cast %parallel_loop3A_459 : i32 to index
        %parallel_loop3A_461 = arith.constant 0 : index
        %parallel_loop3A_462 = tpu.vector_load %arg9[%parallel_loop3A_460, %parallel_loop3A_461] {strides = array<i32>} : memref<64x128xf32, #tpu.memory_space<vmem>>, vector<1x16xf32>,
        %parallel_loop3A_463 = vector.shape_cast %parallel_loop3A_462 : vector<1x16xf32> to vector<16xf32>
        %parallel_loop3A_464 = arith.constant 11.3137083 : f32
        %parallel_loop3A_465 = vector.broadcast %parallel_loop3A_464 : f32 to vector<16xf32>
        %parallel_loop3A_466 = arith.mulf %parallel_loop3A_463, %parallel_loop3A_465 : vector<16xf32>
        %parallel_loop3A_467 = arith.index_cast %parallel_loop3A_459 : i32 to index
        %parallel_loop3A_468 = arith.constant 0 : index
        %parallel_loop3A_469 = tpu.vector_load %arg9[%parallel_loop3A_467, %parallel_loop3A_468] {strides = array<i32>} : memref<64x128xf32, #tpu.memory_space<vmem>>, vector<1x16xf32>,
        %parallel_loop3A_470 = vector.shape_cast %parallel_loop3A_469 : vector<1x16xf32> to vector<16xf32>
        %parallel_loop3A_471 = vector.shape_cast %parallel_loop3A_466 : vector<16xf32> to vector<1x16xf32>
        tpu.vector_store %arg9[%parallel_loop3A_467, %parallel_loop3A_468], %parallel_loop3A_471 {strides = array<i32>} : memref<64x128xf32, #tpu.memory_space<vmem>>, vector<1x16xf32>,
        %parallel_loop3A_472 = arith.index_cast %parallel_loop3A_459 : i32 to index
        %parallel_loop3A_473 = arith.constant 16 : index
        %parallel_loop3A_474 = tpu.vector_load %arg9[%parallel_loop3A_472, %parallel_loop3A_473] {strides = array<i32>} : memref<64x128xf32, #tpu.memory_space<vmem>>, vector<1x16xf32>,
        %parallel_loop3A_475 = vector.shape_cast %parallel_loop3A_474 : vector<1x16xf32> to vector<16xf32>
        %parallel_loop3A_476 = arith.constant 11.3137083 : f32
        %parallel_loop3A_477 = vector.broadcast %parallel_loop3A_476 : f32 to vector<16xf32>
        %parallel_loop3A_478 = arith.mulf %parallel_loop3A_475, %parallel_loop3A_477 : vector<16xf32>
        %parallel_loop3A_479 = arith.index_cast %parallel_loop3A_459 : i32 to index
        %parallel_loop3A_480 = arith.constant 16 : index
        %parallel_loop3A_481 = tpu.vector_load %arg9[%parallel_loop3A_479, %parallel_loop3A_480] {strides = array<i32>} : memref<64x128xf32, #tpu.memory_space<vmem>>, vector<1x16xf32>,
        %parallel_loop3A_482 = vector.shape_cast %parallel_loop3A_481 : vector<1x16xf32> to vector<16xf32>
        %parallel_loop3A_483 = vector.shape_cast %parallel_loop3A_478 : vector<16xf32> to vector<1x16xf32>
        tpu.vector_store %arg9[%parallel_loop3A_479, %parallel_loop3A_480], %parallel_loop3A_483 {strides = array<i32>} : memref<64x128xf32, #tpu.memory_space<vmem>>, vector<1x16xf32>,
        %parallel_loop3A_484 = arith.index_cast %parallel_loop3A_459 : i32 to index
        %parallel_loop3A_485 = arith.constant 32 : index
        %parallel_loop3A_486 = tpu.vector_load %arg9[%parallel_loop3A_484, %parallel_loop3A_485] {strides = array<i32>} : memref<64x128xf32, #tpu.memory_space<vmem>>, vector<1x16xf32>,
        %parallel_loop3A_487 = vector.shape_cast %parallel_loop3A_486 : vector<1x16xf32> to vector<16xf32>
        %parallel_loop3A_488 = arith.constant 11.3137083 : f32
        %parallel_loop3A_489 = vector.broadcast %parallel_loop3A_488 : f32 to vector<16xf32>
        %parallel_loop3A_490 = arith.mulf %parallel_loop3A_487, %parallel_loop3A_489 : vector<16xf32>
        %parallel_loop3A_491 = arith.index_cast %parallel_loop3A_459 : i32 to index
        %parallel_loop3A_492 = arith.constant 32 : index
        %parallel_loop3A_493 = tpu.vector_load %arg9[%parallel_loop3A_491, %parallel_loop3A_492] {strides = array<i32>} : memref<64x128xf32, #tpu.memory_space<vmem>>, vector<1x16xf32>,
        %parallel_loop3A_494 = vector.shape_cast %parallel_loop3A_493 : vector<1x16xf32> to vector<16xf32>
        %parallel_loop3A_495 = vector.shape_cast %parallel_loop3A_490 : vector<16xf32> to vector<1x16xf32>
        tpu.vector_store %arg9[%parallel_loop3A_491, %parallel_loop3A_492], %parallel_loop3A_495 {strides = array<i32>} : memref<64x128xf32, #tpu.memory_space<vmem>>, vector<1x16xf32>,
        %parallel_loop3A_496 = arith.index_cast %parallel_loop3A_459 : i32 to index
        %parallel_loop3A_497 = arith.constant 48 : index
        %parallel_loop3A_498 = tpu.vector_load %arg9[%parallel_loop3A_496, %parallel_loop3A_497] {strides = array<i32>} : memref<64x128xf32, #tpu.memory_space<vmem>>, vector<1x16xf32>,
        %parallel_loop3A_499 = vector.shape_cast %parallel_loop3A_498 : vector<1x16xf32> to vector<16xf32>
        %parallel_loop3A_500 = arith.constant 11.3137083 : f32
        %parallel_loop3A_501 = vector.broadcast %parallel_loop3A_500 : f32 to vector<16xf32>
        %parallel_loop3A_502 = arith.mulf %parallel_loop3A_499, %parallel_loop3A_501 : vector<16xf32>
        %parallel_loop3A_503 = arith.index_cast %parallel_loop3A_459 : i32 to index
        %parallel_loop3A_504 = arith.constant 48 : index
        %parallel_loop3A_505 = tpu.vector_load %arg9[%parallel_loop3A_503, %parallel_loop3A_504] {strides = array<i32>} : memref<64x128xf32, #tpu.memory_space<vmem>>, vector<1x16xf32>,
        %parallel_loop3A_506 = vector.shape_cast %parallel_loop3A_505 : vector<1x16xf32> to vector<16xf32>
        %parallel_loop3A_507 = vector.shape_cast %parallel_loop3A_502 : vector<16xf32> to vector<1x16xf32>
        tpu.vector_store %arg9[%parallel_loop3A_503, %parallel_loop3A_504], %parallel_loop3A_507 {strides = array<i32>} : memref<64x128xf32, #tpu.memory_space<vmem>>, vector<1x16xf32>,
        %parallel_loop3A_508 = arith.index_cast %parallel_loop3A_459 : i32 to index
        %parallel_loop3A_509 = arith.constant 64 : index
        %parallel_loop3A_510 = tpu.vector_load %arg9[%parallel_loop3A_508, %parallel_loop3A_509] {strides = array<i32>} : memref<64x128xf32, #tpu.memory_space<vmem>>, vector<1x16xf32>,
        %parallel_loop3A_511 = vector.shape_cast %parallel_loop3A_510 : vector<1x16xf32> to vector<16xf32>
        %parallel_loop3A_512 = arith.constant 11.3137083 : f32
        %parallel_loop3A_513 = vector.broadcast %parallel_loop3A_512 : f32 to vector<16xf32>
        %parallel_loop3A_514 = arith.mulf %parallel_loop3A_511, %parallel_loop3A_513 : vector<16xf32>
        %parallel_loop3A_515 = arith.index_cast %parallel_loop3A_459 : i32 to index
        %parallel_loop3A_516 = arith.constant 64 : index
        %parallel_loop3A_517 = tpu.vector_load %arg9[%parallel_loop3A_515, %parallel_loop3A_516] {strides = array<i32>} : memref<64x128xf32, #tpu.memory_space<vmem>>, vector<1x16xf32>,
        %parallel_loop3A_518 = vector.shape_cast %parallel_loop3A_517 : vector<1x16xf32> to vector<16xf32>
        %parallel_loop3A_519 = vector.shape_cast %parallel_loop3A_514 : vector<16xf32> to vector<1x16xf32>
        tpu.vector_store %arg9[%parallel_loop3A_515, %parallel_loop3A_516], %parallel_loop3A_519 {strides = array<i32>} : memref<64x128xf32, #tpu.memory_space<vmem>>, vector<1x16xf32>,
        %parallel_loop3A_520 = arith.index_cast %parallel_loop3A_459 : i32 to index
        %parallel_loop3A_521 = arith.constant 80 : index
        %parallel_loop3A_522 = tpu.vector_load %arg9[%parallel_loop3A_520, %parallel_loop3A_521] {strides = array<i32>} : memref<64x128xf32, #tpu.memory_space<vmem>>, vector<1x16xf32>,
        %parallel_loop3A_523 = vector.shape_cast %parallel_loop3A_522 : vector<1x16xf32> to vector<16xf32>
        %parallel_loop3A_524 = arith.constant 11.3137083 : f32
        %parallel_loop3A_525 = vector.broadcast %parallel_loop3A_524 : f32 to vector<16xf32>
        %parallel_loop3A_526 = arith.mulf %parallel_loop3A_523, %parallel_loop3A_525 : vector<16xf32>
        %parallel_loop3A_527 = arith.index_cast %parallel_loop3A_459 : i32 to index
        %parallel_loop3A_528 = arith.constant 80 : index
        %parallel_loop3A_529 = tpu.vector_load %arg9[%parallel_loop3A_527, %parallel_loop3A_528] {strides = array<i32>} : memref<64x128xf32, #tpu.memory_space<vmem>>, vector<1x16xf32>,
        %parallel_loop3A_530 = vector.shape_cast %parallel_loop3A_529 : vector<1x16xf32> to vector<16xf32>
        %parallel_loop3A_531 = vector.shape_cast %parallel_loop3A_526 : vector<16xf32> to vector<1x16xf32>
        tpu.vector_store %arg9[%parallel_loop3A_527, %parallel_loop3A_528], %parallel_loop3A_531 {strides = array<i32>} : memref<64x128xf32, #tpu.memory_space<vmem>>, vector<1x16xf32>,
        %parallel_loop3A_532 = arith.index_cast %parallel_loop3A_459 : i32 to index
        %parallel_loop3A_533 = arith.constant 96 : index
        %parallel_loop3A_534 = tpu.vector_load %arg9[%parallel_loop3A_532, %parallel_loop3A_533] {strides = array<i32>} : memref<64x128xf32, #tpu.memory_space<vmem>>, vector<1x16xf32>,
        %parallel_loop3A_535 = vector.shape_cast %parallel_loop3A_534 : vector<1x16xf32> to vector<16xf32>
        %parallel_loop3A_536 = arith.constant 11.3137083 : f32
        %parallel_loop3A_537 = vector.broadcast %parallel_loop3A_536 : f32 to vector<16xf32>
        %parallel_loop3A_538 = arith.mulf %parallel_loop3A_535, %parallel_loop3A_537 : vector<16xf32>
        %parallel_loop3A_539 = arith.index_cast %parallel_loop3A_459 : i32 to index
        %parallel_loop3A_540 = arith.constant 96 : index
        %parallel_loop3A_541 = tpu.vector_load %arg9[%parallel_loop3A_539, %parallel_loop3A_540] {strides = array<i32>} : memref<64x128xf32, #tpu.memory_space<vmem>>, vector<1x16xf32>,
        %parallel_loop3A_542 = vector.shape_cast %parallel_loop3A_541 : vector<1x16xf32> to vector<16xf32>
        %parallel_loop3A_543 = vector.shape_cast %parallel_loop3A_538 : vector<16xf32> to vector<1x16xf32>
        tpu.vector_store %arg9[%parallel_loop3A_539, %parallel_loop3A_540], %parallel_loop3A_543 {strides = array<i32>} : memref<64x128xf32, #tpu.memory_space<vmem>>, vector<1x16xf32>,
        %parallel_loop3A_544 = arith.index_cast %parallel_loop3A_459 : i32 to index
        %parallel_loop3A_545 = arith.constant 112 : index
        %parallel_loop3A_546 = tpu.vector_load %arg9[%parallel_loop3A_544, %parallel_loop3A_545] {strides = array<i32>} : memref<64x128xf32, #tpu.memory_space<vmem>>, vector<1x16xf32>,
        %parallel_loop3A_547 = vector.shape_cast %parallel_loop3A_546 : vector<1x16xf32> to vector<16xf32>
        %parallel_loop3A_548 = arith.constant 11.3137083 : f32
        %parallel_loop3A_549 = vector.broadcast %parallel_loop3A_548 : f32 to vector<16xf32>
        %parallel_loop3A_550 = arith.mulf %parallel_loop3A_547, %parallel_loop3A_549 : vector<16xf32>
        %parallel_loop3A_551 = arith.index_cast %parallel_loop3A_459 : i32 to index
        %parallel_loop3A_552 = arith.constant 112 : index
        %parallel_loop3A_553 = tpu.vector_load %arg9[%parallel_loop3A_551, %parallel_loop3A_552] {strides = array<i32>} : memref<64x128xf32, #tpu.memory_space<vmem>>, vector<1x16xf32>,
        %parallel_loop3A_554 = vector.shape_cast %parallel_loop3A_553 : vector<1x16xf32> to vector<16xf32>
        %parallel_loop3A_555 = vector.shape_cast %parallel_loop3A_550 : vector<16xf32> to vector<1x16xf32>
        tpu.vector_store %arg9[%parallel_loop3A_551, %parallel_loop3A_552], %parallel_loop3A_555 {strides = array<i32>} : memref<64x128xf32, #tpu.memory_space<vmem>>, vector<1x16xf32>,
      } {sc.loop_unroll_factor = 2 : i64, sc.parallel_access}
      %sub3A_254 = arith.constant 1 : i32
      %sub3A_255 = arith.subi %add3A_243, %sub3A_254 : i32
      %add3A_256 = arith.constant 10 : i32
      %add3A_257 = arith.addi %sub3A_255, %add3A_256 : i32
      %ge3A_258 = arith.constant 1 : i32
      %ge3A_259 = arith.cmpi sge, %add3A_243, %ge3A_258 : i32
      %lt3A_260 = arith.constant 100 : i32
      %lt3A_261 = arith.cmpi slt, %add3A_257, %lt3A_260 : i32
      %and3A_262 = arith.andi %ge3A_259, %lt3A_261 : i1
      %convert_element_type3A_263 = arith.extui %and3A_262 : i1 to i32
      %cond3A_264 = arith.constant 0 : i32
      %cond3A_265 = arith.cmpi ne, %convert_element_type3A_263, %cond3A_264 : i32
      scf.if %cond3A_265 {
        %add3A_459 = arith.constant 0 : i32
        %add3A_460 = arith.addi %mul3A_86, %add3A_459 : i32
        %dma_wait3A_461 = arith.constant 0 : i32
        %dma_wait3A_462 = tpu.memref_slice %arg4[%add3A_460, %dma_wait3A_461] : memref<204800x128xf32, #tpu.memory_space<hbm>> -> memref<64x128xf32, #tpu.memory_space<hbm>>
        %dma_wait3A_463 = arith.constant 0 : i32
        %dma_wait3A_464 = tpu.memref_slice %arg4[%add3A_460, %dma_wait3A_463] : memref<204800x128xf32, #tpu.memory_space<hbm>> -> memref<64x128xf32, #tpu.memory_space<hbm>>
        tpu.wait_dma2 semaphore(%arg28 : memref<!tpu.dma_semaphore, #tpu.memory_space<semaphore_mem>>) src(%arg8 : memref<64x128xf32, #tpu.memory_space<vmem>>) dst(%dma_wait3A_464 : memref<64x128xf32, #tpu.memory_space<hbm>>)
        %add3A_465 = arith.addi %sub3A_5, %add3A_257 : i32
        %dma_start3A_466 = arith.constant 0 : i32
        %dma_start3A_467 = tpu.memref_slice %arg5[%add3A_465, %dma_start3A_466] : memref<112x64xi32, #tpu.memory_space<vmem>> -> memref<1x64xi32, #tpu.memory_space<vmem>>
        %dma_start3A_468 = tpu.memref_squeeze %dma_start3A_467 : memref<1x64xi32, #tpu.memory_space<vmem>> -> memref<64xi32, #tpu.memory_space<vmem>>
        %dma_start3A_469 = arith.constant 0 : i32
        %dma_start3A_470 = arith.constant 0 : i32
        %dma_start3A_471 = tpu.memref_slice %arg2[%dma_start3A_469, %dma_start3A_470] : memref<100000x128xf32, #tpu.memory_space<hbm>> -> memref<100000x128xf32, #tpu.memory_space<hbm>>
        tpu.enqueue_indirect_dma source(%dma_start3A_471 : memref<100000x128xf32, #tpu.memory_space<hbm>>) target(%arg8 : memref<64x128xf32, #tpu.memory_space<vmem>>) offsets(%dma_start3A_468 : memref<64xi32, #tpu.memory_space<vmem>>) semaphore(%arg18 : memref<!tpu.dma_semaphore, #tpu.memory_space<semaphore_mem>>)
      } else {
      }
      %mul3A_266 = arith.constant 64 : i32
      %mul3A_267 = arith.muli %add3A_243, %mul3A_266 : i32
      %add3A_268 = arith.addi %mul3A_86, %mul3A_267 : i32
      %dma_start3A_269 = arith.constant 0 : i32
      %dma_start3A_270 = tpu.memref_slice %arg4[%add3A_268, %dma_start3A_269] : memref<204800x128xf32, #tpu.memory_space<hbm>> -> memref<64x128xf32, #tpu.memory_space<hbm>>
      %dma_start3A_271 = arith.constant 0 : i32
      %dma_start3A_272 = tpu.memref_slice %arg4[%add3A_268, %dma_start3A_271] : memref<204800x128xf32, #tpu.memory_space<hbm>> -> memref<64x128xf32, #tpu.memory_space<hbm>>
      tpu.enqueue_dma source(%arg9 : memref<64x128xf32, #tpu.memory_space<vmem>>) target(%dma_start3A_272 : memref<64x128xf32, #tpu.memory_space<hbm>>) target_semaphore(%arg29 : memref<!tpu.dma_semaphore, #tpu.memory_space<semaphore_mem>>)
      %add3A_273 = arith.constant 4 : i32
      %add3A_274 = arith.addi %add3A_154, %add3A_273 : i32
      %dma_wait3A_275 = arith.constant 0 : i32
      %dma_wait3A_276 = arith.constant 0 : i32
      %dma_wait3A_277 = tpu.memref_slice %arg5[%dma_wait3A_275, %dma_wait3A_276] : memref<112x64xi32, #tpu.memory_space<vmem>> -> memref<1x64xi32, #tpu.memory_space<vmem>>
      %dma_wait3A_278 = tpu.memref_squeeze %dma_wait3A_277 : memref<1x64xi32, #tpu.memory_space<vmem>> -> memref<64xi32, #tpu.memory_space<vmem>>
      %dma_wait3A_279 = arith.constant 0 : i32
      %dma_wait3A_280 = arith.constant 0 : i32
      %dma_wait3A_281 = tpu.memref_slice %arg2[%dma_wait3A_279, %dma_wait3A_280] : memref<100000x128xf32, #tpu.memory_space<hbm>> -> memref<100000x128xf32, #tpu.memory_space<hbm>>
      tpu.wait_indirect_dma semaphore(%arg20 : memref<!tpu.dma_semaphore, #tpu.memory_space<semaphore_mem>>) src(%dma_wait3A_281 : memref<100000x128xf32, #tpu.memory_space<hbm>>) dst(%arg10 : memref<64x128xf32, #tpu.memory_space<vmem>>)
      %parallel_loop3A_282 = arith.constant 0 : i32
      %parallel_loop3A_283 = arith.constant 64 : i32
      %parallel_loop3A_284 = arith.constant 1 : i32
      scf.for %parallel_loop3A_459 = %parallel_loop3A_282 to %parallel_loop3A_283 step %parallel_loop3A_284  : i32 {
        %parallel_loop3A_460 = arith.index_cast %parallel_loop3A_459 : i32 to index
        %parallel_loop3A_461 = arith.constant 0 : index
        %parallel_loop3A_462 = tpu.vector_load %arg10[%parallel_loop3A_460, %parallel_loop3A_461] {strides = array<i32>} : memref<64x128xf32, #tpu.memory_space<vmem>>, vector<1x16xf32>,
        %parallel_loop3A_463 = vector.shape_cast %parallel_loop3A_462 : vector<1x16xf32> to vector<16xf32>
        %parallel_loop3A_464 = arith.constant 11.3137083 : f32
        %parallel_loop3A_465 = vector.broadcast %parallel_loop3A_464 : f32 to vector<16xf32>
        %parallel_loop3A_466 = arith.mulf %parallel_loop3A_463, %parallel_loop3A_465 : vector<16xf32>
        %parallel_loop3A_467 = arith.index_cast %parallel_loop3A_459 : i32 to index
        %parallel_loop3A_468 = arith.constant 0 : index
        %parallel_loop3A_469 = tpu.vector_load %arg10[%parallel_loop3A_467, %parallel_loop3A_468] {strides = array<i32>} : memref<64x128xf32, #tpu.memory_space<vmem>>, vector<1x16xf32>,
        %parallel_loop3A_470 = vector.shape_cast %parallel_loop3A_469 : vector<1x16xf32> to vector<16xf32>
        %parallel_loop3A_471 = vector.shape_cast %parallel_loop3A_466 : vector<16xf32> to vector<1x16xf32>
        tpu.vector_store %arg10[%parallel_loop3A_467, %parallel_loop3A_468], %parallel_loop3A_471 {strides = array<i32>} : memref<64x128xf32, #tpu.memory_space<vmem>>, vector<1x16xf32>,
        %parallel_loop3A_472 = arith.index_cast %parallel_loop3A_459 : i32 to index
        %parallel_loop3A_473 = arith.constant 16 : index
        %parallel_loop3A_474 = tpu.vector_load %arg10[%parallel_loop3A_472, %parallel_loop3A_473] {strides = array<i32>} : memref<64x128xf32, #tpu.memory_space<vmem>>, vector<1x16xf32>,
        %parallel_loop3A_475 = vector.shape_cast %parallel_loop3A_474 : vector<1x16xf32> to vector<16xf32>
        %parallel_loop3A_476 = arith.constant 11.3137083 : f32
        %parallel_loop3A_477 = vector.broadcast %parallel_loop3A_476 : f32 to vector<16xf32>
        %parallel_loop3A_478 = arith.mulf %parallel_loop3A_475, %parallel_loop3A_477 : vector<16xf32>
        %parallel_loop3A_479 = arith.index_cast %parallel_loop3A_459 : i32 to index
        %parallel_loop3A_480 = arith.constant 16 : index
        %parallel_loop3A_481 = tpu.vector_load %arg10[%parallel_loop3A_479, %parallel_loop3A_480] {strides = array<i32>} : memref<64x128xf32, #tpu.memory_space<vmem>>, vector<1x16xf32>,
        %parallel_loop3A_482 = vector.shape_cast %parallel_loop3A_481 : vector<1x16xf32> to vector<16xf32>
        %parallel_loop3A_483 = vector.shape_cast %parallel_loop3A_478 : vector<16xf32> to vector<1x16xf32>
        tpu.vector_store %arg10[%parallel_loop3A_479, %parallel_loop3A_480], %parallel_loop3A_483 {strides = array<i32>} : memref<64x128xf32, #tpu.memory_space<vmem>>, vector<1x16xf32>,
        %parallel_loop3A_484 = arith.index_cast %parallel_loop3A_459 : i32 to index
        %parallel_loop3A_485 = arith.constant 32 : index
        %parallel_loop3A_486 = tpu.vector_load %arg10[%parallel_loop3A_484, %parallel_loop3A_485] {strides = array<i32>} : memref<64x128xf32, #tpu.memory_space<vmem>>, vector<1x16xf32>,
        %parallel_loop3A_487 = vector.shape_cast %parallel_loop3A_486 : vector<1x16xf32> to vector<16xf32>
        %parallel_loop3A_488 = arith.constant 11.3137083 : f32
        %parallel_loop3A_489 = vector.broadcast %parallel_loop3A_488 : f32 to vector<16xf32>
        %parallel_loop3A_490 = arith.mulf %parallel_loop3A_487, %parallel_loop3A_489 : vector<16xf32>
        %parallel_loop3A_491 = arith.index_cast %parallel_loop3A_459 : i32 to index
        %parallel_loop3A_492 = arith.constant 32 : index
        %parallel_loop3A_493 = tpu.vector_load %arg10[%parallel_loop3A_491, %parallel_loop3A_492] {strides = array<i32>} : memref<64x128xf32, #tpu.memory_space<vmem>>, vector<1x16xf32>,
        %parallel_loop3A_494 = vector.shape_cast %parallel_loop3A_493 : vector<1x16xf32> to vector<16xf32>
        %parallel_loop3A_495 = vector.shape_cast %parallel_loop3A_490 : vector<16xf32> to vector<1x16xf32>
        tpu.vector_store %arg10[%parallel_loop3A_491, %parallel_loop3A_492], %parallel_loop3A_495 {strides = array<i32>} : memref<64x128xf32, #tpu.memory_space<vmem>>, vector<1x16xf32>,
        %parallel_loop3A_496 = arith.index_cast %parallel_loop3A_459 : i32 to index
        %parallel_loop3A_497 = arith.constant 48 : index
        %parallel_loop3A_498 = tpu.vector_load %arg10[%parallel_loop3A_496, %parallel_loop3A_497] {strides = array<i32>} : memref<64x128xf32, #tpu.memory_space<vmem>>, vector<1x16xf32>,
        %parallel_loop3A_499 = vector.shape_cast %parallel_loop3A_498 : vector<1x16xf32> to vector<16xf32>
        %parallel_loop3A_500 = arith.constant 11.3137083 : f32
        %parallel_loop3A_501 = vector.broadcast %parallel_loop3A_500 : f32 to vector<16xf32>
        %parallel_loop3A_502 = arith.mulf %parallel_loop3A_499, %parallel_loop3A_501 : vector<16xf32>
        %parallel_loop3A_503 = arith.index_cast %parallel_loop3A_459 : i32 to index
        %parallel_loop3A_504 = arith.constant 48 : index
        %parallel_loop3A_505 = tpu.vector_load %arg10[%parallel_loop3A_503, %parallel_loop3A_504] {strides = array<i32>} : memref<64x128xf32, #tpu.memory_space<vmem>>, vector<1x16xf32>,
        %parallel_loop3A_506 = vector.shape_cast %parallel_loop3A_505 : vector<1x16xf32> to vector<16xf32>
        %parallel_loop3A_507 = vector.shape_cast %parallel_loop3A_502 : vector<16xf32> to vector<1x16xf32>
        tpu.vector_store %arg10[%parallel_loop3A_503, %parallel_loop3A_504], %parallel_loop3A_507 {strides = array<i32>} : memref<64x128xf32, #tpu.memory_space<vmem>>, vector<1x16xf32>,
        %parallel_loop3A_508 = arith.index_cast %parallel_loop3A_459 : i32 to index
        %parallel_loop3A_509 = arith.constant 64 : index
        %parallel_loop3A_510 = tpu.vector_load %arg10[%parallel_loop3A_508, %parallel_loop3A_509] {strides = array<i32>} : memref<64x128xf32, #tpu.memory_space<vmem>>, vector<1x16xf32>,
        %parallel_loop3A_511 = vector.shape_cast %parallel_loop3A_510 : vector<1x16xf32> to vector<16xf32>
        %parallel_loop3A_512 = arith.constant 11.3137083 : f32
        %parallel_loop3A_513 = vector.broadcast %parallel_loop3A_512 : f32 to vector<16xf32>
        %parallel_loop3A_514 = arith.mulf %parallel_loop3A_511, %parallel_loop3A_513 : vector<16xf32>
        %parallel_loop3A_515 = arith.index_cast %parallel_loop3A_459 : i32 to index
        %parallel_loop3A_516 = arith.constant 64 : index
        %parallel_loop3A_517 = tpu.vector_load %arg10[%parallel_loop3A_515, %parallel_loop3A_516] {strides = array<i32>} : memref<64x128xf32, #tpu.memory_space<vmem>>, vector<1x16xf32>,
        %parallel_loop3A_518 = vector.shape_cast %parallel_loop3A_517 : vector<1x16xf32> to vector<16xf32>
        %parallel_loop3A_519 = vector.shape_cast %parallel_loop3A_514 : vector<16xf32> to vector<1x16xf32>
        tpu.vector_store %arg10[%parallel_loop3A_515, %parallel_loop3A_516], %parallel_loop3A_519 {strides = array<i32>} : memref<64x128xf32, #tpu.memory_space<vmem>>, vector<1x16xf32>,
        %parallel_loop3A_520 = arith.index_cast %parallel_loop3A_459 : i32 to index
        %parallel_loop3A_521 = arith.constant 80 : index
        %parallel_loop3A_522 = tpu.vector_load %arg10[%parallel_loop3A_520, %parallel_loop3A_521] {strides = array<i32>} : memref<64x128xf32, #tpu.memory_space<vmem>>, vector<1x16xf32>,
        %parallel_loop3A_523 = vector.shape_cast %parallel_loop3A_522 : vector<1x16xf32> to vector<16xf32>
        %parallel_loop3A_524 = arith.constant 11.3137083 : f32
        %parallel_loop3A_525 = vector.broadcast %parallel_loop3A_524 : f32 to vector<16xf32>
        %parallel_loop3A_526 = arith.mulf %parallel_loop3A_523, %parallel_loop3A_525 : vector<16xf32>
        %parallel_loop3A_527 = arith.index_cast %parallel_loop3A_459 : i32 to index
        %parallel_loop3A_528 = arith.constant 80 : index
        %parallel_loop3A_529 = tpu.vector_load %arg10[%parallel_loop3A_527, %parallel_loop3A_528] {strides = array<i32>} : memref<64x128xf32, #tpu.memory_space<vmem>>, vector<1x16xf32>,
        %parallel_loop3A_530 = vector.shape_cast %parallel_loop3A_529 : vector<1x16xf32> to vector<16xf32>
        %parallel_loop3A_531 = vector.shape_cast %parallel_loop3A_526 : vector<16xf32> to vector<1x16xf32>
        tpu.vector_store %arg10[%parallel_loop3A_527, %parallel_loop3A_528], %parallel_loop3A_531 {strides = array<i32>} : memref<64x128xf32, #tpu.memory_space<vmem>>, vector<1x16xf32>,
        %parallel_loop3A_532 = arith.index_cast %parallel_loop3A_459 : i32 to index
        %parallel_loop3A_533 = arith.constant 96 : index
        %parallel_loop3A_534 = tpu.vector_load %arg10[%parallel_loop3A_532, %parallel_loop3A_533] {strides = array<i32>} : memref<64x128xf32, #tpu.memory_space<vmem>>, vector<1x16xf32>,
        %parallel_loop3A_535 = vector.shape_cast %parallel_loop3A_534 : vector<1x16xf32> to vector<16xf32>
        %parallel_loop3A_536 = arith.constant 11.3137083 : f32
        %parallel_loop3A_537 = vector.broadcast %parallel_loop3A_536 : f32 to vector<16xf32>
        %parallel_loop3A_538 = arith.mulf %parallel_loop3A_535, %parallel_loop3A_537 : vector<16xf32>
        %parallel_loop3A_539 = arith.index_cast %parallel_loop3A_459 : i32 to index
        %parallel_loop3A_540 = arith.constant 96 : index
        %parallel_loop3A_541 = tpu.vector_load %arg10[%parallel_loop3A_539, %parallel_loop3A_540] {strides = array<i32>} : memref<64x128xf32, #tpu.memory_space<vmem>>, vector<1x16xf32>,
        %parallel_loop3A_542 = vector.shape_cast %parallel_loop3A_541 : vector<1x16xf32> to vector<16xf32>
        %parallel_loop3A_543 = vector.shape_cast %parallel_loop3A_538 : vector<16xf32> to vector<1x16xf32>
        tpu.vector_store %arg10[%parallel_loop3A_539, %parallel_loop3A_540], %parallel_loop3A_543 {strides = array<i32>} : memref<64x128xf32, #tpu.memory_space<vmem>>, vector<1x16xf32>,
        %parallel_loop3A_544 = arith.index_cast %parallel_loop3A_459 : i32 to index
        %parallel_loop3A_545 = arith.constant 112 : index
        %parallel_loop3A_546 = tpu.vector_load %arg10[%parallel_loop3A_544, %parallel_loop3A_545] {strides = array<i32>} : memref<64x128xf32, #tpu.memory_space<vmem>>, vector<1x16xf32>,
        %parallel_loop3A_547 = vector.shape_cast %parallel_loop3A_546 : vector<1x16xf32> to vector<16xf32>
        %parallel_loop3A_548 = arith.constant 11.3137083 : f32
        %parallel_loop3A_549 = vector.broadcast %parallel_loop3A_548 : f32 to vector<16xf32>
        %parallel_loop3A_550 = arith.mulf %parallel_loop3A_547, %parallel_loop3A_549 : vector<16xf32>
        %parallel_loop3A_551 = arith.index_cast %parallel_loop3A_459 : i32 to index
        %parallel_loop3A_552 = arith.constant 112 : index
        %parallel_loop3A_553 = tpu.vector_load %arg10[%parallel_loop3A_551, %parallel_loop3A_552] {strides = array<i32>} : memref<64x128xf32, #tpu.memory_space<vmem>>, vector<1x16xf32>,
        %parallel_loop3A_554 = vector.shape_cast %parallel_loop3A_553 : vector<1x16xf32> to vector<16xf32>
        %parallel_loop3A_555 = vector.shape_cast %parallel_loop3A_550 : vector<16xf32> to vector<1x16xf32>
        tpu.vector_store %arg10[%parallel_loop3A_551, %parallel_loop3A_552], %parallel_loop3A_555 {strides = array<i32>} : memref<64x128xf32, #tpu.memory_space<vmem>>, vector<1x16xf32>,
      } {sc.loop_unroll_factor = 2 : i64, sc.parallel_access}
      %sub3A_285 = arith.constant 1 : i32
      %sub3A_286 = arith.subi %add3A_274, %sub3A_285 : i32
      %add3A_287 = arith.constant 10 : i32
      %add3A_288 = arith.addi %sub3A_286, %add3A_287 : i32
      %ge3A_289 = arith.constant 1 : i32
      %ge3A_290 = arith.cmpi sge, %add3A_274, %ge3A_289 : i32
      %lt3A_291 = arith.constant 100 : i32
      %lt3A_292 = arith.cmpi slt, %add3A_288, %lt3A_291 : i32
      %and3A_293 = arith.andi %ge3A_290, %lt3A_292 : i1
      %convert_element_type3A_294 = arith.extui %and3A_293 : i1 to i32
      %cond3A_295 = arith.constant 0 : i32
      %cond3A_296 = arith.cmpi ne, %convert_element_type3A_294, %cond3A_295 : i32
      scf.if %cond3A_296 {
        %add3A_459 = arith.constant 0 : i32
        %add3A_460 = arith.addi %mul3A_86, %add3A_459 : i32
        %dma_wait3A_461 = arith.constant 0 : i32
        %dma_wait3A_462 = tpu.memref_slice %arg4[%add3A_460, %dma_wait3A_461] : memref<204800x128xf32, #tpu.memory_space<hbm>> -> memref<64x128xf32, #tpu.memory_space<hbm>>
        %dma_wait3A_463 = arith.constant 0 : i32
        %dma_wait3A_464 = tpu.memref_slice %arg4[%add3A_460, %dma_wait3A_463] : memref<204800x128xf32, #tpu.memory_space<hbm>> -> memref<64x128xf32, #tpu.memory_space<hbm>>
        tpu.wait_dma2 semaphore(%arg29 : memref<!tpu.dma_semaphore, #tpu.memory_space<semaphore_mem>>) src(%arg9 : memref<64x128xf32, #tpu.memory_space<vmem>>) dst(%dma_wait3A_464 : memref<64x128xf32, #tpu.memory_space<hbm>>)
        %add3A_465 = arith.addi %sub3A_5, %add3A_288 : i32
        %dma_start3A_466 = arith.constant 0 : i32
        %dma_start3A_467 = tpu.memref_slice %arg5[%add3A_465, %dma_start3A_466] : memref<112x64xi32, #tpu.memory_space<vmem>> -> memref<1x64xi32, #tpu.memory_space<vmem>>
        %dma_start3A_468 = tpu.memref_squeeze %dma_start3A_467 : memref<1x64xi32, #tpu.memory_space<vmem>> -> memref<64xi32, #tpu.memory_space<vmem>>
        %dma_start3A_469 = arith.constant 0 : i32
        %dma_start3A_470 = arith.constant 0 : i32
        %dma_start3A_471 = tpu.memref_slice %arg2[%dma_start3A_469, %dma_start3A_470] : memref<100000x128xf32, #tpu.memory_space<hbm>> -> memref<100000x128xf32, #tpu.memory_space<hbm>>
        tpu.enqueue_indirect_dma source(%dma_start3A_471 : memref<100000x128xf32, #tpu.memory_space<hbm>>) target(%arg9 : memref<64x128xf32, #tpu.memory_space<vmem>>) offsets(%dma_start3A_468 : memref<64xi32, #tpu.memory_space<vmem>>) semaphore(%arg19 : memref<!tpu.dma_semaphore, #tpu.memory_space<semaphore_mem>>)
      } else {
      }
      %mul3A_297 = arith.constant 64 : i32
      %mul3A_298 = arith.muli %add3A_274, %mul3A_297 : i32
      %add3A_299 = arith.addi %mul3A_86, %mul3A_298 : i32
      %dma_start3A_300 = arith.constant 0 : i32
      %dma_start3A_301 = tpu.memref_slice %arg4[%add3A_299, %dma_start3A_300] : memref<204800x128xf32, #tpu.memory_space<hbm>> -> memref<64x128xf32, #tpu.memory_space<hbm>>
      %dma_start3A_302 = arith.constant 0 : i32
      %dma_start3A_303 = tpu.memref_slice %arg4[%add3A_299, %dma_start3A_302] : memref<204800x128xf32, #tpu.memory_space<hbm>> -> memref<64x128xf32, #tpu.memory_space<hbm>>
      tpu.enqueue_dma source(%arg10 : memref<64x128xf32, #tpu.memory_space<vmem>>) target(%dma_start3A_303 : memref<64x128xf32, #tpu.memory_space<hbm>>) target_semaphore(%arg30 : memref<!tpu.dma_semaphore, #tpu.memory_space<semaphore_mem>>)
      %add3A_304 = arith.constant 5 : i32
      %add3A_305 = arith.addi %add3A_154, %add3A_304 : i32
      %dma_wait3A_306 = arith.constant 0 : i32
      %dma_wait3A_307 = arith.constant 0 : i32
      %dma_wait3A_308 = tpu.memref_slice %arg5[%dma_wait3A_306, %dma_wait3A_307] : memref<112x64xi32, #tpu.memory_space<vmem>> -> memref<1x64xi32, #tpu.memory_space<vmem>>
      %dma_wait3A_309 = tpu.memref_squeeze %dma_wait3A_308 : memref<1x64xi32, #tpu.memory_space<vmem>> -> memref<64xi32, #tpu.memory_space<vmem>>
      %dma_wait3A_310 = arith.constant 0 : i32
      %dma_wait3A_311 = arith.constant 0 : i32
      %dma_wait3A_312 = tpu.memref_slice %arg2[%dma_wait3A_310, %dma_wait3A_311] : memref<100000x128xf32, #tpu.memory_space<hbm>> -> memref<100000x128xf32, #tpu.memory_space<hbm>>
      tpu.wait_indirect_dma semaphore(%arg21 : memref<!tpu.dma_semaphore, #tpu.memory_space<semaphore_mem>>) src(%dma_wait3A_312 : memref<100000x128xf32, #tpu.memory_space<hbm>>) dst(%arg11 : memref<64x128xf32, #tpu.memory_space<vmem>>)
      %parallel_loop3A_313 = arith.constant 0 : i32
      %parallel_loop3A_314 = arith.constant 64 : i32
      %parallel_loop3A_315 = arith.constant 1 : i32
      scf.for %parallel_loop3A_459 = %parallel_loop3A_313 to %parallel_loop3A_314 step %parallel_loop3A_315  : i32 {
        %parallel_loop3A_460 = arith.index_cast %parallel_loop3A_459 : i32 to index
        %parallel_loop3A_461 = arith.constant 0 : index
        %parallel_loop3A_462 = tpu.vector_load %arg11[%parallel_loop3A_460, %parallel_loop3A_461] {strides = array<i32>} : memref<64x128xf32, #tpu.memory_space<vmem>>, vector<1x16xf32>,
        %parallel_loop3A_463 = vector.shape_cast %parallel_loop3A_462 : vector<1x16xf32> to vector<16xf32>
        %parallel_loop3A_464 = arith.constant 11.3137083 : f32
        %parallel_loop3A_465 = vector.broadcast %parallel_loop3A_464 : f32 to vector<16xf32>
        %parallel_loop3A_466 = arith.mulf %parallel_loop3A_463, %parallel_loop3A_465 : vector<16xf32>
        %parallel_loop3A_467 = arith.index_cast %parallel_loop3A_459 : i32 to index
        %parallel_loop3A_468 = arith.constant 0 : index
        %parallel_loop3A_469 = tpu.vector_load %arg11[%parallel_loop3A_467, %parallel_loop3A_468] {strides = array<i32>} : memref<64x128xf32, #tpu.memory_space<vmem>>, vector<1x16xf32>,
        %parallel_loop3A_470 = vector.shape_cast %parallel_loop3A_469 : vector<1x16xf32> to vector<16xf32>
        %parallel_loop3A_471 = vector.shape_cast %parallel_loop3A_466 : vector<16xf32> to vector<1x16xf32>
        tpu.vector_store %arg11[%parallel_loop3A_467, %parallel_loop3A_468], %parallel_loop3A_471 {strides = array<i32>} : memref<64x128xf32, #tpu.memory_space<vmem>>, vector<1x16xf32>,
        %parallel_loop3A_472 = arith.index_cast %parallel_loop3A_459 : i32 to index
        %parallel_loop3A_473 = arith.constant 16 : index
        %parallel_loop3A_474 = tpu.vector_load %arg11[%parallel_loop3A_472, %parallel_loop3A_473] {strides = array<i32>} : memref<64x128xf32, #tpu.memory_space<vmem>>, vector<1x16xf32>,
        %parallel_loop3A_475 = vector.shape_cast %parallel_loop3A_474 : vector<1x16xf32> to vector<16xf32>
        %parallel_loop3A_476 = arith.constant 11.3137083 : f32
        %parallel_loop3A_477 = vector.broadcast %parallel_loop3A_476 : f32 to vector<16xf32>
        %parallel_loop3A_478 = arith.mulf %parallel_loop3A_475, %parallel_loop3A_477 : vector<16xf32>
        %parallel_loop3A_479 = arith.index_cast %parallel_loop3A_459 : i32 to index
        %parallel_loop3A_480 = arith.constant 16 : index
        %parallel_loop3A_481 = tpu.vector_load %arg11[%parallel_loop3A_479, %parallel_loop3A_480] {strides = array<i32>} : memref<64x128xf32, #tpu.memory_space<vmem>>, vector<1x16xf32>,
        %parallel_loop3A_482 = vector.shape_cast %parallel_loop3A_481 : vector<1x16xf32> to vector<16xf32>
        %parallel_loop3A_483 = vector.shape_cast %parallel_loop3A_478 : vector<16xf32> to vector<1x16xf32>
        tpu.vector_store %arg11[%parallel_loop3A_479, %parallel_loop3A_480], %parallel_loop3A_483 {strides = array<i32>} : memref<64x128xf32, #tpu.memory_space<vmem>>, vector<1x16xf32>,
        %parallel_loop3A_484 = arith.index_cast %parallel_loop3A_459 : i32 to index
        %parallel_loop3A_485 = arith.constant 32 : index
        %parallel_loop3A_486 = tpu.vector_load %arg11[%parallel_loop3A_484, %parallel_loop3A_485] {strides = array<i32>} : memref<64x128xf32, #tpu.memory_space<vmem>>, vector<1x16xf32>,
        %parallel_loop3A_487 = vector.shape_cast %parallel_loop3A_486 : vector<1x16xf32> to vector<16xf32>
        %parallel_loop3A_488 = arith.constant 11.3137083 : f32
        %parallel_loop3A_489 = vector.broadcast %parallel_loop3A_488 : f32 to vector<16xf32>
        %parallel_loop3A_490 = arith.mulf %parallel_loop3A_487, %parallel_loop3A_489 : vector<16xf32>
        %parallel_loop3A_491 = arith.index_cast %parallel_loop3A_459 : i32 to index
        %parallel_loop3A_492 = arith.constant 32 : index
        %parallel_loop3A_493 = tpu.vector_load %arg11[%parallel_loop3A_491, %parallel_loop3A_492] {strides = array<i32>} : memref<64x128xf32, #tpu.memory_space<vmem>>, vector<1x16xf32>,
        %parallel_loop3A_494 = vector.shape_cast %parallel_loop3A_493 : vector<1x16xf32> to vector<16xf32>
        %parallel_loop3A_495 = vector.shape_cast %parallel_loop3A_490 : vector<16xf32> to vector<1x16xf32>
        tpu.vector_store %arg11[%parallel_loop3A_491, %parallel_loop3A_492], %parallel_loop3A_495 {strides = array<i32>} : memref<64x128xf32, #tpu.memory_space<vmem>>, vector<1x16xf32>,
        %parallel_loop3A_496 = arith.index_cast %parallel_loop3A_459 : i32 to index
        %parallel_loop3A_497 = arith.constant 48 : index
        %parallel_loop3A_498 = tpu.vector_load %arg11[%parallel_loop3A_496, %parallel_loop3A_497] {strides = array<i32>} : memref<64x128xf32, #tpu.memory_space<vmem>>, vector<1x16xf32>,
        %parallel_loop3A_499 = vector.shape_cast %parallel_loop3A_498 : vector<1x16xf32> to vector<16xf32>
        %parallel_loop3A_500 = arith.constant 11.3137083 : f32
        %parallel_loop3A_501 = vector.broadcast %parallel_loop3A_500 : f32 to vector<16xf32>
        %parallel_loop3A_502 = arith.mulf %parallel_loop3A_499, %parallel_loop3A_501 : vector<16xf32>
        %parallel_loop3A_503 = arith.index_cast %parallel_loop3A_459 : i32 to index
        %parallel_loop3A_504 = arith.constant 48 : index
        %parallel_loop3A_505 = tpu.vector_load %arg11[%parallel_loop3A_503, %parallel_loop3A_504] {strides = array<i32>} : memref<64x128xf32, #tpu.memory_space<vmem>>, vector<1x16xf32>,
        %parallel_loop3A_506 = vector.shape_cast %parallel_loop3A_505 : vector<1x16xf32> to vector<16xf32>
        %parallel_loop3A_507 = vector.shape_cast %parallel_loop3A_502 : vector<16xf32> to vector<1x16xf32>
        tpu.vector_store %arg11[%parallel_loop3A_503, %parallel_loop3A_504], %parallel_loop3A_507 {strides = array<i32>} : memref<64x128xf32, #tpu.memory_space<vmem>>, vector<1x16xf32>,
        %parallel_loop3A_508 = arith.index_cast %parallel_loop3A_459 : i32 to index
        %parallel_loop3A_509 = arith.constant 64 : index
        %parallel_loop3A_510 = tpu.vector_load %arg11[%parallel_loop3A_508, %parallel_loop3A_509] {strides = array<i32>} : memref<64x128xf32, #tpu.memory_space<vmem>>, vector<1x16xf32>,
        %parallel_loop3A_511 = vector.shape_cast %parallel_loop3A_510 : vector<1x16xf32> to vector<16xf32>
        %parallel_loop3A_512 = arith.constant 11.3137083 : f32
        %parallel_loop3A_513 = vector.broadcast %parallel_loop3A_512 : f32 to vector<16xf32>
        %parallel_loop3A_514 = arith.mulf %parallel_loop3A_511, %parallel_loop3A_513 : vector<16xf32>
        %parallel_loop3A_515 = arith.index_cast %parallel_loop3A_459 : i32 to index
        %parallel_loop3A_516 = arith.constant 64 : index
        %parallel_loop3A_517 = tpu.vector_load %arg11[%parallel_loop3A_515, %parallel_loop3A_516] {strides = array<i32>} : memref<64x128xf32, #tpu.memory_space<vmem>>, vector<1x16xf32>,
        %parallel_loop3A_518 = vector.shape_cast %parallel_loop3A_517 : vector<1x16xf32> to vector<16xf32>
        %parallel_loop3A_519 = vector.shape_cast %parallel_loop3A_514 : vector<16xf32> to vector<1x16xf32>
        tpu.vector_store %arg11[%parallel_loop3A_515, %parallel_loop3A_516], %parallel_loop3A_519 {strides = array<i32>} : memref<64x128xf32, #tpu.memory_space<vmem>>, vector<1x16xf32>,
        %parallel_loop3A_520 = arith.index_cast %parallel_loop3A_459 : i32 to index
        %parallel_loop3A_521 = arith.constant 80 : index
        %parallel_loop3A_522 = tpu.vector_load %arg11[%parallel_loop3A_520, %parallel_loop3A_521] {strides = array<i32>} : memref<64x128xf32, #tpu.memory_space<vmem>>, vector<1x16xf32>,
        %parallel_loop3A_523 = vector.shape_cast %parallel_loop3A_522 : vector<1x16xf32> to vector<16xf32>
        %parallel_loop3A_524 = arith.constant 11.3137083 : f32
        %parallel_loop3A_525 = vector.broadcast %parallel_loop3A_524 : f32 to vector<16xf32>
        %parallel_loop3A_526 = arith.mulf %parallel_loop3A_523, %parallel_loop3A_525 : vector<16xf32>
        %parallel_loop3A_527 = arith.index_cast %parallel_loop3A_459 : i32 to index
        %parallel_loop3A_528 = arith.constant 80 : index
        %parallel_loop3A_529 = tpu.vector_load %arg11[%parallel_loop3A_527, %parallel_loop3A_528] {strides = array<i32>} : memref<64x128xf32, #tpu.memory_space<vmem>>, vector<1x16xf32>,
        %parallel_loop3A_530 = vector.shape_cast %parallel_loop3A_529 : vector<1x16xf32> to vector<16xf32>
        %parallel_loop3A_531 = vector.shape_cast %parallel_loop3A_526 : vector<16xf32> to vector<1x16xf32>
        tpu.vector_store %arg11[%parallel_loop3A_527, %parallel_loop3A_528], %parallel_loop3A_531 {strides = array<i32>} : memref<64x128xf32, #tpu.memory_space<vmem>>, vector<1x16xf32>,
        %parallel_loop3A_532 = arith.index_cast %parallel_loop3A_459 : i32 to index
        %parallel_loop3A_533 = arith.constant 96 : index
        %parallel_loop3A_534 = tpu.vector_load %arg11[%parallel_loop3A_532, %parallel_loop3A_533] {strides = array<i32>} : memref<64x128xf32, #tpu.memory_space<vmem>>, vector<1x16xf32>,
        %parallel_loop3A_535 = vector.shape_cast %parallel_loop3A_534 : vector<1x16xf32> to vector<16xf32>
        %parallel_loop3A_536 = arith.constant 11.3137083 : f32
        %parallel_loop3A_537 = vector.broadcast %parallel_loop3A_536 : f32 to vector<16xf32>
        %parallel_loop3A_538 = arith.mulf %parallel_loop3A_535, %parallel_loop3A_537 : vector<16xf32>
        %parallel_loop3A_539 = arith.index_cast %parallel_loop3A_459 : i32 to index
        %parallel_loop3A_540 = arith.constant 96 : index
        %parallel_loop3A_541 = tpu.vector_load %arg11[%parallel_loop3A_539, %parallel_loop3A_540] {strides = array<i32>} : memref<64x128xf32, #tpu.memory_space<vmem>>, vector<1x16xf32>,
        %parallel_loop3A_542 = vector.shape_cast %parallel_loop3A_541 : vector<1x16xf32> to vector<16xf32>
        %parallel_loop3A_543 = vector.shape_cast %parallel_loop3A_538 : vector<16xf32> to vector<1x16xf32>
        tpu.vector_store %arg11[%parallel_loop3A_539, %parallel_loop3A_540], %parallel_loop3A_543 {strides = array<i32>} : memref<64x128xf32, #tpu.memory_space<vmem>>, vector<1x16xf32>,
        %parallel_loop3A_544 = arith.index_cast %parallel_loop3A_459 : i32 to index
        %parallel_loop3A_545 = arith.constant 112 : index
        %parallel_loop3A_546 = tpu.vector_load %arg11[%parallel_loop3A_544, %parallel_loop3A_545] {strides = array<i32>} : memref<64x128xf32, #tpu.memory_space<vmem>>, vector<1x16xf32>,
        %parallel_loop3A_547 = vector.shape_cast %parallel_loop3A_546 : vector<1x16xf32> to vector<16xf32>
        %parallel_loop3A_548 = arith.constant 11.3137083 : f32
        %parallel_loop3A_549 = vector.broadcast %parallel_loop3A_548 : f32 to vector<16xf32>
        %parallel_loop3A_550 = arith.mulf %parallel_loop3A_547, %parallel_loop3A_549 : vector<16xf32>
        %parallel_loop3A_551 = arith.index_cast %parallel_loop3A_459 : i32 to index
        %parallel_loop3A_552 = arith.constant 112 : index
        %parallel_loop3A_553 = tpu.vector_load %arg11[%parallel_loop3A_551, %parallel_loop3A_552] {strides = array<i32>} : memref<64x128xf32, #tpu.memory_space<vmem>>, vector<1x16xf32>,
        %parallel_loop3A_554 = vector.shape_cast %parallel_loop3A_553 : vector<1x16xf32> to vector<16xf32>
        %parallel_loop3A_555 = vector.shape_cast %parallel_loop3A_550 : vector<16xf32> to vector<1x16xf32>
        tpu.vector_store %arg11[%parallel_loop3A_551, %parallel_loop3A_552], %parallel_loop3A_555 {strides = array<i32>} : memref<64x128xf32, #tpu.memory_space<vmem>>, vector<1x16xf32>,
      } {sc.loop_unroll_factor = 2 : i64, sc.parallel_access}
      %sub3A_316 = arith.constant 1 : i32
      %sub3A_317 = arith.subi %add3A_305, %sub3A_316 : i32
      %add3A_318 = arith.constant 10 : i32
      %add3A_319 = arith.addi %sub3A_317, %add3A_318 : i32
      %ge3A_320 = arith.constant 1 : i32
      %ge3A_321 = arith.cmpi sge, %add3A_305, %ge3A_320 : i32
      %lt3A_322 = arith.constant 100 : i32
      %lt3A_323 = arith.cmpi slt, %add3A_319, %lt3A_322 : i32
      %and3A_324 = arith.andi %ge3A_321, %lt3A_323 : i1
      %convert_element_type3A_325 = arith.extui %and3A_324 : i1 to i32
      %cond3A_326 = arith.constant 0 : i32
      %cond3A_327 = arith.cmpi ne, %convert_element_type3A_325, %cond3A_326 : i32
      scf.if %cond3A_327 {
        %add3A_459 = arith.constant 0 : i32
        %add3A_460 = arith.addi %mul3A_86, %add3A_459 : i32
        %dma_wait3A_461 = arith.constant 0 : i32
        %dma_wait3A_462 = tpu.memref_slice %arg4[%add3A_460, %dma_wait3A_461] : memref<204800x128xf32, #tpu.memory_space<hbm>> -> memref<64x128xf32, #tpu.memory_space<hbm>>
        %dma_wait3A_463 = arith.constant 0 : i32
        %dma_wait3A_464 = tpu.memref_slice %arg4[%add3A_460, %dma_wait3A_463] : memref<204800x128xf32, #tpu.memory_space<hbm>> -> memref<64x128xf32, #tpu.memory_space<hbm>>
        tpu.wait_dma2 semaphore(%arg30 : memref<!tpu.dma_semaphore, #tpu.memory_space<semaphore_mem>>) src(%arg10 : memref<64x128xf32, #tpu.memory_space<vmem>>) dst(%dma_wait3A_464 : memref<64x128xf32, #tpu.memory_space<hbm>>)
        %add3A_465 = arith.addi %sub3A_5, %add3A_319 : i32
        %dma_start3A_466 = arith.constant 0 : i32
        %dma_start3A_467 = tpu.memref_slice %arg5[%add3A_465, %dma_start3A_466] : memref<112x64xi32, #tpu.memory_space<vmem>> -> memref<1x64xi32, #tpu.memory_space<vmem>>
        %dma_start3A_468 = tpu.memref_squeeze %dma_start3A_467 : memref<1x64xi32, #tpu.memory_space<vmem>> -> memref<64xi32, #tpu.memory_space<vmem>>
        %dma_start3A_469 = arith.constant 0 : i32
        %dma_start3A_470 = arith.constant 0 : i32
        %dma_start3A_471 = tpu.memref_slice %arg2[%dma_start3A_469, %dma_start3A_470] : memref<100000x128xf32, #tpu.memory_space<hbm>> -> memref<100000x128xf32, #tpu.memory_space<hbm>>
        tpu.enqueue_indirect_dma source(%dma_start3A_471 : memref<100000x128xf32, #tpu.memory_space<hbm>>) target(%arg10 : memref<64x128xf32, #tpu.memory_space<vmem>>) offsets(%dma_start3A_468 : memref<64xi32, #tpu.memory_space<vmem>>) semaphore(%arg20 : memref<!tpu.dma_semaphore, #tpu.memory_space<semaphore_mem>>)
      } else {
      }
      %mul3A_328 = arith.constant 64 : i32
      %mul3A_329 = arith.muli %add3A_305, %mul3A_328 : i32
      %add3A_330 = arith.addi %mul3A_86, %mul3A_329 : i32
      %dma_start3A_331 = arith.constant 0 : i32
      %dma_start3A_332 = tpu.memref_slice %arg4[%add3A_330, %dma_start3A_331] : memref<204800x128xf32, #tpu.memory_space<hbm>> -> memref<64x128xf32, #tpu.memory_space<hbm>>
      %dma_start3A_333 = arith.constant 0 : i32
      %dma_start3A_334 = tpu.memref_slice %arg4[%add3A_330, %dma_start3A_333] : memref<204800x128xf32, #tpu.memory_space<hbm>> -> memref<64x128xf32, #tpu.memory_space<hbm>>
      tpu.enqueue_dma source(%arg11 : memref<64x128xf32, #tpu.memory_space<vmem>>) target(%dma_start3A_334 : memref<64x128xf32, #tpu.memory_space<hbm>>) target_semaphore(%arg31 : memref<!tpu.dma_semaphore, #tpu.memory_space<semaphore_mem>>)
      %add3A_335 = arith.constant 6 : i32
      %add3A_336 = arith.addi %add3A_154, %add3A_335 : i32
      %dma_wait3A_337 = arith.constant 0 : i32
      %dma_wait3A_338 = arith.constant 0 : i32
      %dma_wait3A_339 = tpu.memref_slice %arg5[%dma_wait3A_337, %dma_wait3A_338] : memref<112x64xi32, #tpu.memory_space<vmem>> -> memref<1x64xi32, #tpu.memory_space<vmem>>
      %dma_wait3A_340 = tpu.memref_squeeze %dma_wait3A_339 : memref<1x64xi32, #tpu.memory_space<vmem>> -> memref<64xi32, #tpu.memory_space<vmem>>
      %dma_wait3A_341 = arith.constant 0 : i32
      %dma_wait3A_342 = arith.constant 0 : i32
      %dma_wait3A_343 = tpu.memref_slice %arg2[%dma_wait3A_341, %dma_wait3A_342] : memref<100000x128xf32, #tpu.memory_space<hbm>> -> memref<100000x128xf32, #tpu.memory_space<hbm>>
      tpu.wait_indirect_dma semaphore(%arg22 : memref<!tpu.dma_semaphore, #tpu.memory_space<semaphore_mem>>) src(%dma_wait3A_343 : memref<100000x128xf32, #tpu.memory_space<hbm>>) dst(%arg12 : memref<64x128xf32, #tpu.memory_space<vmem>>)
      %parallel_loop3A_344 = arith.constant 0 : i32
      %parallel_loop3A_345 = arith.constant 64 : i32
      %parallel_loop3A_346 = arith.constant 1 : i32
      scf.for %parallel_loop3A_459 = %parallel_loop3A_344 to %parallel_loop3A_345 step %parallel_loop3A_346  : i32 {
        %parallel_loop3A_460 = arith.index_cast %parallel_loop3A_459 : i32 to index
        %parallel_loop3A_461 = arith.constant 0 : index
        %parallel_loop3A_462 = tpu.vector_load %arg12[%parallel_loop3A_460, %parallel_loop3A_461] {strides = array<i32>} : memref<64x128xf32, #tpu.memory_space<vmem>>, vector<1x16xf32>,
        %parallel_loop3A_463 = vector.shape_cast %parallel_loop3A_462 : vector<1x16xf32> to vector<16xf32>
        %parallel_loop3A_464 = arith.constant 11.3137083 : f32
        %parallel_loop3A_465 = vector.broadcast %parallel_loop3A_464 : f32 to vector<16xf32>
        %parallel_loop3A_466 = arith.mulf %parallel_loop3A_463, %parallel_loop3A_465 : vector<16xf32>
        %parallel_loop3A_467 = arith.index_cast %parallel_loop3A_459 : i32 to index
        %parallel_loop3A_468 = arith.constant 0 : index
        %parallel_loop3A_469 = tpu.vector_load %arg12[%parallel_loop3A_467, %parallel_loop3A_468] {strides = array<i32>} : memref<64x128xf32, #tpu.memory_space<vmem>>, vector<1x16xf32>,
        %parallel_loop3A_470 = vector.shape_cast %parallel_loop3A_469 : vector<1x16xf32> to vector<16xf32>
        %parallel_loop3A_471 = vector.shape_cast %parallel_loop3A_466 : vector<16xf32> to vector<1x16xf32>
        tpu.vector_store %arg12[%parallel_loop3A_467, %parallel_loop3A_468], %parallel_loop3A_471 {strides = array<i32>} : memref<64x128xf32, #tpu.memory_space<vmem>>, vector<1x16xf32>,
        %parallel_loop3A_472 = arith.index_cast %parallel_loop3A_459 : i32 to index
        %parallel_loop3A_473 = arith.constant 16 : index
        %parallel_loop3A_474 = tpu.vector_load %arg12[%parallel_loop3A_472, %parallel_loop3A_473] {strides = array<i32>} : memref<64x128xf32, #tpu.memory_space<vmem>>, vector<1x16xf32>,
        %parallel_loop3A_475 = vector.shape_cast %parallel_loop3A_474 : vector<1x16xf32> to vector<16xf32>
        %parallel_loop3A_476 = arith.constant 11.3137083 : f32
        %parallel_loop3A_477 = vector.broadcast %parallel_loop3A_476 : f32 to vector<16xf32>
        %parallel_loop3A_478 = arith.mulf %parallel_loop3A_475, %parallel_loop3A_477 : vector<16xf32>
        %parallel_loop3A_479 = arith.index_cast %parallel_loop3A_459 : i32 to index
        %parallel_loop3A_480 = arith.constant 16 : index
        %parallel_loop3A_481 = tpu.vector_load %arg12[%parallel_loop3A_479, %parallel_loop3A_480] {strides = array<i32>} : memref<64x128xf32, #tpu.memory_space<vmem>>, vector<1x16xf32>,
        %parallel_loop3A_482 = vector.shape_cast %parallel_loop3A_481 : vector<1x16xf32> to vector<16xf32>
        %parallel_loop3A_483 = vector.shape_cast %parallel_loop3A_478 : vector<16xf32> to vector<1x16xf32>
        tpu.vector_store %arg12[%parallel_loop3A_479, %parallel_loop3A_480], %parallel_loop3A_483 {strides = array<i32>} : memref<64x128xf32, #tpu.memory_space<vmem>>, vector<1x16xf32>,
        %parallel_loop3A_484 = arith.index_cast %parallel_loop3A_459 : i32 to index
        %parallel_loop3A_485 = arith.constant 32 : index
        %parallel_loop3A_486 = tpu.vector_load %arg12[%parallel_loop3A_484, %parallel_loop3A_485] {strides = array<i32>} : memref<64x128xf32, #tpu.memory_space<vmem>>, vector<1x16xf32>,
        %parallel_loop3A_487 = vector.shape_cast %parallel_loop3A_486 : vector<1x16xf32> to vector<16xf32>
        %parallel_loop3A_488 = arith.constant 11.3137083 : f32
        %parallel_loop3A_489 = vector.broadcast %parallel_loop3A_488 : f32 to vector<16xf32>
        %parallel_loop3A_490 = arith.mulf %parallel_loop3A_487, %parallel_loop3A_489 : vector<16xf32>
        %parallel_loop3A_491 = arith.index_cast %parallel_loop3A_459 : i32 to index
        %parallel_loop3A_492 = arith.constant 32 : index
        %parallel_loop3A_493 = tpu.vector_load %arg12[%parallel_loop3A_491, %parallel_loop3A_492] {strides = array<i32>} : memref<64x128xf32, #tpu.memory_space<vmem>>, vector<1x16xf32>,
        %parallel_loop3A_494 = vector.shape_cast %parallel_loop3A_493 : vector<1x16xf32> to vector<16xf32>
        %parallel_loop3A_495 = vector.shape_cast %parallel_loop3A_490 : vector<16xf32> to vector<1x16xf32>
        tpu.vector_store %arg12[%parallel_loop3A_491, %parallel_loop3A_492], %parallel_loop3A_495 {strides = array<i32>} : memref<64x128xf32, #tpu.memory_space<vmem>>, vector<1x16xf32>,
        %parallel_loop3A_496 = arith.index_cast %parallel_loop3A_459 : i32 to index
        %parallel_loop3A_497 = arith.constant 48 : index
        %parallel_loop3A_498 = tpu.vector_load %arg12[%parallel_loop3A_496, %parallel_loop3A_497] {strides = array<i32>} : memref<64x128xf32, #tpu.memory_space<vmem>>, vector<1x16xf32>,
        %parallel_loop3A_499 = vector.shape_cast %parallel_loop3A_498 : vector<1x16xf32> to vector<16xf32>
        %parallel_loop3A_500 = arith.constant 11.3137083 : f32
        %parallel_loop3A_501 = vector.broadcast %parallel_loop3A_500 : f32 to vector<16xf32>
        %parallel_loop3A_502 = arith.mulf %parallel_loop3A_499, %parallel_loop3A_501 : vector<16xf32>
        %parallel_loop3A_503 = arith.index_cast %parallel_loop3A_459 : i32 to index
        %parallel_loop3A_504 = arith.constant 48 : index
        %parallel_loop3A_505 = tpu.vector_load %arg12[%parallel_loop3A_503, %parallel_loop3A_504] {strides = array<i32>} : memref<64x128xf32, #tpu.memory_space<vmem>>, vector<1x16xf32>,
        %parallel_loop3A_506 = vector.shape_cast %parallel_loop3A_505 : vector<1x16xf32> to vector<16xf32>
        %parallel_loop3A_507 = vector.shape_cast %parallel_loop3A_502 : vector<16xf32> to vector<1x16xf32>
        tpu.vector_store %arg12[%parallel_loop3A_503, %parallel_loop3A_504], %parallel_loop3A_507 {strides = array<i32>} : memref<64x128xf32, #tpu.memory_space<vmem>>, vector<1x16xf32>,
        %parallel_loop3A_508 = arith.index_cast %parallel_loop3A_459 : i32 to index
        %parallel_loop3A_509 = arith.constant 64 : index
        %parallel_loop3A_510 = tpu.vector_load %arg12[%parallel_loop3A_508, %parallel_loop3A_509] {strides = array<i32>} : memref<64x128xf32, #tpu.memory_space<vmem>>, vector<1x16xf32>,
        %parallel_loop3A_511 = vector.shape_cast %parallel_loop3A_510 : vector<1x16xf32> to vector<16xf32>
        %parallel_loop3A_512 = arith.constant 11.3137083 : f32
        %parallel_loop3A_513 = vector.broadcast %parallel_loop3A_512 : f32 to vector<16xf32>
        %parallel_loop3A_514 = arith.mulf %parallel_loop3A_511, %parallel_loop3A_513 : vector<16xf32>
        %parallel_loop3A_515 = arith.index_cast %parallel_loop3A_459 : i32 to index
        %parallel_loop3A_516 = arith.constant 64 : index
        %parallel_loop3A_517 = tpu.vector_load %arg12[%parallel_loop3A_515, %parallel_loop3A_516] {strides = array<i32>} : memref<64x128xf32, #tpu.memory_space<vmem>>, vector<1x16xf32>,
        %parallel_loop3A_518 = vector.shape_cast %parallel_loop3A_517 : vector<1x16xf32> to vector<16xf32>
        %parallel_loop3A_519 = vector.shape_cast %parallel_loop3A_514 : vector<16xf32> to vector<1x16xf32>
        tpu.vector_store %arg12[%parallel_loop3A_515, %parallel_loop3A_516], %parallel_loop3A_519 {strides = array<i32>} : memref<64x128xf32, #tpu.memory_space<vmem>>, vector<1x16xf32>,
        %parallel_loop3A_520 = arith.index_cast %parallel_loop3A_459 : i32 to index
        %parallel_loop3A_521 = arith.constant 80 : index
        %parallel_loop3A_522 = tpu.vector_load %arg12[%parallel_loop3A_520, %parallel_loop3A_521] {strides = array<i32>} : memref<64x128xf32, #tpu.memory_space<vmem>>, vector<1x16xf32>,
        %parallel_loop3A_523 = vector.shape_cast %parallel_loop3A_522 : vector<1x16xf32> to vector<16xf32>
        %parallel_loop3A_524 = arith.constant 11.3137083 : f32
        %parallel_loop3A_525 = vector.broadcast %parallel_loop3A_524 : f32 to vector<16xf32>
        %parallel_loop3A_526 = arith.mulf %parallel_loop3A_523, %parallel_loop3A_525 : vector<16xf32>
        %parallel_loop3A_527 = arith.index_cast %parallel_loop3A_459 : i32 to index
        %parallel_loop3A_528 = arith.constant 80 : index
        %parallel_loop3A_529 = tpu.vector_load %arg12[%parallel_loop3A_527, %parallel_loop3A_528] {strides = array<i32>} : memref<64x128xf32, #tpu.memory_space<vmem>>, vector<1x16xf32>,
        %parallel_loop3A_530 = vector.shape_cast %parallel_loop3A_529 : vector<1x16xf32> to vector<16xf32>
        %parallel_loop3A_531 = vector.shape_cast %parallel_loop3A_526 : vector<16xf32> to vector<1x16xf32>
        tpu.vector_store %arg12[%parallel_loop3A_527, %parallel_loop3A_528], %parallel_loop3A_531 {strides = array<i32>} : memref<64x128xf32, #tpu.memory_space<vmem>>, vector<1x16xf32>,
        %parallel_loop3A_532 = arith.index_cast %parallel_loop3A_459 : i32 to index
        %parallel_loop3A_533 = arith.constant 96 : index
        %parallel_loop3A_534 = tpu.vector_load %arg12[%parallel_loop3A_532, %parallel_loop3A_533] {strides = array<i32>} : memref<64x128xf32, #tpu.memory_space<vmem>>, vector<1x16xf32>,
        %parallel_loop3A_535 = vector.shape_cast %parallel_loop3A_534 : vector<1x16xf32> to vector<16xf32>
        %parallel_loop3A_536 = arith.constant 11.3137083 : f32
        %parallel_loop3A_537 = vector.broadcast %parallel_loop3A_536 : f32 to vector<16xf32>
        %parallel_loop3A_538 = arith.mulf %parallel_loop3A_535, %parallel_loop3A_537 : vector<16xf32>
        %parallel_loop3A_539 = arith.index_cast %parallel_loop3A_459 : i32 to index
        %parallel_loop3A_540 = arith.constant 96 : index
        %parallel_loop3A_541 = tpu.vector_load %arg12[%parallel_loop3A_539, %parallel_loop3A_540] {strides = array<i32>} : memref<64x128xf32, #tpu.memory_space<vmem>>, vector<1x16xf32>,
        %parallel_loop3A_542 = vector.shape_cast %parallel_loop3A_541 : vector<1x16xf32> to vector<16xf32>
        %parallel_loop3A_543 = vector.shape_cast %parallel_loop3A_538 : vector<16xf32> to vector<1x16xf32>
        tpu.vector_store %arg12[%parallel_loop3A_539, %parallel_loop3A_540], %parallel_loop3A_543 {strides = array<i32>} : memref<64x128xf32, #tpu.memory_space<vmem>>, vector<1x16xf32>,
        %parallel_loop3A_544 = arith.index_cast %parallel_loop3A_459 : i32 to index
        %parallel_loop3A_545 = arith.constant 112 : index
        %parallel_loop3A_546 = tpu.vector_load %arg12[%parallel_loop3A_544, %parallel_loop3A_545] {strides = array<i32>} : memref<64x128xf32, #tpu.memory_space<vmem>>, vector<1x16xf32>,
        %parallel_loop3A_547 = vector.shape_cast %parallel_loop3A_546 : vector<1x16xf32> to vector<16xf32>
        %parallel_loop3A_548 = arith.constant 11.3137083 : f32
        %parallel_loop3A_549 = vector.broadcast %parallel_loop3A_548 : f32 to vector<16xf32>
        %parallel_loop3A_550 = arith.mulf %parallel_loop3A_547, %parallel_loop3A_549 : vector<16xf32>
        %parallel_loop3A_551 = arith.index_cast %parallel_loop3A_459 : i32 to index
        %parallel_loop3A_552 = arith.constant 112 : index
        %parallel_loop3A_553 = tpu.vector_load %arg12[%parallel_loop3A_551, %parallel_loop3A_552] {strides = array<i32>} : memref<64x128xf32, #tpu.memory_space<vmem>>, vector<1x16xf32>,
        %parallel_loop3A_554 = vector.shape_cast %parallel_loop3A_553 : vector<1x16xf32> to vector<16xf32>
        %parallel_loop3A_555 = vector.shape_cast %parallel_loop3A_550 : vector<16xf32> to vector<1x16xf32>
        tpu.vector_store %arg12[%parallel_loop3A_551, %parallel_loop3A_552], %parallel_loop3A_555 {strides = array<i32>} : memref<64x128xf32, #tpu.memory_space<vmem>>, vector<1x16xf32>,
      } {sc.loop_unroll_factor = 2 : i64, sc.parallel_access}
      %sub3A_347 = arith.constant 1 : i32
      %sub3A_348 = arith.subi %add3A_336, %sub3A_347 : i32
      %add3A_349 = arith.constant 10 : i32
      %add3A_350 = arith.addi %sub3A_348, %add3A_349 : i32
      %ge3A_351 = arith.constant 1 : i32
      %ge3A_352 = arith.cmpi sge, %add3A_336, %ge3A_351 : i32
      %lt3A_353 = arith.constant 100 : i32
      %lt3A_354 = arith.cmpi slt, %add3A_350, %lt3A_353 : i32
      %and3A_355 = arith.andi %ge3A_352, %lt3A_354 : i1
      %convert_element_type3A_356 = arith.extui %and3A_355 : i1 to i32
      %cond3A_357 = arith.constant 0 : i32
      %cond3A_358 = arith.cmpi ne, %convert_element_type3A_356, %cond3A_357 : i32
      scf.if %cond3A_358 {
        %add3A_459 = arith.constant 0 : i32
        %add3A_460 = arith.addi %mul3A_86, %add3A_459 : i32
        %dma_wait3A_461 = arith.constant 0 : i32
        %dma_wait3A_462 = tpu.memref_slice %arg4[%add3A_460, %dma_wait3A_461] : memref<204800x128xf32, #tpu.memory_space<hbm>> -> memref<64x128xf32, #tpu.memory_space<hbm>>
        %dma_wait3A_463 = arith.constant 0 : i32
        %dma_wait3A_464 = tpu.memref_slice %arg4[%add3A_460, %dma_wait3A_463] : memref<204800x128xf32, #tpu.memory_space<hbm>> -> memref<64x128xf32, #tpu.memory_space<hbm>>
        tpu.wait_dma2 semaphore(%arg31 : memref<!tpu.dma_semaphore, #tpu.memory_space<semaphore_mem>>) src(%arg11 : memref<64x128xf32, #tpu.memory_space<vmem>>) dst(%dma_wait3A_464 : memref<64x128xf32, #tpu.memory_space<hbm>>)
        %add3A_465 = arith.addi %sub3A_5, %add3A_350 : i32
        %dma_start3A_466 = arith.constant 0 : i32
        %dma_start3A_467 = tpu.memref_slice %arg5[%add3A_465, %dma_start3A_466] : memref<112x64xi32, #tpu.memory_space<vmem>> -> memref<1x64xi32, #tpu.memory_space<vmem>>
        %dma_start3A_468 = tpu.memref_squeeze %dma_start3A_467 : memref<1x64xi32, #tpu.memory_space<vmem>> -> memref<64xi32, #tpu.memory_space<vmem>>
        %dma_start3A_469 = arith.constant 0 : i32
        %dma_start3A_470 = arith.constant 0 : i32
        %dma_start3A_471 = tpu.memref_slice %arg2[%dma_start3A_469, %dma_start3A_470] : memref<100000x128xf32, #tpu.memory_space<hbm>> -> memref<100000x128xf32, #tpu.memory_space<hbm>>
        tpu.enqueue_indirect_dma source(%dma_start3A_471 : memref<100000x128xf32, #tpu.memory_space<hbm>>) target(%arg11 : memref<64x128xf32, #tpu.memory_space<vmem>>) offsets(%dma_start3A_468 : memref<64xi32, #tpu.memory_space<vmem>>) semaphore(%arg21 : memref<!tpu.dma_semaphore, #tpu.memory_space<semaphore_mem>>)
      } else {
      }
      %mul3A_359 = arith.constant 64 : i32
      %mul3A_360 = arith.muli %add3A_336, %mul3A_359 : i32
      %add3A_361 = arith.addi %mul3A_86, %mul3A_360 : i32
      %dma_start3A_362 = arith.constant 0 : i32
      %dma_start3A_363 = tpu.memref_slice %arg4[%add3A_361, %dma_start3A_362] : memref<204800x128xf32, #tpu.memory_space<hbm>> -> memref<64x128xf32, #tpu.memory_space<hbm>>
      %dma_start3A_364 = arith.constant 0 : i32
      %dma_start3A_365 = tpu.memref_slice %arg4[%add3A_361, %dma_start3A_364] : memref<204800x128xf32, #tpu.memory_space<hbm>> -> memref<64x128xf32, #tpu.memory_space<hbm>>
      tpu.enqueue_dma source(%arg12 : memref<64x128xf32, #tpu.memory_space<vmem>>) target(%dma_start3A_365 : memref<64x128xf32, #tpu.memory_space<hbm>>) target_semaphore(%arg32 : memref<!tpu.dma_semaphore, #tpu.memory_space<semaphore_mem>>)
      %add3A_366 = arith.constant 7 : i32
      %add3A_367 = arith.addi %add3A_154, %add3A_366 : i32
      %dma_wait3A_368 = arith.constant 0 : i32
      %dma_wait3A_369 = arith.constant 0 : i32
      %dma_wait3A_370 = tpu.memref_slice %arg5[%dma_wait3A_368, %dma_wait3A_369] : memref<112x64xi32, #tpu.memory_space<vmem>> -> memref<1x64xi32, #tpu.memory_space<vmem>>
      %dma_wait3A_371 = tpu.memref_squeeze %dma_wait3A_370 : memref<1x64xi32, #tpu.memory_space<vmem>> -> memref<64xi32, #tpu.memory_space<vmem>>
      %dma_wait3A_372 = arith.constant 0 : i32
      %dma_wait3A_373 = arith.constant 0 : i32
      %dma_wait3A_374 = tpu.memref_slice %arg2[%dma_wait3A_372, %dma_wait3A_373] : memref<100000x128xf32, #tpu.memory_space<hbm>> -> memref<100000x128xf32, #tpu.memory_space<hbm>>
      tpu.wait_indirect_dma semaphore(%arg23 : memref<!tpu.dma_semaphore, #tpu.memory_space<semaphore_mem>>) src(%dma_wait3A_374 : memref<100000x128xf32, #tpu.memory_space<hbm>>) dst(%arg13 : memref<64x128xf32, #tpu.memory_space<vmem>>)
      %parallel_loop3A_375 = arith.constant 0 : i32
      %parallel_loop3A_376 = arith.constant 64 : i32
      %parallel_loop3A_377 = arith.constant 1 : i32
      scf.for %parallel_loop3A_459 = %parallel_loop3A_375 to %parallel_loop3A_376 step %parallel_loop3A_377  : i32 {
        %parallel_loop3A_460 = arith.index_cast %parallel_loop3A_459 : i32 to index
        %parallel_loop3A_461 = arith.constant 0 : index
        %parallel_loop3A_462 = tpu.vector_load %arg13[%parallel_loop3A_460, %parallel_loop3A_461] {strides = array<i32>} : memref<64x128xf32, #tpu.memory_space<vmem>>, vector<1x16xf32>,
        %parallel_loop3A_463 = vector.shape_cast %parallel_loop3A_462 : vector<1x16xf32> to vector<16xf32>
        %parallel_loop3A_464 = arith.constant 11.3137083 : f32
        %parallel_loop3A_465 = vector.broadcast %parallel_loop3A_464 : f32 to vector<16xf32>
        %parallel_loop3A_466 = arith.mulf %parallel_loop3A_463, %parallel_loop3A_465 : vector<16xf32>
        %parallel_loop3A_467 = arith.index_cast %parallel_loop3A_459 : i32 to index
        %parallel_loop3A_468 = arith.constant 0 : index
        %parallel_loop3A_469 = tpu.vector_load %arg13[%parallel_loop3A_467, %parallel_loop3A_468] {strides = array<i32>} : memref<64x128xf32, #tpu.memory_space<vmem>>, vector<1x16xf32>,
        %parallel_loop3A_470 = vector.shape_cast %parallel_loop3A_469 : vector<1x16xf32> to vector<16xf32>
        %parallel_loop3A_471 = vector.shape_cast %parallel_loop3A_466 : vector<16xf32> to vector<1x16xf32>
        tpu.vector_store %arg13[%parallel_loop3A_467, %parallel_loop3A_468], %parallel_loop3A_471 {strides = array<i32>} : memref<64x128xf32, #tpu.memory_space<vmem>>, vector<1x16xf32>,
        %parallel_loop3A_472 = arith.index_cast %parallel_loop3A_459 : i32 to index
        %parallel_loop3A_473 = arith.constant 16 : index
        %parallel_loop3A_474 = tpu.vector_load %arg13[%parallel_loop3A_472, %parallel_loop3A_473] {strides = array<i32>} : memref<64x128xf32, #tpu.memory_space<vmem>>, vector<1x16xf32>,
        %parallel_loop3A_475 = vector.shape_cast %parallel_loop3A_474 : vector<1x16xf32> to vector<16xf32>
        %parallel_loop3A_476 = arith.constant 11.3137083 : f32
        %parallel_loop3A_477 = vector.broadcast %parallel_loop3A_476 : f32 to vector<16xf32>
        %parallel_loop3A_478 = arith.mulf %parallel_loop3A_475, %parallel_loop3A_477 : vector<16xf32>
        %parallel_loop3A_479 = arith.index_cast %parallel_loop3A_459 : i32 to index
        %parallel_loop3A_480 = arith.constant 16 : index
        %parallel_loop3A_481 = tpu.vector_load %arg13[%parallel_loop3A_479, %parallel_loop3A_480] {strides = array<i32>} : memref<64x128xf32, #tpu.memory_space<vmem>>, vector<1x16xf32>,
        %parallel_loop3A_482 = vector.shape_cast %parallel_loop3A_481 : vector<1x16xf32> to vector<16xf32>
        %parallel_loop3A_483 = vector.shape_cast %parallel_loop3A_478 : vector<16xf32> to vector<1x16xf32>
        tpu.vector_store %arg13[%parallel_loop3A_479, %parallel_loop3A_480], %parallel_loop3A_483 {strides = array<i32>} : memref<64x128xf32, #tpu.memory_space<vmem>>, vector<1x16xf32>,
        %parallel_loop3A_484 = arith.index_cast %parallel_loop3A_459 : i32 to index
        %parallel_loop3A_485 = arith.constant 32 : index
        %parallel_loop3A_486 = tpu.vector_load %arg13[%parallel_loop3A_484, %parallel_loop3A_485] {strides = array<i32>} : memref<64x128xf32, #tpu.memory_space<vmem>>, vector<1x16xf32>,
        %parallel_loop3A_487 = vector.shape_cast %parallel_loop3A_486 : vector<1x16xf32> to vector<16xf32>
        %parallel_loop3A_488 = arith.constant 11.3137083 : f32
        %parallel_loop3A_489 = vector.broadcast %parallel_loop3A_488 : f32 to vector<16xf32>
        %parallel_loop3A_490 = arith.mulf %parallel_loop3A_487, %parallel_loop3A_489 : vector<16xf32>
        %parallel_loop3A_491 = arith.index_cast %parallel_loop3A_459 : i32 to index
        %parallel_loop3A_492 = arith.constant 32 : index
        %parallel_loop3A_493 = tpu.vector_load %arg13[%parallel_loop3A_491, %parallel_loop3A_492] {strides = array<i32>} : memref<64x128xf32, #tpu.memory_space<vmem>>, vector<1x16xf32>,
        %parallel_loop3A_494 = vector.shape_cast %parallel_loop3A_493 : vector<1x16xf32> to vector<16xf32>
        %parallel_loop3A_495 = vector.shape_cast %parallel_loop3A_490 : vector<16xf32> to vector<1x16xf32>
        tpu.vector_store %arg13[%parallel_loop3A_491, %parallel_loop3A_492], %parallel_loop3A_495 {strides = array<i32>} : memref<64x128xf32, #tpu.memory_space<vmem>>, vector<1x16xf32>,
        %parallel_loop3A_496 = arith.index_cast %parallel_loop3A_459 : i32 to index
        %parallel_loop3A_497 = arith.constant 48 : index
        %parallel_loop3A_498 = tpu.vector_load %arg13[%parallel_loop3A_496, %parallel_loop3A_497] {strides = array<i32>} : memref<64x128xf32, #tpu.memory_space<vmem>>, vector<1x16xf32>,
        %parallel_loop3A_499 = vector.shape_cast %parallel_loop3A_498 : vector<1x16xf32> to vector<16xf32>
        %parallel_loop3A_500 = arith.constant 11.3137083 : f32
        %parallel_loop3A_501 = vector.broadcast %parallel_loop3A_500 : f32 to vector<16xf32>
        %parallel_loop3A_502 = arith.mulf %parallel_loop3A_499, %parallel_loop3A_501 : vector<16xf32>
        %parallel_loop3A_503 = arith.index_cast %parallel_loop3A_459 : i32 to index
        %parallel_loop3A_504 = arith.constant 48 : index
        %parallel_loop3A_505 = tpu.vector_load %arg13[%parallel_loop3A_503, %parallel_loop3A_504] {strides = array<i32>} : memref<64x128xf32, #tpu.memory_space<vmem>>, vector<1x16xf32>,
        %parallel_loop3A_506 = vector.shape_cast %parallel_loop3A_505 : vector<1x16xf32> to vector<16xf32>
        %parallel_loop3A_507 = vector.shape_cast %parallel_loop3A_502 : vector<16xf32> to vector<1x16xf32>
        tpu.vector_store %arg13[%parallel_loop3A_503, %parallel_loop3A_504], %parallel_loop3A_507 {strides = array<i32>} : memref<64x128xf32, #tpu.memory_space<vmem>>, vector<1x16xf32>,
        %parallel_loop3A_508 = arith.index_cast %parallel_loop3A_459 : i32 to index
        %parallel_loop3A_509 = arith.constant 64 : index
        %parallel_loop3A_510 = tpu.vector_load %arg13[%parallel_loop3A_508, %parallel_loop3A_509] {strides = array<i32>} : memref<64x128xf32, #tpu.memory_space<vmem>>, vector<1x16xf32>,
        %parallel_loop3A_511 = vector.shape_cast %parallel_loop3A_510 : vector<1x16xf32> to vector<16xf32>
        %parallel_loop3A_512 = arith.constant 11.3137083 : f32
        %parallel_loop3A_513 = vector.broadcast %parallel_loop3A_512 : f32 to vector<16xf32>
        %parallel_loop3A_514 = arith.mulf %parallel_loop3A_511, %parallel_loop3A_513 : vector<16xf32>
        %parallel_loop3A_515 = arith.index_cast %parallel_loop3A_459 : i32 to index
        %parallel_loop3A_516 = arith.constant 64 : index
        %parallel_loop3A_517 = tpu.vector_load %arg13[%parallel_loop3A_515, %parallel_loop3A_516] {strides = array<i32>} : memref<64x128xf32, #tpu.memory_space<vmem>>, vector<1x16xf32>,
        %parallel_loop3A_518 = vector.shape_cast %parallel_loop3A_517 : vector<1x16xf32> to vector<16xf32>
        %parallel_loop3A_519 = vector.shape_cast %parallel_loop3A_514 : vector<16xf32> to vector<1x16xf32>
        tpu.vector_store %arg13[%parallel_loop3A_515, %parallel_loop3A_516], %parallel_loop3A_519 {strides = array<i32>} : memref<64x128xf32, #tpu.memory_space<vmem>>, vector<1x16xf32>,
        %parallel_loop3A_520 = arith.index_cast %parallel_loop3A_459 : i32 to index
        %parallel_loop3A_521 = arith.constant 80 : index
        %parallel_loop3A_522 = tpu.vector_load %arg13[%parallel_loop3A_520, %parallel_loop3A_521] {strides = array<i32>} : memref<64x128xf32, #tpu.memory_space<vmem>>, vector<1x16xf32>,
        %parallel_loop3A_523 = vector.shape_cast %parallel_loop3A_522 : vector<1x16xf32> to vector<16xf32>
        %parallel_loop3A_524 = arith.constant 11.3137083 : f32
        %parallel_loop3A_525 = vector.broadcast %parallel_loop3A_524 : f32 to vector<16xf32>
        %parallel_loop3A_526 = arith.mulf %parallel_loop3A_523, %parallel_loop3A_525 : vector<16xf32>
        %parallel_loop3A_527 = arith.index_cast %parallel_loop3A_459 : i32 to index
        %parallel_loop3A_528 = arith.constant 80 : index
        %parallel_loop3A_529 = tpu.vector_load %arg13[%parallel_loop3A_527, %parallel_loop3A_528] {strides = array<i32>} : memref<64x128xf32, #tpu.memory_space<vmem>>, vector<1x16xf32>,
        %parallel_loop3A_530 = vector.shape_cast %parallel_loop3A_529 : vector<1x16xf32> to vector<16xf32>
        %parallel_loop3A_531 = vector.shape_cast %parallel_loop3A_526 : vector<16xf32> to vector<1x16xf32>
        tpu.vector_store %arg13[%parallel_loop3A_527, %parallel_loop3A_528], %parallel_loop3A_531 {strides = array<i32>} : memref<64x128xf32, #tpu.memory_space<vmem>>, vector<1x16xf32>,
        %parallel_loop3A_532 = arith.index_cast %parallel_loop3A_459 : i32 to index
        %parallel_loop3A_533 = arith.constant 96 : index
        %parallel_loop3A_534 = tpu.vector_load %arg13[%parallel_loop3A_532, %parallel_loop3A_533] {strides = array<i32>} : memref<64x128xf32, #tpu.memory_space<vmem>>, vector<1x16xf32>,
        %parallel_loop3A_535 = vector.shape_cast %parallel_loop3A_534 : vector<1x16xf32> to vector<16xf32>
        %parallel_loop3A_536 = arith.constant 11.3137083 : f32
        %parallel_loop3A_537 = vector.broadcast %parallel_loop3A_536 : f32 to vector<16xf32>
        %parallel_loop3A_538 = arith.mulf %parallel_loop3A_535, %parallel_loop3A_537 : vector<16xf32>
        %parallel_loop3A_539 = arith.index_cast %parallel_loop3A_459 : i32 to index
        %parallel_loop3A_540 = arith.constant 96 : index
        %parallel_loop3A_541 = tpu.vector_load %arg13[%parallel_loop3A_539, %parallel_loop3A_540] {strides = array<i32>} : memref<64x128xf32, #tpu.memory_space<vmem>>, vector<1x16xf32>,
        %parallel_loop3A_542 = vector.shape_cast %parallel_loop3A_541 : vector<1x16xf32> to vector<16xf32>
        %parallel_loop3A_543 = vector.shape_cast %parallel_loop3A_538 : vector<16xf32> to vector<1x16xf32>
        tpu.vector_store %arg13[%parallel_loop3A_539, %parallel_loop3A_540], %parallel_loop3A_543 {strides = array<i32>} : memref<64x128xf32, #tpu.memory_space<vmem>>, vector<1x16xf32>,
        %parallel_loop3A_544 = arith.index_cast %parallel_loop3A_459 : i32 to index
        %parallel_loop3A_545 = arith.constant 112 : index
        %parallel_loop3A_546 = tpu.vector_load %arg13[%parallel_loop3A_544, %parallel_loop3A_545] {strides = array<i32>} : memref<64x128xf32, #tpu.memory_space<vmem>>, vector<1x16xf32>,
        %parallel_loop3A_547 = vector.shape_cast %parallel_loop3A_546 : vector<1x16xf32> to vector<16xf32>
        %parallel_loop3A_548 = arith.constant 11.3137083 : f32
        %parallel_loop3A_549 = vector.broadcast %parallel_loop3A_548 : f32 to vector<16xf32>
        %parallel_loop3A_550 = arith.mulf %parallel_loop3A_547, %parallel_loop3A_549 : vector<16xf32>
        %parallel_loop3A_551 = arith.index_cast %parallel_loop3A_459 : i32 to index
        %parallel_loop3A_552 = arith.constant 112 : index
        %parallel_loop3A_553 = tpu.vector_load %arg13[%parallel_loop3A_551, %parallel_loop3A_552] {strides = array<i32>} : memref<64x128xf32, #tpu.memory_space<vmem>>, vector<1x16xf32>,
        %parallel_loop3A_554 = vector.shape_cast %parallel_loop3A_553 : vector<1x16xf32> to vector<16xf32>
        %parallel_loop3A_555 = vector.shape_cast %parallel_loop3A_550 : vector<16xf32> to vector<1x16xf32>
        tpu.vector_store %arg13[%parallel_loop3A_551, %parallel_loop3A_552], %parallel_loop3A_555 {strides = array<i32>} : memref<64x128xf32, #tpu.memory_space<vmem>>, vector<1x16xf32>,
      } {sc.loop_unroll_factor = 2 : i64, sc.parallel_access}
      %sub3A_378 = arith.constant 1 : i32
      %sub3A_379 = arith.subi %add3A_367, %sub3A_378 : i32
      %add3A_380 = arith.constant 10 : i32
      %add3A_381 = arith.addi %sub3A_379, %add3A_380 : i32
      %ge3A_382 = arith.constant 1 : i32
      %ge3A_383 = arith.cmpi sge, %add3A_367, %ge3A_382 : i32
      %lt3A_384 = arith.constant 100 : i32
      %lt3A_385 = arith.cmpi slt, %add3A_381, %lt3A_384 : i32
      %and3A_386 = arith.andi %ge3A_383, %lt3A_385 : i1
      %convert_element_type3A_387 = arith.extui %and3A_386 : i1 to i32
      %cond3A_388 = arith.constant 0 : i32
      %cond3A_389 = arith.cmpi ne, %convert_element_type3A_387, %cond3A_388 : i32
      scf.if %cond3A_389 {
        %add3A_459 = arith.constant 0 : i32
        %add3A_460 = arith.addi %mul3A_86, %add3A_459 : i32
        %dma_wait3A_461 = arith.constant 0 : i32
        %dma_wait3A_462 = tpu.memref_slice %arg4[%add3A_460, %dma_wait3A_461] : memref<204800x128xf32, #tpu.memory_space<hbm>> -> memref<64x128xf32, #tpu.memory_space<hbm>>
        %dma_wait3A_463 = arith.constant 0 : i32
        %dma_wait3A_464 = tpu.memref_slice %arg4[%add3A_460, %dma_wait3A_463] : memref<204800x128xf32, #tpu.memory_space<hbm>> -> memref<64x128xf32, #tpu.memory_space<hbm>>
        tpu.wait_dma2 semaphore(%arg32 : memref<!tpu.dma_semaphore, #tpu.memory_space<semaphore_mem>>) src(%arg12 : memref<64x128xf32, #tpu.memory_space<vmem>>) dst(%dma_wait3A_464 : memref<64x128xf32, #tpu.memory_space<hbm>>)
        %add3A_465 = arith.addi %sub3A_5, %add3A_381 : i32
        %dma_start3A_466 = arith.constant 0 : i32
        %dma_start3A_467 = tpu.memref_slice %arg5[%add3A_465, %dma_start3A_466] : memref<112x64xi32, #tpu.memory_space<vmem>> -> memref<1x64xi32, #tpu.memory_space<vmem>>
        %dma_start3A_468 = tpu.memref_squeeze %dma_start3A_467 : memref<1x64xi32, #tpu.memory_space<vmem>> -> memref<64xi32, #tpu.memory_space<vmem>>
        %dma_start3A_469 = arith.constant 0 : i32
        %dma_start3A_470 = arith.constant 0 : i32
        %dma_start3A_471 = tpu.memref_slice %arg2[%dma_start3A_469, %dma_start3A_470] : memref<100000x128xf32, #tpu.memory_space<hbm>> -> memref<100000x128xf32, #tpu.memory_space<hbm>>
        tpu.enqueue_indirect_dma source(%dma_start3A_471 : memref<100000x128xf32, #tpu.memory_space<hbm>>) target(%arg12 : memref<64x128xf32, #tpu.memory_space<vmem>>) offsets(%dma_start3A_468 : memref<64xi32, #tpu.memory_space<vmem>>) semaphore(%arg22 : memref<!tpu.dma_semaphore, #tpu.memory_space<semaphore_mem>>)
      } else {
      }
      %mul3A_390 = arith.constant 64 : i32
      %mul3A_391 = arith.muli %add3A_367, %mul3A_390 : i32
      %add3A_392 = arith.addi %mul3A_86, %mul3A_391 : i32
      %dma_start3A_393 = arith.constant 0 : i32
      %dma_start3A_394 = tpu.memref_slice %arg4[%add3A_392, %dma_start3A_393] : memref<204800x128xf32, #tpu.memory_space<hbm>> -> memref<64x128xf32, #tpu.memory_space<hbm>>
      %dma_start3A_395 = arith.constant 0 : i32
      %dma_start3A_396 = tpu.memref_slice %arg4[%add3A_392, %dma_start3A_395] : memref<204800x128xf32, #tpu.memory_space<hbm>> -> memref<64x128xf32, #tpu.memory_space<hbm>>
      tpu.enqueue_dma source(%arg13 : memref<64x128xf32, #tpu.memory_space<vmem>>) target(%dma_start3A_396 : memref<64x128xf32, #tpu.memory_space<hbm>>) target_semaphore(%arg33 : memref<!tpu.dma_semaphore, #tpu.memory_space<semaphore_mem>>)
      %add3A_397 = arith.constant 8 : i32
      %add3A_398 = arith.addi %add3A_154, %add3A_397 : i32
      %dma_wait3A_399 = arith.constant 0 : i32
      %dma_wait3A_400 = arith.constant 0 : i32
      %dma_wait3A_401 = tpu.memref_slice %arg5[%dma_wait3A_399, %dma_wait3A_400] : memref<112x64xi32, #tpu.memory_space<vmem>> -> memref<1x64xi32, #tpu.memory_space<vmem>>
      %dma_wait3A_402 = tpu.memref_squeeze %dma_wait3A_401 : memref<1x64xi32, #tpu.memory_space<vmem>> -> memref<64xi32, #tpu.memory_space<vmem>>
      %dma_wait3A_403 = arith.constant 0 : i32
      %dma_wait3A_404 = arith.constant 0 : i32
      %dma_wait3A_405 = tpu.memref_slice %arg2[%dma_wait3A_403, %dma_wait3A_404] : memref<100000x128xf32, #tpu.memory_space<hbm>> -> memref<100000x128xf32, #tpu.memory_space<hbm>>
      tpu.wait_indirect_dma semaphore(%arg24 : memref<!tpu.dma_semaphore, #tpu.memory_space<semaphore_mem>>) src(%dma_wait3A_405 : memref<100000x128xf32, #tpu.memory_space<hbm>>) dst(%arg14 : memref<64x128xf32, #tpu.memory_space<vmem>>)
      %parallel_loop3A_406 = arith.constant 0 : i32
      %parallel_loop3A_407 = arith.constant 64 : i32
      %parallel_loop3A_408 = arith.constant 1 : i32
      scf.for %parallel_loop3A_459 = %parallel_loop3A_406 to %parallel_loop3A_407 step %parallel_loop3A_408  : i32 {
        %parallel_loop3A_460 = arith.index_cast %parallel_loop3A_459 : i32 to index
        %parallel_loop3A_461 = arith.constant 0 : index
        %parallel_loop3A_462 = tpu.vector_load %arg14[%parallel_loop3A_460, %parallel_loop3A_461] {strides = array<i32>} : memref<64x128xf32, #tpu.memory_space<vmem>>, vector<1x16xf32>,
        %parallel_loop3A_463 = vector.shape_cast %parallel_loop3A_462 : vector<1x16xf32> to vector<16xf32>
        %parallel_loop3A_464 = arith.constant 11.3137083 : f32
        %parallel_loop3A_465 = vector.broadcast %parallel_loop3A_464 : f32 to vector<16xf32>
        %parallel_loop3A_466 = arith.mulf %parallel_loop3A_463, %parallel_loop3A_465 : vector<16xf32>
        %parallel_loop3A_467 = arith.index_cast %parallel_loop3A_459 : i32 to index
        %parallel_loop3A_468 = arith.constant 0 : index
        %parallel_loop3A_469 = tpu.vector_load %arg14[%parallel_loop3A_467, %parallel_loop3A_468] {strides = array<i32>} : memref<64x128xf32, #tpu.memory_space<vmem>>, vector<1x16xf32>,
        %parallel_loop3A_470 = vector.shape_cast %parallel_loop3A_469 : vector<1x16xf32> to vector<16xf32>
        %parallel_loop3A_471 = vector.shape_cast %parallel_loop3A_466 : vector<16xf32> to vector<1x16xf32>
        tpu.vector_store %arg14[%parallel_loop3A_467, %parallel_loop3A_468], %parallel_loop3A_471 {strides = array<i32>} : memref<64x128xf32, #tpu.memory_space<vmem>>, vector<1x16xf32>,
        %parallel_loop3A_472 = arith.index_cast %parallel_loop3A_459 : i32 to index
        %parallel_loop3A_473 = arith.constant 16 : index
        %parallel_loop3A_474 = tpu.vector_load %arg14[%parallel_loop3A_472, %parallel_loop3A_473] {strides = array<i32>} : memref<64x128xf32, #tpu.memory_space<vmem>>, vector<1x16xf32>,
        %parallel_loop3A_475 = vector.shape_cast %parallel_loop3A_474 : vector<1x16xf32> to vector<16xf32>
        %parallel_loop3A_476 = arith.constant 11.3137083 : f32
        %parallel_loop3A_477 = vector.broadcast %parallel_loop3A_476 : f32 to vector<16xf32>
        %parallel_loop3A_478 = arith.mulf %parallel_loop3A_475, %parallel_loop3A_477 : vector<16xf32>
        %parallel_loop3A_479 = arith.index_cast %parallel_loop3A_459 : i32 to index
        %parallel_loop3A_480 = arith.constant 16 : index
        %parallel_loop3A_481 = tpu.vector_load %arg14[%parallel_loop3A_479, %parallel_loop3A_480] {strides = array<i32>} : memref<64x128xf32, #tpu.memory_space<vmem>>, vector<1x16xf32>,
        %parallel_loop3A_482 = vector.shape_cast %parallel_loop3A_481 : vector<1x16xf32> to vector<16xf32>
        %parallel_loop3A_483 = vector.shape_cast %parallel_loop3A_478 : vector<16xf32> to vector<1x16xf32>
        tpu.vector_store %arg14[%parallel_loop3A_479, %parallel_loop3A_480], %parallel_loop3A_483 {strides = array<i32>} : memref<64x128xf32, #tpu.memory_space<vmem>>, vector<1x16xf32>,
        %parallel_loop3A_484 = arith.index_cast %parallel_loop3A_459 : i32 to index
        %parallel_loop3A_485 = arith.constant 32 : index
        %parallel_loop3A_486 = tpu.vector_load %arg14[%parallel_loop3A_484, %parallel_loop3A_485] {strides = array<i32>} : memref<64x128xf32, #tpu.memory_space<vmem>>, vector<1x16xf32>,
        %parallel_loop3A_487 = vector.shape_cast %parallel_loop3A_486 : vector<1x16xf32> to vector<16xf32>
        %parallel_loop3A_488 = arith.constant 11.3137083 : f32
        %parallel_loop3A_489 = vector.broadcast %parallel_loop3A_488 : f32 to vector<16xf32>
        %parallel_loop3A_490 = arith.mulf %parallel_loop3A_487, %parallel_loop3A_489 : vector<16xf32>
        %parallel_loop3A_491 = arith.index_cast %parallel_loop3A_459 : i32 to index
        %parallel_loop3A_492 = arith.constant 32 : index
        %parallel_loop3A_493 = tpu.vector_load %arg14[%parallel_loop3A_491, %parallel_loop3A_492] {strides = array<i32>} : memref<64x128xf32, #tpu.memory_space<vmem>>, vector<1x16xf32>,
        %parallel_loop3A_494 = vector.shape_cast %parallel_loop3A_493 : vector<1x16xf32> to vector<16xf32>
        %parallel_loop3A_495 = vector.shape_cast %parallel_loop3A_490 : vector<16xf32> to vector<1x16xf32>
        tpu.vector_store %arg14[%parallel_loop3A_491, %parallel_loop3A_492], %parallel_loop3A_495 {strides = array<i32>} : memref<64x128xf32, #tpu.memory_space<vmem>>, vector<1x16xf32>,
        %parallel_loop3A_496 = arith.index_cast %parallel_loop3A_459 : i32 to index
        %parallel_loop3A_497 = arith.constant 48 : index
        %parallel_loop3A_498 = tpu.vector_load %arg14[%parallel_loop3A_496, %parallel_loop3A_497] {strides = array<i32>} : memref<64x128xf32, #tpu.memory_space<vmem>>, vector<1x16xf32>,
        %parallel_loop3A_499 = vector.shape_cast %parallel_loop3A_498 : vector<1x16xf32> to vector<16xf32>
        %parallel_loop3A_500 = arith.constant 11.3137083 : f32
        %parallel_loop3A_501 = vector.broadcast %parallel_loop3A_500 : f32 to vector<16xf32>
        %parallel_loop3A_502 = arith.mulf %parallel_loop3A_499, %parallel_loop3A_501 : vector<16xf32>
        %parallel_loop3A_503 = arith.index_cast %parallel_loop3A_459 : i32 to index
        %parallel_loop3A_504 = arith.constant 48 : index
        %parallel_loop3A_505 = tpu.vector_load %arg14[%parallel_loop3A_503, %parallel_loop3A_504] {strides = array<i32>} : memref<64x128xf32, #tpu.memory_space<vmem>>, vector<1x16xf32>,
        %parallel_loop3A_506 = vector.shape_cast %parallel_loop3A_505 : vector<1x16xf32> to vector<16xf32>
        %parallel_loop3A_507 = vector.shape_cast %parallel_loop3A_502 : vector<16xf32> to vector<1x16xf32>
        tpu.vector_store %arg14[%parallel_loop3A_503, %parallel_loop3A_504], %parallel_loop3A_507 {strides = array<i32>} : memref<64x128xf32, #tpu.memory_space<vmem>>, vector<1x16xf32>,
        %parallel_loop3A_508 = arith.index_cast %parallel_loop3A_459 : i32 to index
        %parallel_loop3A_509 = arith.constant 64 : index
        %parallel_loop3A_510 = tpu.vector_load %arg14[%parallel_loop3A_508, %parallel_loop3A_509] {strides = array<i32>} : memref<64x128xf32, #tpu.memory_space<vmem>>, vector<1x16xf32>,
        %parallel_loop3A_511 = vector.shape_cast %parallel_loop3A_510 : vector<1x16xf32> to vector<16xf32>
        %parallel_loop3A_512 = arith.constant 11.3137083 : f32
        %parallel_loop3A_513 = vector.broadcast %parallel_loop3A_512 : f32 to vector<16xf32>
        %parallel_loop3A_514 = arith.mulf %parallel_loop3A_511, %parallel_loop3A_513 : vector<16xf32>
        %parallel_loop3A_515 = arith.index_cast %parallel_loop3A_459 : i32 to index
        %parallel_loop3A_516 = arith.constant 64 : index
        %parallel_loop3A_517 = tpu.vector_load %arg14[%parallel_loop3A_515, %parallel_loop3A_516] {strides = array<i32>} : memref<64x128xf32, #tpu.memory_space<vmem>>, vector<1x16xf32>,
        %parallel_loop3A_518 = vector.shape_cast %parallel_loop3A_517 : vector<1x16xf32> to vector<16xf32>
        %parallel_loop3A_519 = vector.shape_cast %parallel_loop3A_514 : vector<16xf32> to vector<1x16xf32>
        tpu.vector_store %arg14[%parallel_loop3A_515, %parallel_loop3A_516], %parallel_loop3A_519 {strides = array<i32>} : memref<64x128xf32, #tpu.memory_space<vmem>>, vector<1x16xf32>,
        %parallel_loop3A_520 = arith.index_cast %parallel_loop3A_459 : i32 to index
        %parallel_loop3A_521 = arith.constant 80 : index
        %parallel_loop3A_522 = tpu.vector_load %arg14[%parallel_loop3A_520, %parallel_loop3A_521] {strides = array<i32>} : memref<64x128xf32, #tpu.memory_space<vmem>>, vector<1x16xf32>,
        %parallel_loop3A_523 = vector.shape_cast %parallel_loop3A_522 : vector<1x16xf32> to vector<16xf32>
        %parallel_loop3A_524 = arith.constant 11.3137083 : f32
        %parallel_loop3A_525 = vector.broadcast %parallel_loop3A_524 : f32 to vector<16xf32>
        %parallel_loop3A_526 = arith.mulf %parallel_loop3A_523, %parallel_loop3A_525 : vector<16xf32>
        %parallel_loop3A_527 = arith.index_cast %parallel_loop3A_459 : i32 to index
        %parallel_loop3A_528 = arith.constant 80 : index
        %parallel_loop3A_529 = tpu.vector_load %arg14[%parallel_loop3A_527, %parallel_loop3A_528] {strides = array<i32>} : memref<64x128xf32, #tpu.memory_space<vmem>>, vector<1x16xf32>,
        %parallel_loop3A_530 = vector.shape_cast %parallel_loop3A_529 : vector<1x16xf32> to vector<16xf32>
        %parallel_loop3A_531 = vector.shape_cast %parallel_loop3A_526 : vector<16xf32> to vector<1x16xf32>
        tpu.vector_store %arg14[%parallel_loop3A_527, %parallel_loop3A_528], %parallel_loop3A_531 {strides = array<i32>} : memref<64x128xf32, #tpu.memory_space<vmem>>, vector<1x16xf32>,
        %parallel_loop3A_532 = arith.index_cast %parallel_loop3A_459 : i32 to index
        %parallel_loop3A_533 = arith.constant 96 : index
        %parallel_loop3A_534 = tpu.vector_load %arg14[%parallel_loop3A_532, %parallel_loop3A_533] {strides = array<i32>} : memref<64x128xf32, #tpu.memory_space<vmem>>, vector<1x16xf32>,
        %parallel_loop3A_535 = vector.shape_cast %parallel_loop3A_534 : vector<1x16xf32> to vector<16xf32>
        %parallel_loop3A_536 = arith.constant 11.3137083 : f32
        %parallel_loop3A_537 = vector.broadcast %parallel_loop3A_536 : f32 to vector<16xf32>
        %parallel_loop3A_538 = arith.mulf %parallel_loop3A_535, %parallel_loop3A_537 : vector<16xf32>
        %parallel_loop3A_539 = arith.index_cast %parallel_loop3A_459 : i32 to index
        %parallel_loop3A_540 = arith.constant 96 : index
        %parallel_loop3A_541 = tpu.vector_load %arg14[%parallel_loop3A_539, %parallel_loop3A_540] {strides = array<i32>} : memref<64x128xf32, #tpu.memory_space<vmem>>, vector<1x16xf32>,
        %parallel_loop3A_542 = vector.shape_cast %parallel_loop3A_541 : vector<1x16xf32> to vector<16xf32>
        %parallel_loop3A_543 = vector.shape_cast %parallel_loop3A_538 : vector<16xf32> to vector<1x16xf32>
        tpu.vector_store %arg14[%parallel_loop3A_539, %parallel_loop3A_540], %parallel_loop3A_543 {strides = array<i32>} : memref<64x128xf32, #tpu.memory_space<vmem>>, vector<1x16xf32>,
        %parallel_loop3A_544 = arith.index_cast %parallel_loop3A_459 : i32 to index
        %parallel_loop3A_545 = arith.constant 112 : index
        %parallel_loop3A_546 = tpu.vector_load %arg14[%parallel_loop3A_544, %parallel_loop3A_545] {strides = array<i32>} : memref<64x128xf32, #tpu.memory_space<vmem>>, vector<1x16xf32>,
        %parallel_loop3A_547 = vector.shape_cast %parallel_loop3A_546 : vector<1x16xf32> to vector<16xf32>
        %parallel_loop3A_548 = arith.constant 11.3137083 : f32
        %parallel_loop3A_549 = vector.broadcast %parallel_loop3A_548 : f32 to vector<16xf32>
        %parallel_loop3A_550 = arith.mulf %parallel_loop3A_547, %parallel_loop3A_549 : vector<16xf32>
        %parallel_loop3A_551 = arith.index_cast %parallel_loop3A_459 : i32 to index
        %parallel_loop3A_552 = arith.constant 112 : index
        %parallel_loop3A_553 = tpu.vector_load %arg14[%parallel_loop3A_551, %parallel_loop3A_552] {strides = array<i32>} : memref<64x128xf32, #tpu.memory_space<vmem>>, vector<1x16xf32>,
        %parallel_loop3A_554 = vector.shape_cast %parallel_loop3A_553 : vector<1x16xf32> to vector<16xf32>
        %parallel_loop3A_555 = vector.shape_cast %parallel_loop3A_550 : vector<16xf32> to vector<1x16xf32>
        tpu.vector_store %arg14[%parallel_loop3A_551, %parallel_loop3A_552], %parallel_loop3A_555 {strides = array<i32>} : memref<64x128xf32, #tpu.memory_space<vmem>>, vector<1x16xf32>,
      } {sc.loop_unroll_factor = 2 : i64, sc.parallel_access}
      %sub3A_409 = arith.constant 1 : i32
      %sub3A_410 = arith.subi %add3A_398, %sub3A_409 : i32
      %add3A_411 = arith.constant 10 : i32
      %add3A_412 = arith.addi %sub3A_410, %add3A_411 : i32
      %ge3A_413 = arith.constant 1 : i32
      %ge3A_414 = arith.cmpi sge, %add3A_398, %ge3A_413 : i32
      %lt3A_415 = arith.constant 100 : i32
      %lt3A_416 = arith.cmpi slt, %add3A_412, %lt3A_415 : i32
      %and3A_417 = arith.andi %ge3A_414, %lt3A_416 : i1
      %convert_element_type3A_418 = arith.extui %and3A_417 : i1 to i32
      %cond3A_419 = arith.constant 0 : i32
      %cond3A_420 = arith.cmpi ne, %convert_element_type3A_418, %cond3A_419 : i32
      scf.if %cond3A_420 {
        %add3A_459 = arith.constant 0 : i32
        %add3A_460 = arith.addi %mul3A_86, %add3A_459 : i32
        %dma_wait3A_461 = arith.constant 0 : i32
        %dma_wait3A_462 = tpu.memref_slice %arg4[%add3A_460, %dma_wait3A_461] : memref<204800x128xf32, #tpu.memory_space<hbm>> -> memref<64x128xf32, #tpu.memory_space<hbm>>
        %dma_wait3A_463 = arith.constant 0 : i32
        %dma_wait3A_464 = tpu.memref_slice %arg4[%add3A_460, %dma_wait3A_463] : memref<204800x128xf32, #tpu.memory_space<hbm>> -> memref<64x128xf32, #tpu.memory_space<hbm>>
        tpu.wait_dma2 semaphore(%arg33 : memref<!tpu.dma_semaphore, #tpu.memory_space<semaphore_mem>>) src(%arg13 : memref<64x128xf32, #tpu.memory_space<vmem>>) dst(%dma_wait3A_464 : memref<64x128xf32, #tpu.memory_space<hbm>>)
        %add3A_465 = arith.addi %sub3A_5, %add3A_412 : i32
        %dma_start3A_466 = arith.constant 0 : i32
        %dma_start3A_467 = tpu.memref_slice %arg5[%add3A_465, %dma_start3A_466] : memref<112x64xi32, #tpu.memory_space<vmem>> -> memref<1x64xi32, #tpu.memory_space<vmem>>
        %dma_start3A_468 = tpu.memref_squeeze %dma_start3A_467 : memref<1x64xi32, #tpu.memory_space<vmem>> -> memref<64xi32, #tpu.memory_space<vmem>>
        %dma_start3A_469 = arith.constant 0 : i32
        %dma_start3A_470 = arith.constant 0 : i32
        %dma_start3A_471 = tpu.memref_slice %arg2[%dma_start3A_469, %dma_start3A_470] : memref<100000x128xf32, #tpu.memory_space<hbm>> -> memref<100000x128xf32, #tpu.memory_space<hbm>>
        tpu.enqueue_indirect_dma source(%dma_start3A_471 : memref<100000x128xf32, #tpu.memory_space<hbm>>) target(%arg13 : memref<64x128xf32, #tpu.memory_space<vmem>>) offsets(%dma_start3A_468 : memref<64xi32, #tpu.memory_space<vmem>>) semaphore(%arg23 : memref<!tpu.dma_semaphore, #tpu.memory_space<semaphore_mem>>)
      } else {
      }
      %mul3A_421 = arith.constant 64 : i32
      %mul3A_422 = arith.muli %add3A_398, %mul3A_421 : i32
      %add3A_423 = arith.addi %mul3A_86, %mul3A_422 : i32
      %dma_start3A_424 = arith.constant 0 : i32
      %dma_start3A_425 = tpu.memref_slice %arg4[%add3A_423, %dma_start3A_424] : memref<204800x128xf32, #tpu.memory_space<hbm>> -> memref<64x128xf32, #tpu.memory_space<hbm>>
      %dma_start3A_426 = arith.constant 0 : i32
      %dma_start3A_427 = tpu.memref_slice %arg4[%add3A_423, %dma_start3A_426] : memref<204800x128xf32, #tpu.memory_space<hbm>> -> memref<64x128xf32, #tpu.memory_space<hbm>>
      tpu.enqueue_dma source(%arg14 : memref<64x128xf32, #tpu.memory_space<vmem>>) target(%dma_start3A_427 : memref<64x128xf32, #tpu.memory_space<hbm>>) target_semaphore(%arg34 : memref<!tpu.dma_semaphore, #tpu.memory_space<semaphore_mem>>)
      %add3A_428 = arith.constant 9 : i32
      %add3A_429 = arith.addi %add3A_154, %add3A_428 : i32
      %dma_wait3A_430 = arith.constant 0 : i32
      %dma_wait3A_431 = arith.constant 0 : i32
      %dma_wait3A_432 = tpu.memref_slice %arg5[%dma_wait3A_430, %dma_wait3A_431] : memref<112x64xi32, #tpu.memory_space<vmem>> -> memref<1x64xi32, #tpu.memory_space<vmem>>
      %dma_wait3A_433 = tpu.memref_squeeze %dma_wait3A_432 : memref<1x64xi32, #tpu.memory_space<vmem>> -> memref<64xi32, #tpu.memory_space<vmem>>
      %dma_wait3A_434 = arith.constant 0 : i32
      %dma_wait3A_435 = arith.constant 0 : i32
      %dma_wait3A_436 = tpu.memref_slice %arg2[%dma_wait3A_434, %dma_wait3A_435] : memref<100000x128xf32, #tpu.memory_space<hbm>> -> memref<100000x128xf32, #tpu.memory_space<hbm>>
      tpu.wait_indirect_dma semaphore(%arg25 : memref<!tpu.dma_semaphore, #tpu.memory_space<semaphore_mem>>) src(%dma_wait3A_436 : memref<100000x128xf32, #tpu.memory_space<hbm>>) dst(%arg15 : memref<64x128xf32, #tpu.memory_space<vmem>>)
      %parallel_loop3A_437 = arith.constant 0 : i32
      %parallel_loop3A_438 = arith.constant 64 : i32
      %parallel_loop3A_439 = arith.constant 1 : i32
      scf.for %parallel_loop3A_459 = %parallel_loop3A_437 to %parallel_loop3A_438 step %parallel_loop3A_439  : i32 {
        %parallel_loop3A_460 = arith.index_cast %parallel_loop3A_459 : i32 to index
        %parallel_loop3A_461 = arith.constant 0 : index
        %parallel_loop3A_462 = tpu.vector_load %arg15[%parallel_loop3A_460, %parallel_loop3A_461] {strides = array<i32>} : memref<64x128xf32, #tpu.memory_space<vmem>>, vector<1x16xf32>,
        %parallel_loop3A_463 = vector.shape_cast %parallel_loop3A_462 : vector<1x16xf32> to vector<16xf32>
        %parallel_loop3A_464 = arith.constant 11.3137083 : f32
        %parallel_loop3A_465 = vector.broadcast %parallel_loop3A_464 : f32 to vector<16xf32>
        %parallel_loop3A_466 = arith.mulf %parallel_loop3A_463, %parallel_loop3A_465 : vector<16xf32>
        %parallel_loop3A_467 = arith.index_cast %parallel_loop3A_459 : i32 to index
        %parallel_loop3A_468 = arith.constant 0 : index
        %parallel_loop3A_469 = tpu.vector_load %arg15[%parallel_loop3A_467, %parallel_loop3A_468] {strides = array<i32>} : memref<64x128xf32, #tpu.memory_space<vmem>>, vector<1x16xf32>,
        %parallel_loop3A_470 = vector.shape_cast %parallel_loop3A_469 : vector<1x16xf32> to vector<16xf32>
        %parallel_loop3A_471 = vector.shape_cast %parallel_loop3A_466 : vector<16xf32> to vector<1x16xf32>
        tpu.vector_store %arg15[%parallel_loop3A_467, %parallel_loop3A_468], %parallel_loop3A_471 {strides = array<i32>} : memref<64x128xf32, #tpu.memory_space<vmem>>, vector<1x16xf32>,
        %parallel_loop3A_472 = arith.index_cast %parallel_loop3A_459 : i32 to index
        %parallel_loop3A_473 = arith.constant 16 : index
        %parallel_loop3A_474 = tpu.vector_load %arg15[%parallel_loop3A_472, %parallel_loop3A_473] {strides = array<i32>} : memref<64x128xf32, #tpu.memory_space<vmem>>, vector<1x16xf32>,
        %parallel_loop3A_475 = vector.shape_cast %parallel_loop3A_474 : vector<1x16xf32> to vector<16xf32>
        %parallel_loop3A_476 = arith.constant 11.3137083 : f32
        %parallel_loop3A_477 = vector.broadcast %parallel_loop3A_476 : f32 to vector<16xf32>
        %parallel_loop3A_478 = arith.mulf %parallel_loop3A_475, %parallel_loop3A_477 : vector<16xf32>
        %parallel_loop3A_479 = arith.index_cast %parallel_loop3A_459 : i32 to index
        %parallel_loop3A_480 = arith.constant 16 : index
        %parallel_loop3A_481 = tpu.vector_load %arg15[%parallel_loop3A_479, %parallel_loop3A_480] {strides = array<i32>} : memref<64x128xf32, #tpu.memory_space<vmem>>, vector<1x16xf32>,
        %parallel_loop3A_482 = vector.shape_cast %parallel_loop3A_481 : vector<1x16xf32> to vector<16xf32>
        %parallel_loop3A_483 = vector.shape_cast %parallel_loop3A_478 : vector<16xf32> to vector<1x16xf32>
        tpu.vector_store %arg15[%parallel_loop3A_479, %parallel_loop3A_480], %parallel_loop3A_483 {strides = array<i32>} : memref<64x128xf32, #tpu.memory_space<vmem>>, vector<1x16xf32>,
        %parallel_loop3A_484 = arith.index_cast %parallel_loop3A_459 : i32 to index
        %parallel_loop3A_485 = arith.constant 32 : index
        %parallel_loop3A_486 = tpu.vector_load %arg15[%parallel_loop3A_484, %parallel_loop3A_485] {strides = array<i32>} : memref<64x128xf32, #tpu.memory_space<vmem>>, vector<1x16xf32>,
        %parallel_loop3A_487 = vector.shape_cast %parallel_loop3A_486 : vector<1x16xf32> to vector<16xf32>
        %parallel_loop3A_488 = arith.constant 11.3137083 : f32
        %parallel_loop3A_489 = vector.broadcast %parallel_loop3A_488 : f32 to vector<16xf32>
        %parallel_loop3A_490 = arith.mulf %parallel_loop3A_487, %parallel_loop3A_489 : vector<16xf32>
        %parallel_loop3A_491 = arith.index_cast %parallel_loop3A_459 : i32 to index
        %parallel_loop3A_492 = arith.constant 32 : index
        %parallel_loop3A_493 = tpu.vector_load %arg15[%parallel_loop3A_491, %parallel_loop3A_492] {strides = array<i32>} : memref<64x128xf32, #tpu.memory_space<vmem>>, vector<1x16xf32>,
        %parallel_loop3A_494 = vector.shape_cast %parallel_loop3A_493 : vector<1x16xf32> to vector<16xf32>
        %parallel_loop3A_495 = vector.shape_cast %parallel_loop3A_490 : vector<16xf32> to vector<1x16xf32>
        tpu.vector_store %arg15[%parallel_loop3A_491, %parallel_loop3A_492], %parallel_loop3A_495 {strides = array<i32>} : memref<64x128xf32, #tpu.memory_space<vmem>>, vector<1x16xf32>,
        %parallel_loop3A_496 = arith.index_cast %parallel_loop3A_459 : i32 to index
        %parallel_loop3A_497 = arith.constant 48 : index
        %parallel_loop3A_498 = tpu.vector_load %arg15[%parallel_loop3A_496, %parallel_loop3A_497] {strides = array<i32>} : memref<64x128xf32, #tpu.memory_space<vmem>>, vector<1x16xf32>,
        %parallel_loop3A_499 = vector.shape_cast %parallel_loop3A_498 : vector<1x16xf32> to vector<16xf32>
        %parallel_loop3A_500 = arith.constant 11.3137083 : f32
        %parallel_loop3A_501 = vector.broadcast %parallel_loop3A_500 : f32 to vector<16xf32>
        %parallel_loop3A_502 = arith.mulf %parallel_loop3A_499, %parallel_loop3A_501 : vector<16xf32>
        %parallel_loop3A_503 = arith.index_cast %parallel_loop3A_459 : i32 to index
        %parallel_loop3A_504 = arith.constant 48 : index
        %parallel_loop3A_505 = tpu.vector_load %arg15[%parallel_loop3A_503, %parallel_loop3A_504] {strides = array<i32>} : memref<64x128xf32, #tpu.memory_space<vmem>>, vector<1x16xf32>,
        %parallel_loop3A_506 = vector.shape_cast %parallel_loop3A_505 : vector<1x16xf32> to vector<16xf32>
        %parallel_loop3A_507 = vector.shape_cast %parallel_loop3A_502 : vector<16xf32> to vector<1x16xf32>
        tpu.vector_store %arg15[%parallel_loop3A_503, %parallel_loop3A_504], %parallel_loop3A_507 {strides = array<i32>} : memref<64x128xf32, #tpu.memory_space<vmem>>, vector<1x16xf32>,
        %parallel_loop3A_508 = arith.index_cast %parallel_loop3A_459 : i32 to index
        %parallel_loop3A_509 = arith.constant 64 : index
        %parallel_loop3A_510 = tpu.vector_load %arg15[%parallel_loop3A_508, %parallel_loop3A_509] {strides = array<i32>} : memref<64x128xf32, #tpu.memory_space<vmem>>, vector<1x16xf32>,
        %parallel_loop3A_511 = vector.shape_cast %parallel_loop3A_510 : vector<1x16xf32> to vector<16xf32>
        %parallel_loop3A_512 = arith.constant 11.3137083 : f32
        %parallel_loop3A_513 = vector.broadcast %parallel_loop3A_512 : f32 to vector<16xf32>
        %parallel_loop3A_514 = arith.mulf %parallel_loop3A_511, %parallel_loop3A_513 : vector<16xf32>
        %parallel_loop3A_515 = arith.index_cast %parallel_loop3A_459 : i32 to index
        %parallel_loop3A_516 = arith.constant 64 : index
        %parallel_loop3A_517 = tpu.vector_load %arg15[%parallel_loop3A_515, %parallel_loop3A_516] {strides = array<i32>} : memref<64x128xf32, #tpu.memory_space<vmem>>, vector<1x16xf32>,
        %parallel_loop3A_518 = vector.shape_cast %parallel_loop3A_517 : vector<1x16xf32> to vector<16xf32>
        %parallel_loop3A_519 = vector.shape_cast %parallel_loop3A_514 : vector<16xf32> to vector<1x16xf32>
        tpu.vector_store %arg15[%parallel_loop3A_515, %parallel_loop3A_516], %parallel_loop3A_519 {strides = array<i32>} : memref<64x128xf32, #tpu.memory_space<vmem>>, vector<1x16xf32>,
        %parallel_loop3A_520 = arith.index_cast %parallel_loop3A_459 : i32 to index
        %parallel_loop3A_521 = arith.constant 80 : index
        %parallel_loop3A_522 = tpu.vector_load %arg15[%parallel_loop3A_520, %parallel_loop3A_521] {strides = array<i32>} : memref<64x128xf32, #tpu.memory_space<vmem>>, vector<1x16xf32>,
        %parallel_loop3A_523 = vector.shape_cast %parallel_loop3A_522 : vector<1x16xf32> to vector<16xf32>
        %parallel_loop3A_524 = arith.constant 11.3137083 : f32
        %parallel_loop3A_525 = vector.broadcast %parallel_loop3A_524 : f32 to vector<16xf32>
        %parallel_loop3A_526 = arith.mulf %parallel_loop3A_523, %parallel_loop3A_525 : vector<16xf32>
        %parallel_loop3A_527 = arith.index_cast %parallel_loop3A_459 : i32 to index
        %parallel_loop3A_528 = arith.constant 80 : index
        %parallel_loop3A_529 = tpu.vector_load %arg15[%parallel_loop3A_527, %parallel_loop3A_528] {strides = array<i32>} : memref<64x128xf32, #tpu.memory_space<vmem>>, vector<1x16xf32>,
        %parallel_loop3A_530 = vector.shape_cast %parallel_loop3A_529 : vector<1x16xf32> to vector<16xf32>
        %parallel_loop3A_531 = vector.shape_cast %parallel_loop3A_526 : vector<16xf32> to vector<1x16xf32>
        tpu.vector_store %arg15[%parallel_loop3A_527, %parallel_loop3A_528], %parallel_loop3A_531 {strides = array<i32>} : memref<64x128xf32, #tpu.memory_space<vmem>>, vector<1x16xf32>,
        %parallel_loop3A_532 = arith.index_cast %parallel_loop3A_459 : i32 to index
        %parallel_loop3A_533 = arith.constant 96 : index
        %parallel_loop3A_534 = tpu.vector_load %arg15[%parallel_loop3A_532, %parallel_loop3A_533] {strides = array<i32>} : memref<64x128xf32, #tpu.memory_space<vmem>>, vector<1x16xf32>,
        %parallel_loop3A_535 = vector.shape_cast %parallel_loop3A_534 : vector<1x16xf32> to vector<16xf32>
        %parallel_loop3A_536 = arith.constant 11.3137083 : f32
        %parallel_loop3A_537 = vector.broadcast %parallel_loop3A_536 : f32 to vector<16xf32>
        %parallel_loop3A_538 = arith.mulf %parallel_loop3A_535, %parallel_loop3A_537 : vector<16xf32>
        %parallel_loop3A_539 = arith.index_cast %parallel_loop3A_459 : i32 to index
        %parallel_loop3A_540 = arith.constant 96 : index
        %parallel_loop3A_541 = tpu.vector_load %arg15[%parallel_loop3A_539, %parallel_loop3A_540] {strides = array<i32>} : memref<64x128xf32, #tpu.memory_space<vmem>>, vector<1x16xf32>,
        %parallel_loop3A_542 = vector.shape_cast %parallel_loop3A_541 : vector<1x16xf32> to vector<16xf32>
        %parallel_loop3A_543 = vector.shape_cast %parallel_loop3A_538 : vector<16xf32> to vector<1x16xf32>
        tpu.vector_store %arg15[%parallel_loop3A_539, %parallel_loop3A_540], %parallel_loop3A_543 {strides = array<i32>} : memref<64x128xf32, #tpu.memory_space<vmem>>, vector<1x16xf32>,
        %parallel_loop3A_544 = arith.index_cast %parallel_loop3A_459 : i32 to index
        %parallel_loop3A_545 = arith.constant 112 : index
        %parallel_loop3A_546 = tpu.vector_load %arg15[%parallel_loop3A_544, %parallel_loop3A_545] {strides = array<i32>} : memref<64x128xf32, #tpu.memory_space<vmem>>, vector<1x16xf32>,
        %parallel_loop3A_547 = vector.shape_cast %parallel_loop3A_546 : vector<1x16xf32> to vector<16xf32>
        %parallel_loop3A_548 = arith.constant 11.3137083 : f32
        %parallel_loop3A_549 = vector.broadcast %parallel_loop3A_548 : f32 to vector<16xf32>
        %parallel_loop3A_550 = arith.mulf %parallel_loop3A_547, %parallel_loop3A_549 : vector<16xf32>
        %parallel_loop3A_551 = arith.index_cast %parallel_loop3A_459 : i32 to index
        %parallel_loop3A_552 = arith.constant 112 : index
        %parallel_loop3A_553 = tpu.vector_load %arg15[%parallel_loop3A_551, %parallel_loop3A_552] {strides = array<i32>} : memref<64x128xf32, #tpu.memory_space<vmem>>, vector<1x16xf32>,
        %parallel_loop3A_554 = vector.shape_cast %parallel_loop3A_553 : vector<1x16xf32> to vector<16xf32>
        %parallel_loop3A_555 = vector.shape_cast %parallel_loop3A_550 : vector<16xf32> to vector<1x16xf32>
        tpu.vector_store %arg15[%parallel_loop3A_551, %parallel_loop3A_552], %parallel_loop3A_555 {strides = array<i32>} : memref<64x128xf32, #tpu.memory_space<vmem>>, vector<1x16xf32>,
      } {sc.loop_unroll_factor = 2 : i64, sc.parallel_access}
      %sub3A_440 = arith.constant 1 : i32
      %sub3A_441 = arith.subi %add3A_429, %sub3A_440 : i32
      %add3A_442 = arith.constant 10 : i32
      %add3A_443 = arith.addi %sub3A_441, %add3A_442 : i32
      %ge3A_444 = arith.constant 1 : i32
      %ge3A_445 = arith.cmpi sge, %add3A_429, %ge3A_444 : i32
      %lt3A_446 = arith.constant 100 : i32
      %lt3A_447 = arith.cmpi slt, %add3A_443, %lt3A_446 : i32
      %and3A_448 = arith.andi %ge3A_445, %lt3A_447 : i1
      %convert_element_type3A_449 = arith.extui %and3A_448 : i1 to i32
      %cond3A_450 = arith.constant 0 : i32
      %cond3A_451 = arith.cmpi ne, %convert_element_type3A_449, %cond3A_450 : i32
      scf.if %cond3A_451 {
        %add3A_459 = arith.constant 0 : i32
        %add3A_460 = arith.addi %mul3A_86, %add3A_459 : i32
        %dma_wait3A_461 = arith.constant 0 : i32
        %dma_wait3A_462 = tpu.memref_slice %arg4[%add3A_460, %dma_wait3A_461] : memref<204800x128xf32, #tpu.memory_space<hbm>> -> memref<64x128xf32, #tpu.memory_space<hbm>>
        %dma_wait3A_463 = arith.constant 0 : i32
        %dma_wait3A_464 = tpu.memref_slice %arg4[%add3A_460, %dma_wait3A_463] : memref<204800x128xf32, #tpu.memory_space<hbm>> -> memref<64x128xf32, #tpu.memory_space<hbm>>
        tpu.wait_dma2 semaphore(%arg34 : memref<!tpu.dma_semaphore, #tpu.memory_space<semaphore_mem>>) src(%arg14 : memref<64x128xf32, #tpu.memory_space<vmem>>) dst(%dma_wait3A_464 : memref<64x128xf32, #tpu.memory_space<hbm>>)
        %add3A_465 = arith.addi %sub3A_5, %add3A_443 : i32
        %dma_start3A_466 = arith.constant 0 : i32
        %dma_start3A_467 = tpu.memref_slice %arg5[%add3A_465, %dma_start3A_466] : memref<112x64xi32, #tpu.memory_space<vmem>> -> memref<1x64xi32, #tpu.memory_space<vmem>>
        %dma_start3A_468 = tpu.memref_squeeze %dma_start3A_467 : memref<1x64xi32, #tpu.memory_space<vmem>> -> memref<64xi32, #tpu.memory_space<vmem>>
        %dma_start3A_469 = arith.constant 0 : i32
        %dma_start3A_470 = arith.constant 0 : i32
        %dma_start3A_471 = tpu.memref_slice %arg2[%dma_start3A_469, %dma_start3A_470] : memref<100000x128xf32, #tpu.memory_space<hbm>> -> memref<100000x128xf32, #tpu.memory_space<hbm>>
        tpu.enqueue_indirect_dma source(%dma_start3A_471 : memref<100000x128xf32, #tpu.memory_space<hbm>>) target(%arg14 : memref<64x128xf32, #tpu.memory_space<vmem>>) offsets(%dma_start3A_468 : memref<64xi32, #tpu.memory_space<vmem>>) semaphore(%arg24 : memref<!tpu.dma_semaphore, #tpu.memory_space<semaphore_mem>>)
      } else {
      }
      %mul3A_452 = arith.constant 64 : i32
      %mul3A_453 = arith.muli %add3A_429, %mul3A_452 : i32
      %add3A_454 = arith.addi %mul3A_86, %mul3A_453 : i32
      %dma_start3A_455 = arith.constant 0 : i32
      %dma_start3A_456 = tpu.memref_slice %arg4[%add3A_454, %dma_start3A_455] : memref<204800x128xf32, #tpu.memory_space<hbm>> -> memref<64x128xf32, #tpu.memory_space<hbm>>
      %dma_start3A_457 = arith.constant 0 : i32
      %dma_start3A_458 = tpu.memref_slice %arg4[%add3A_454, %dma_start3A_457] : memref<204800x128xf32, #tpu.memory_space<hbm>> -> memref<64x128xf32, #tpu.memory_space<hbm>>
      tpu.enqueue_dma source(%arg15 : memref<64x128xf32, #tpu.memory_space<vmem>>) target(%dma_start3A_458 : memref<64x128xf32, #tpu.memory_space<hbm>>) target_semaphore(%arg35 : memref<!tpu.dma_semaphore, #tpu.memory_space<semaphore_mem>>)
    }
    %scan3A_90 = arith.constant 10 : i32
    %add3A_91 = arith.constant 0 : i32
    %add3A_92 = arith.addi %mul3A_86, %add3A_91 : i32
    %dma_wait3A = arith.constant 0 : i32
    %dma_wait3A_93 = tpu.memref_slice %arg4[%add3A_92, %dma_wait3A] : memref<204800x128xf32, #tpu.memory_space<hbm>> -> memref<64x128xf32, #tpu.memory_space<hbm>>
    %dma_wait3A_94 = arith.constant 0 : i32
    %dma_wait3A_95 = tpu.memref_slice %arg4[%add3A_92, %dma_wait3A_94] : memref<204800x128xf32, #tpu.memory_space<hbm>> -> memref<64x128xf32, #tpu.memory_space<hbm>>
    tpu.wait_dma2 semaphore(%arg26 : memref<!tpu.dma_semaphore, #tpu.memory_space<semaphore_mem>>) src(%arg6 : memref<64x128xf32, #tpu.memory_space<vmem>>) dst(%dma_wait3A_95 : memref<64x128xf32, #tpu.memory_space<hbm>>)
    %add3A_96 = arith.constant 0 : i32
    %add3A_97 = arith.addi %mul3A_86, %add3A_96 : i32
    %dma_wait3A_98 = arith.constant 0 : i32
    %dma_wait3A_99 = tpu.memref_slice %arg4[%add3A_97, %dma_wait3A_98] : memref<204800x128xf32, #tpu.memory_space<hbm>> -> memref<64x128xf32, #tpu.memory_space<hbm>>
    %dma_wait3A_100 = arith.constant 0 : i32
    %dma_wait3A_101 = tpu.memref_slice %arg4[%add3A_97, %dma_wait3A_100] : memref<204800x128xf32, #tpu.memory_space<hbm>> -> memref<64x128xf32, #tpu.memory_space<hbm>>
    tpu.wait_dma2 semaphore(%arg27 : memref<!tpu.dma_semaphore, #tpu.memory_space<semaphore_mem>>) src(%arg7 : memref<64x128xf32, #tpu.memory_space<vmem>>) dst(%dma_wait3A_101 : memref<64x128xf32, #tpu.memory_space<hbm>>)
    %add3A_102 = arith.constant 0 : i32
    %add3A_103 = arith.addi %mul3A_86, %add3A_102 : i32
    %dma_wait3A_104 = arith.constant 0 : i32
    %dma_wait3A_105 = tpu.memref_slice %arg4[%add3A_103, %dma_wait3A_104] : memref<204800x128xf32, #tpu.memory_space<hbm>> -> memref<64x128xf32, #tpu.memory_space<hbm>>
    %dma_wait3A_106 = arith.constant 0 : i32
    %dma_wait3A_107 = tpu.memref_slice %arg4[%add3A_103, %dma_wait3A_106] : memref<204800x128xf32, #tpu.memory_space<hbm>> -> memref<64x128xf32, #tpu.memory_space<hbm>>
    tpu.wait_dma2 semaphore(%arg28 : memref<!tpu.dma_semaphore, #tpu.memory_space<semaphore_mem>>) src(%arg8 : memref<64x128xf32, #tpu.memory_space<vmem>>) dst(%dma_wait3A_107 : memref<64x128xf32, #tpu.memory_space<hbm>>)
    %add3A_108 = arith.constant 0 : i32
    %add3A_109 = arith.addi %mul3A_86, %add3A_108 : i32
    %dma_wait3A_110 = arith.constant 0 : i32
    %dma_wait3A_111 = tpu.memref_slice %arg4[%add3A_109, %dma_wait3A_110] : memref<204800x128xf32, #tpu.memory_space<hbm>> -> memref<64x128xf32, #tpu.memory_space<hbm>>
    %dma_wait3A_112 = arith.constant 0 : i32
    %dma_wait3A_113 = tpu.memref_slice %arg4[%add3A_109, %dma_wait3A_112] : memref<204800x128xf32, #tpu.memory_space<hbm>> -> memref<64x128xf32, #tpu.memory_space<hbm>>
    tpu.wait_dma2 semaphore(%arg29 : memref<!tpu.dma_semaphore, #tpu.memory_space<semaphore_mem>>) src(%arg9 : memref<64x128xf32, #tpu.memory_space<vmem>>) dst(%dma_wait3A_113 : memref<64x128xf32, #tpu.memory_space<hbm>>)
    %add3A_114 = arith.constant 0 : i32
    %add3A_115 = arith.addi %mul3A_86, %add3A_114 : i32
    %dma_wait3A_116 = arith.constant 0 : i32
    %dma_wait3A_117 = tpu.memref_slice %arg4[%add3A_115, %dma_wait3A_116] : memref<204800x128xf32, #tpu.memory_space<hbm>> -> memref<64x128xf32, #tpu.memory_space<hbm>>
    %dma_wait3A_118 = arith.constant 0 : i32
    %dma_wait3A_119 = tpu.memref_slice %arg4[%add3A_115, %dma_wait3A_118] : memref<204800x128xf32, #tpu.memory_space<hbm>> -> memref<64x128xf32, #tpu.memory_space<hbm>>
    tpu.wait_dma2 semaphore(%arg30 : memref<!tpu.dma_semaphore, #tpu.memory_space<semaphore_mem>>) src(%arg10 : memref<64x128xf32, #tpu.memory_space<vmem>>) dst(%dma_wait3A_119 : memref<64x128xf32, #tpu.memory_space<hbm>>)
    %add3A_120 = arith.constant 0 : i32
    %add3A_121 = arith.addi %mul3A_86, %add3A_120 : i32
    %dma_wait3A_122 = arith.constant 0 : i32
    %dma_wait3A_123 = tpu.memref_slice %arg4[%add3A_121, %dma_wait3A_122] : memref<204800x128xf32, #tpu.memory_space<hbm>> -> memref<64x128xf32, #tpu.memory_space<hbm>>
    %dma_wait3A_124 = arith.constant 0 : i32
    %dma_wait3A_125 = tpu.memref_slice %arg4[%add3A_121, %dma_wait3A_124] : memref<204800x128xf32, #tpu.memory_space<hbm>> -> memref<64x128xf32, #tpu.memory_space<hbm>>
    tpu.wait_dma2 semaphore(%arg31 : memref<!tpu.dma_semaphore, #tpu.memory_space<semaphore_mem>>) src(%arg11 : memref<64x128xf32, #tpu.memory_space<vmem>>) dst(%dma_wait3A_125 : memref<64x128xf32, #tpu.memory_space<hbm>>)
    %add3A_126 = arith.constant 0 : i32
    %add3A_127 = arith.addi %mul3A_86, %add3A_126 : i32
    %dma_wait3A_128 = arith.constant 0 : i32
    %dma_wait3A_129 = tpu.memref_slice %arg4[%add3A_127, %dma_wait3A_128] : memref<204800x128xf32, #tpu.memory_space<hbm>> -> memref<64x128xf32, #tpu.memory_space<hbm>>
    %dma_wait3A_130 = arith.constant 0 : i32
    %dma_wait3A_131 = tpu.memref_slice %arg4[%add3A_127, %dma_wait3A_130] : memref<204800x128xf32, #tpu.memory_space<hbm>> -> memref<64x128xf32, #tpu.memory_space<hbm>>
    tpu.wait_dma2 semaphore(%arg32 : memref<!tpu.dma_semaphore, #tpu.memory_space<semaphore_mem>>) src(%arg12 : memref<64x128xf32, #tpu.memory_space<vmem>>) dst(%dma_wait3A_131 : memref<64x128xf32, #tpu.memory_space<hbm>>)
    %add3A_132 = arith.constant 0 : i32
    %add3A_133 = arith.addi %mul3A_86, %add3A_132 : i32
    %dma_wait3A_134 = arith.constant 0 : i32
    %dma_wait3A_135 = tpu.memref_slice %arg4[%add3A_133, %dma_wait3A_134] : memref<204800x128xf32, #tpu.memory_space<hbm>> -> memref<64x128xf32, #tpu.memory_space<hbm>>
    %dma_wait3A_136 = arith.constant 0 : i32
    %dma_wait3A_137 = tpu.memref_slice %arg4[%add3A_133, %dma_wait3A_136] : memref<204800x128xf32, #tpu.memory_space<hbm>> -> memref<64x128xf32, #tpu.memory_space<hbm>>
    tpu.wait_dma2 semaphore(%arg33 : memref<!tpu.dma_semaphore, #tpu.memory_space<semaphore_mem>>) src(%arg13 : memref<64x128xf32, #tpu.memory_space<vmem>>) dst(%dma_wait3A_137 : memref<64x128xf32, #tpu.memory_space<hbm>>)
    %add3A_138 = arith.constant 0 : i32
    %add3A_139 = arith.addi %mul3A_86, %add3A_138 : i32
    %dma_wait3A_140 = arith.constant 0 : i32
    %dma_wait3A_141 = tpu.memref_slice %arg4[%add3A_139, %dma_wait3A_140] : memref<204800x128xf32, #tpu.memory_space<hbm>> -> memref<64x128xf32, #tpu.memory_space<hbm>>
    %dma_wait3A_142 = arith.constant 0 : i32
    %dma_wait3A_143 = tpu.memref_slice %arg4[%add3A_139, %dma_wait3A_142] : memref<204800x128xf32, #tpu.memory_space<hbm>> -> memref<64x128xf32, #tpu.memory_space<hbm>>
    tpu.wait_dma2 semaphore(%arg34 : memref<!tpu.dma_semaphore, #tpu.memory_space<semaphore_mem>>) src(%arg14 : memref<64x128xf32, #tpu.memory_space<vmem>>) dst(%dma_wait3A_143 : memref<64x128xf32, #tpu.memory_space<hbm>>)
    %add3A_144 = arith.constant 0 : i32
    %add3A_145 = arith.addi %mul3A_86, %add3A_144 : i32
    %dma_wait3A_146 = arith.constant 0 : i32
    %dma_wait3A_147 = tpu.memref_slice %arg4[%add3A_145, %dma_wait3A_146] : memref<204800x128xf32, #tpu.memory_space<hbm>> -> memref<64x128xf32, #tpu.memory_space<hbm>>
    %dma_wait3A_148 = arith.constant 0 : i32
    %dma_wait3A_149 = tpu.memref_slice %arg4[%add3A_145, %dma_wait3A_148] : memref<204800x128xf32, #tpu.memory_space<hbm>> -> memref<64x128xf32, #tpu.memory_space<hbm>>
    tpu.wait_dma2 semaphore(%arg35 : memref<!tpu.dma_semaphore, #tpu.memory_space<semaphore_mem>>) src(%arg15 : memref<64x128xf32, #tpu.memory_space<vmem>>) dst(%dma_wait3A_149 : memref<64x128xf32, #tpu.memory_space<hbm>>)
    return
  }
}

</mosaic_0001>

<sc_bundles>
// kernel: kernel.3.cloned.1.call-start
scs
__scs_entry_jumppad:
0x0: {  	(pc) =	sbr.rel $0x88, $3  }
0x1: {  	(tag) =	ssettag $0x0;
	lr =	simm.s32 $0x1  }
0x2: {  	[smem:$0x3F9F] =	sst lr;
	_ =	strace $0xD0000000  }
0x3: {  	_ = 	snop  }
0x4: {  	_ = 	snop  }
0x5: {  	_ = 	snop  }
0x6: {  	_ = 	snop  }
0x7: {  	_ = 	snop  }
__scs_overlays_trampoline_lowered:
0x8: {  	[smem:$0x3FAE] =	sst s0  }
0x9: {  	[smem:$0x3FAF] =	sst s1  }
0xa: {  	[smem:$0x3FB0] =	sst s2  }
0xb: {  	[smem:$0x3FB1] =	sst s3  }
0xc: {  	[smem:$0x3FB2] =	sst s4  }
0xd: {  	[smem:$0x3FB3] =	sst s5  }
0xe: {  	[smem:$0x3FB4] =	sst s6  }
0xf: {  	[smem:$0x3FB5] =	sst s7  }
0x10: {  	[smem:$0x3FB6] =	sst s8  }
0x11: {  	[smem:$0x3FB7] =	sst s9;
	s0 =	simm.s32 @!p0 $0x0  }
0x12: {  	s1 =	sld [smem:$0x3F9D];
	s0 =	simm.s32 @p0 $0x1  }
0x13: {  	[smem:$0x3FB8] =	sst s0;
	s0 =	simm.s32 @!p1 $0x0  }
0x14: {  	s2 =	sld [smem:$0x3F9C];
	s0 =	simm.s32 @p1 $0x1  }
0x15: {  	[smem:$0x3FB9] =	sst s0;
	s0 =	simm.s32 @!p2 $0x0  }
0x16: {  	s3 =	sld [smem:$0x3FDB];
	s0 =	simm.s32 @p2 $0x1  }
0x17: {  	s4 =	simm.s32 $0x1BF5;
	[smem:$0x3FBB] =	sst s0  }
0x18: {  	s0 =	sld [smem:$0x3F9E];
	_ =	swait.ge [sflag:s4], $0x0  }
0x19: {  	s7 =	sld [smem:$0x3F9F]  }
0x1a: {  	s8 =	sadd.s32 $0xFFFFE003, lr  }
0x1b: {  	s9 =	sadd.s32 $0xFFFFFEF7, lr;
	s5 =	simm.s32 $0xFFFFFFFF;
	p2 =	slt.u32 s8, $0xFFFFF086  }
0x1c: {  	p1 =	slt.u32 s9, $0xF7A;
	s5 =	simm.s32 @!p2 $0x0  }
0x1d: {  	s5 =	simm.s32 @p1 $0x1;
	p0 =	seq.s32 s7, s2  }
0x1e: {  	s7 =	smul.u32 @!p0 $0xF7A, s2;
	p2 =	seq.s32 @!p0 s5, $0x0  }
0x1f: {  	s9 =	smul.u32 $0xF7A, s1;
	s8 =	simm.s32 @!p0 $0x1BF5;
	p2 =	por !p2, p0  }
0x20: {  	[sflag:s8] =	ssyncset.s32 @!p0 $0xFFFFF086;
	s6 =	sadd.s32 @!p0 s3, s7;
	s7 =	simm.s32 @!p0 $0x108  }
0x21: {  	s3 =	sadd.s32 s3, s9;
	s6 =	sadd.s32 @!p0 $0x88, s6;
	s7 =	simm.s32 @p2 $0x1082  }
0x22: {  	[simem:s7], [sflag:s8] =	dma.local @!p0 [hbm:s6], $0xF7A  }
0x23: {  	s9 =	sor.u32 $0xD0000000, s2;
	s6 =	simm.s32 $0x108;
	_ =	swait.ge @!p0 [sflag:s8], $0x0  }
0x24: {  	s3 =	sadd.s32 $0x88, s3;
	s6 =	simm.s32 @!p1 $0x1082;
	[sflag:s4] =	ssyncset.s32 $0xFFFFF086  }
0x25: {  	[simem:s6], [sflag:s4] =	dma.local [hbm:s3], $0xF7A  }
0x26: {  	[smem:$0x3F9F] =	sst s1;
	(tag) =	ssettag s2;
	_ =	strace s9  }
0x27: {  	s1 =	sld [smem:$0x3FAF]  }
0x28: {  	s2 =	sld [smem:$0x3FB0]  }
0x29: {  	s4 =	sld [smem:$0x3FB2]  }
0x2a: {  	p0 =	seq.s32 s5, $0x0;
	s5 =	sld [smem:$0x3FB3]  }
0x2b: {  	s6 =	sld [smem:$0x3FB4]  }
0x2c: {  	s7 =	sld [smem:$0x3FB5]  }
0x2d: {  	s3 =	simm.s32 $0x108;
	s8 =	sld [smem:$0x3FB6]  }
0x2e: {  	s3 =	simm.s32 @!p0 $0x1082;
	s9 =	sld [smem:$0x3FB7]  }
0x2f: {  	lr =	sadd.s32 s0, s3;
	s0 =	sld [smem:$0x3FAE]  }
0x30: {  	s3 =	sld [smem:$0x3FB1]  }
0x31: {  	[smem:$0x3FBA] =	sst s10  }
0x32: {  	s10 =	sld [smem:$0x3FB8];
	_ =	sdelay $0x3  }
0x33: {  	p0 =	seq.s32 s10, $0x1;
	s10 =	sld [smem:$0x3FBA];
	_ =	sdelay $0x3  }
0x34: {  	[smem:$0x3FBA] =	sst s10  }
0x35: {  	s10 =	sld [smem:$0x3FB9];
	_ =	sdelay $0x3  }
0x36: {  	p1 =	seq.s32 s10, $0x1;
	s10 =	sld [smem:$0x3FBA];
	_ =	sdelay $0x3  }
0x37: {  	[smem:$0x3FBA] =	sst s10  }
0x38: {  	s10 =	sld [smem:$0x3FBB]  }
0x39: {  	_ = 	snop;
	(pc) =	sbr.ind lr, $3  }
0x3a: {  	_ = 	snop  }
0x3b: {  	_ = 	snop  }
0x3c: {  	p2 =	seq.s32 s10, $0x1;
	s10 =	sld [smem:$0x3FBA]  }
0x3d: {  	_ =	shalt  }
0x3e: {  	_ =	shalt  }
0x3f: {  	_ =	shalt  }
0x40: {  	_ =	shalt  }
0x41: {  	_ =	shalt  }
0x42: {  	_ =	shalt  }
0x43: {  	_ =	shalt  }
0x44: {  	_ =	shalt  }
0x45: {  	_ =	shalt  }
0x46: {  	_ =	shalt  }
0x47: {  	_ =	shalt  }
0x48: {  	_ =	shalt  }
0x49: {  	_ =	shalt  }
0x4a: {  	_ =	shalt  }
0x4b: {  	_ =	shalt  }
0x4c: {  	_ =	shalt  }
0x4d: {  	_ =	shalt  }
0x4e: {  	_ =	shalt  }
0x4f: {  	_ =	shalt  }
0x50: {  	_ =	shalt  }
0x51: {  	_ =	shalt  }
0x52: {  	_ =	shalt  }
0x53: {  	_ =	shalt  }
0x54: {  	_ =	shalt  }
0x55: {  	_ =	shalt  }
0x56: {  	_ =	shalt  }
0x57: {  	_ =	shalt  }
0x58: {  	_ =	shalt  }
0x59: {  	_ =	shalt  }
0x5a: {  	_ =	shalt  }
0x5b: {  	_ =	shalt  }
0x5c: {  	_ =	shalt  }
0x5d: {  	_ =	shalt  }
0x5e: {  	_ =	shalt  }
0x5f: {  	_ =	shalt  }
0x60: {  	_ =	shalt  }
0x61: {  	_ =	shalt  }
0x62: {  	_ =	shalt  }
0x63: {  	_ =	shalt  }
0x64: {  	_ =	shalt  }
0x65: {  	_ =	shalt  }
0x66: {  	_ =	shalt  }
0x67: {  	_ =	shalt  }
0x68: {  	_ =	shalt  }
0x69: {  	_ =	shalt  }
0x6a: {  	_ =	shalt  }
0x6b: {  	_ =	shalt  }
0x6c: {  	_ =	shalt  }
0x6d: {  	_ =	shalt  }
0x6e: {  	_ =	shalt  }
0x6f: {  	_ =	shalt  }
0x70: {  	_ =	shalt  }
0x71: {  	_ =	shalt  }
0x72: {  	_ =	shalt  }
0x73: {  	_ =	shalt  }
0x74: {  	_ =	shalt  }
0x75: {  	_ =	shalt  }
0x76: {  	_ =	shalt  }
0x77: {  	_ =	shalt  }
0x78: {  	_ =	shalt  }
0x79: {  	_ =	shalt  }
0x7a: {  	_ =	shalt  }
0x7b: {  	_ =	shalt  }
0x7c: {  	_ =	shalt  }
0x7d: {  	_ =	shalt  }
0x7e: {  	_ =	shalt  }
0x7f: {  	_ =	shalt  }
0x80: {  	_ =	shalt  }
0x81: {  	_ =	shalt  }
0x82: {  	_ =	shalt  }
0x83: {  	_ =	shalt  }
0x84: {  	_ =	shalt  }
0x85: {  	_ =	shalt  }
0x86: {  	_ =	shalt  }
0x87: {  	_ =	shalt  }
.Lfunc_end0:
.L_simem_size_0:
called_computation_lowered:
.L_overlay_start_0:
0x88: {  	s2 =	sld [smem:$0x3FD9]  }
0x89: {  	s3 =	sld [smem:$0x3FFE];
	_ =	sdelay $0x1  }
0x8a: {  	s1 =	srdreg.scid  }
0x8b: {  	s0 =	sand.u32 $0x1, s1  }
0x8c: {  	s17 =	sshll.u32 s0, $0xA;
	s2 =	sadd.s32 s3, s2  }
0x8d: {  	s2 =	sadd.s32 s2, s17  }
0x8e: {  	[smem:$0x3FC6] =	sst s2  }
0x8f: {  	_ = 	snop  }
0x90: {  	s2 =	sld [smem:$0x3FC8]  }
0x91: {  	s18 =	sld [smem:$0x3FD0];
	(tm) =	ssettm $0x1  }
0x92: {  	s4 =	sld [smem:$0x3FFB];
	_ =	sdelay $0x3  }
0x93: {  	_ =	strace s4  }
0x94: {  	s4 =	sld [smem:$0x3FFC];
	_ =	sdelay $0x3  }
0x95: {  	_ =	strace s4  }
0x96: {  	s4 =	sld [smem:$0x3FFD];
	_ =	sdelay $0x3  }
0x97: {  	_ =	strace s4  }
0x98: {  	_ =	strace $0x8FFFFFFF  }
0x99: {  	s19 =	sld [smem:$0x3FDB];
	_ =	sdelay $0x1  }
0x9a: {  	s5 =	simm.s32 $_scs_section_size  }
0x9b: {  	s6 =	simm.s32 $_size__tile_overlayer_lowered;
	s7 =	simm.s32 $_tile_overlayer_lowered  }
0x9c: {  	s22 =	simm.s32 $0x1BFF;
	s21 =	sshll.u32 s7, $0x1;
	s4 =	sadd.s32 s5, s19  }
0x9d: {  	s8 =	simm.s32 $0x0;
	s20 =	sshll.u32 s6, $0x1;
	s6 =	sadd.s32 s21, s4  }
0x9e: {  	[timem:s8], [sflag:s22] =	dma.local [hbm:s6], s20  }
0x9f: {  	_ =	swait.ge [sflag:s22], s20  }
0xa0: {  	s5 =	ssub.s32 $0x0, s20;
	[sflag:s22] =	ssyncset.done $0x0  }
0xa1: {  	[sflag:s22] =	ssyncadd.s32 s5;
	_ =	sdelay $0x1  }
0xa2: {  	s23 =	simm.s32 $0x1B8B  }
0xa3: {  	_ =	swait.ge [sflag:s23], $0x1  }
0xa4: {  	[sflag:s23] =	ssyncset.done $0x0  }
0xa5: {  	s25 =	simm.s32 $0x1B8E;
	s24 =	sld [smem:$0x3FFE];
	[sflag:s23] =	ssyncadd.s32 $0xFFFFFFFF  }
0xa6: {  	s26 =	simm.s32 $execute0_lowered;
	[smem:$0x3FD2] =	sst s25  }
0xa7: {  	s6 =	sshll.u32 s26, $0x1;
	_ =	strace $0x80000046;
	[dreg:$0x1] =	wrdreg $0xFFFFFFFF  }
0xa8: {  	s28 =	simm.s32 $_size_execute0_lowered;
	s4 =	sadd.s32 s4, s6;
	[dreg:$0x0] =	wrdreg $0x0  }
0xa9: {  	s6 =	sshll.u32 s28, $0x1;
	[dreg:$0x2] =	wrdreg s4  }
0xaa: {  	[dreg:$0x3] =	wrdreg s6  }
0xab: {  	[dreg:$0x4] =	wrdreg $0xC0  }
0xac: {  	_ =	task [dreg:s8], $0x5FFFF  }
0xad: {  	[dreg:$0x1] =	wrdreg $0xFFFFFFFF  }
0xae: {  	[dreg:$0x0] =	wrdreg $0x60  }
0xaf: {  	[dreg:$0x2] =	wrdreg s2  }
0xb0: {  	[dreg:$0x3] =	wrdreg s24  }
0xb1: {  	[dreg:$0x4] =	wrdreg s18  }
0xb2: {  	[dreg:$0x5] =	wrdreg $0x9  }
0xb3: {  	_ =	task.clear_ibuf [dreg:s8], $0x6FFFF;
	_ =	strace $0x90000046  }
0xb4: {  	s29 =	simm.s32 $0x9;
	_ =	strace $0x80000048  }
0xb5: {  	_ =	swait.ge [sflag:s29], $0x1  }
0xb6: {  	[sflag:s29] =	ssyncadd.s32 $0xFFFFFFFF  }
0xb7: {  	_ =	strace $0x90000048  }
0xb8: {  	_ =	sfence  }
0xb9: {  	s30 =	sld [smem:$0x0];
	_ =	sdelay $0x2  }
0xba: {  	s31 =	sshll.u32 s1, $0xD;
	s1 =	sshrl.u32 s1, $0x2  }
0xbb: {  	s3 =	sand.u32 $0x4000, s31;
	s1 =	sadd.s32 s1, s30  }
0xbc: {  	s0 =	sor.u32 s3, s0;
	s1 =	sshll.u32 s1, $0x11  }
0xbd: {  	s0 =	sor.u32 s1, s0  }
0xbe: {  	s0 =	sadd.s32 $0x8F2B, s0  }
0xbf: {  	[sflag:s0] =	ssyncadd.remote.s32 $0x1  }
0xc0: {  	_ =	sfence.sel $0xFFFF  }
0xc1: {  	[dreg:$0x0] =	wrdreg $0xFFFFFFFF;
	(pc) =	sbr.abs _section_cstart, $3  }
0xc2: {  	[dreg:$0x1] =	wrdreg $0xFFFFFFFF  }
0xc3: {  	_ =	task.clear_ibuf [dreg:s8], $0x2FFFF;
	_ =	strace $0x9FFFFFFF  }
0xc4: {  	(tm) =	ssettm $0x7FFFFFFF  }
0xc5: {  	_ =	shalt  }
tec
execute0_lowered:
.L_overlay_start_1:
0x0: {  	(tag) =	ssettag $0x1  }
0x1: {  	s0 =	srdreg.scid  }
0x2: {  	s1 =	stileid.u32;
	s2 =	rddreg [dreg:$0x0]  }
0x3: {  	s5 =	rddreg [dreg:$0x1];
	s0 =	sand.u32 $0x1, s0;
	s1 =	sshll.u32 s1, $0x1  }
0x4: {  	s3 =	rddreg [dreg:$0x2];
	s4 =	simm.s32 $0x0;
	s1 =	sor.u32 s0, s1  }
0x5: {  	[smem:$0x7FF] =	sst s4;
	s15 =	smul.u32 $0x1900, s1  }
0x6: {  	_ =	strace $0x80000047;
	s0 =	ssub.s32 $0x2, s0;
	s18 =	smul.u32 $0xC8000, s1  }
0x7: {  	s6 =	smul.u32 $0x64, s1;
	s25 =	sshrl.u32 s0, $0x1;
	s19 =	sor.u32 $0x40, s15  }
0x8: {  	s0 =	ssub.s32 s0, s25;
	s21 =	sor.u32 $0x4000, s18;
	[dreg:$0x10] =	wrdreg s19  }
0x9: {  	s7 =	sand.u32 $0xFF8, s6;
	s23 =	sor.u32 $0x6000, s18;
	[dreg:$0x12] =	wrdreg s21  }
0xa: {  	s0 =	smax.u32 s0, $0x1;
	s7 =	smin.u32 s7, $0xC10;
	[dreg:$0x14] =	wrdreg s23  }
0xb: {  	s25 =	sadd.s32 $0x8000, s18;
	[dreg:$0x15] =	wrdreg s0;
	s10 =	ssub.s32 s6, s7  }
0xc: {  	[dreg:$0x17] =	wrdreg s25;
	s17 =	sadd.s32 $0xA, s10  }
0xd: {  	s20 =	sadd.s32 $0xB, s10;
	[dreg:$0xf] =	wrdreg s17  }
0xe: {  	s24 =	sshll.u32 s7, $0x4;
	s22 =	sadd.s32 $0xC, s10;
	[dreg:$0x11] =	wrdreg s20  }
0xf: {  	s5 =	sadd.s32 s24, s5;
	s24 =	sadd.s32 $0xD, s10;
	[dreg:$0x13] =	wrdreg s22  }
0x10: {  	s8 =	sshll.u32 s10, $0x9;
	s5 =	sadd.s32 $0x400, s5;
	[dreg:$0x16] =	wrdreg s24  }
0x11: {  	s26 =	sshra.s32 s8, $0x2;
	[dreg:$0x5] =	wrdreg s5  }
0x12: {  	s29 =	smov.u32 s15;
	s7 =	sor.u32 $0x80, s26;
	[dreg:$0x4] =	wrdreg s26  }
0x13: {  	s30 =	sadd.s32 $0xA000, s18;
	s8 =	sor.u32 $0x100, s26;
	[dreg:$0x6] =	wrdreg s7  }
0x14: {  	s1 =	sadd.s32 $0xC000, s18;
	s9 =	sor.u32 $0x180, s26;
	[dreg:$0x7] =	wrdreg s8  }
0x15: {  	s15 =	simm.s32 $0xA;
	s11 =	sadd.s32 $0x200, s26;
	[dreg:$0x8] =	wrdreg s9  }
0x16: {  	s25 =	simm.s32 $0x3;
	s12 =	sadd.s32 $0x280, s26;
	[dreg:$0x9] =	wrdreg s11  }
0x17: {  	s21 =	simm.s32 $0x0;
	s13 =	sadd.s32 $0x300, s26;
	[dreg:$0xa] =	wrdreg s12  }
0x18: {  	s31 =	sadd.s32 $0xF, s10;
	s14 =	sadd.s32 $0x380, s26;
	[dreg:$0xb] =	wrdreg s13  }
0x19: {  	s0 =	sadd.s32 $0x10, s10;
	s16 =	sadd.s32 $0x400, s26;
	[dreg:$0xc] =	wrdreg s14  }
0x1a: {  	s28 =	smov.u32 s10;
	s6 =	sadd.s32 $0x480, s26;
	[dreg:$0xd] =	wrdreg s16  }
0x1b: {  	s17 =	simm.s32 $0x2;
	s26 =	sadd.s32 $0xE, s10;
	[dreg:$0xe] =	wrdreg s6  }
0x1c: {  	s5 =	simm.s32 $0x9;
	[dreg:$0x18] =	wrdreg s26;
	s7 =	sadd.s32 $0xE000, s18  }
0x1d: {  	s8 =	sadd.s32 $0x11, s10;
	s9 =	sadd.s32 $0x10000, s18;
	s10 =	sadd.s32 $0x12, s10  }
0x1e: {  	s16 =	simm.s32 $0x1;
	s6 =	simm.s32 $0x4;
	s11 =	simm.s32 $0x5  }
0x1f: {  	s12 =	simm.s32 $0x6;
	s13 =	simm.s32 $0x7;
	s14 =	simm.s32 $0x8  }
.LBB2_1:
0x20: {  	[dreg:$0x19] =	wrdreg s21  }
0x21: {  	s19 =	rddreg [dreg:$0x5];
	s21 =	simm.s32 $0x15  }
0x22: {  	[tilespmem:s4], [sflag:$0x15] =	stream.linear.gather [hbm4b:s19+s4], $0x3800, $0x38;
	[tilespmem:$0x17800] =	vst v63  }
0x23: {  	_ =	swait.ge [sflag:s21], $0x3800  }
0x24: {  	s20 =	simm.s32 $0x40;
	[sflag:s21] =	ssyncset.done $0x0  }
0x25: {  	s23 =	simm.s32 $0x3800;
	s22 =	rddreg [dreg:$0x4];
	[sflag:s21] =	ssyncadd.s32 $0xFFFFC800  }
0x26: {  	[tilespmem:s23], [sflag:$0x1] =	stream.indirect.gather [hbm4b:s2+s20], $0x80, s22, s20, $0xb8;
	[tilespmem:$0x17800] =	vst v63  }
0x27: {  	s26 =	simm.s32 $0x5800;
	s24 =	rddreg [dreg:$0x6]  }
0x28: {  	[tilespmem:s26], [sflag:$0x2] =	stream.indirect.gather [hbm4b:s2+s20], $0x80, s24, s20, $0xb8;
	[tilespmem:$0x17800] =	vst v63  }
0x29: {  	s22 =	rddreg [dreg:$0x7];
	s23 =	simm.s32 $0x7800  }
0x2a: {  	[tilespmem:s23], [sflag:$0x3] =	stream.indirect.gather [hbm4b:s2+s20], $0x80, s22, s20, $0xb8;
	[tilespmem:$0x17800] =	vst v63  }
0x2b: {  	s24 =	rddreg [dreg:$0x8];
	s26 =	simm.s32 $0x9800  }
0x2c: {  	[tilespmem:s26], [sflag:$0x4] =	stream.indirect.gather [hbm4b:s2+s20], $0x80, s24, s20, $0xb8;
	[tilespmem:$0x17800] =	vst v63  }
0x2d: {  	s22 =	rddreg [dreg:$0x9];
	s23 =	simm.s32 $0xB800  }
0x2e: {  	[tilespmem:s23], [sflag:$0x5] =	stream.indirect.gather [hbm4b:s2+s20], $0x80, s22, s20, $0xb8;
	[tilespmem:$0x17800] =	vst v63  }
0x2f: {  	s24 =	rddreg [dreg:$0xa];
	s26 =	simm.s32 $0xD800  }
0x30: {  	[tilespmem:s26], [sflag:$0x6] =	stream.indirect.gather [hbm4b:s2+s20], $0x80, s24, s20, $0xb8;
	[tilespmem:$0x17800] =	vst v63  }
0x31: {  	s22 =	rddreg [dreg:$0xb];
	s23 =	simm.s32 $0xF800  }
0x32: {  	[tilespmem:s23], [sflag:$0x7] =	stream.indirect.gather [hbm4b:s2+s20], $0x80, s22, s20, $0xb8;
	[tilespmem:$0x17800] =	vst v63  }
0x33: {  	s24 =	rddreg [dreg:$0xc];
	s26 =	simm.s32 $0x11800  }
0x34: {  	[tilespmem:s26], [sflag:$0x8] =	stream.indirect.gather [hbm4b:s2+s20], $0x80, s24, s20, $0xb8;
	[tilespmem:$0x17800] =	vst v63  }
0x35: {  	s22 =	rddreg [dreg:$0xd];
	s23 =	simm.s32 $0x13800  }
0x36: {  	[tilespmem:s23], [sflag:$0x9] =	stream.indirect.gather [hbm4b:s2+s20], $0x80, s22, s20, $0xb8;
	[tilespmem:$0x17800] =	vst v63  }
0x37: {  	s19 =	simm.s32 $0x0;
	s24 =	rddreg [dreg:$0xe];
	s26 =	simm.s32 $0x15800  }
0x38: {  	[tilespmem:s26], [sflag:$0xA] =	stream.indirect.gather [hbm4b:s2+s20], $0x80, s24, s20, $0xb8;
	[tilespmem:$0x17800] =	vst v63  }
.LBB2_2:
0x39: {  	_ =	swait.ge [sflag:s16], $0x2000  }
0x3a: {  	[sflag:s16] =	ssyncset.done $0x0  }
0x3b: {  	s20 =	simm.s32 $0x3880;
	[sflag:s16] =	ssyncadd.s32 $0xFFFFE000  }
0x3c: {  	v0 =	vld [tilespmem:s20+$0x70]  }
0x3d: {  	v1 =	vld [tilespmem:s20+$0xFFFFFF90]  }
0x3e: {  	v2 =	vld [tilespmem:s20+$0xFFFFFFA0]  }
0x3f: {  	v3 =	vld [tilespmem:s20+$0xFFFFFFB0]  }
0x40: {  	v4 =	vld [tilespmem:s20+$0xFFFFFFC0]  }
0x41: {  	v5 =	vld [tilespmem:s20+$0xFFFFFFD0];
	v0 =	vmul.f32 $1.131370830e+01, v0  }
0x42: {  	v6 =	vld [tilespmem:s20+$0xFFFFFFE0];
	v1 =	vmul.f32 $1.131370830e+01, v1  }
0x43: {  	v7 =	vld [tilespmem:s20+$0xFFFFFFF0];
	v2 =	vmul.f32 $1.131370830e+01, v2;
	[tilespmem:s20+$0x70] =	vst v0  }
0x44: {  	[tilespmem:s20+$0xFFFFFF90] =	vst v1;
	v0 =	vmul.f32 $1.131370830e+01, v3;
	v3 =	vld [tilespmem:s20+$0x0]  }
0x45: {  	[tilespmem:s20+$0xFFFFFFA0] =	vst v2;
	v1 =	vmul.f32 $1.131370830e+01, v4;
	v4 =	vld [tilespmem:s20+$0x10]  }
0x46: {  	v8 =	vld [tilespmem:s20+$0x20];
	v2 =	vmul.f32 $1.131370830e+01, v5;
	[tilespmem:s20+$0xFFFFFFB0] =	vst v0  }
0x47: {  	v5 =	vmul.f32 $1.131370830e+01, v6;
	[tilespmem:s20+$0xFFFFFFC0] =	vst v1;
	v0 =	vld [tilespmem:s20+$0x30]  }
0x48: {  	v6 =	vmul.f32 $1.131370830e+01, v7;
	[tilespmem:s20+$0xFFFFFFD0] =	vst v2;
	v1 =	vld [tilespmem:s20+$0x40]  }
0x49: {  	[tilespmem:s20+$0xFFFFFFE0] =	vst v5;
	v2 =	vld [tilespmem:s20+$0x50];
	v7 =	vmul.f32 $1.131370830e+01, v3  }
0x4a: {  	[tilespmem:s20+$0xFFFFFFF0] =	vst v6;
	v3 =	vld [tilespmem:s20+$0x60];
	v5 =	vmul.f32 $1.131370830e+01, v4  }
0x4b: {  	s21 =	simm.s32 $0x0;
	s22 =	simm.s32 $0x3980;
	v6 =	vmul.f32 $1.131370830e+01, v8;
	v4 =	vld [tilespmem:s20+$0xFFFFFF80];
	[tilespmem:s20+$0x0] =	vst v7  }
.LBB2_3:
0x4c: {  	v7 =	vld [tilespmem:s22+$0x70];
	s21 =	sadd.s32 $0x2, s21;
	[tilespmem:s20+$0x10] =	vst v5;
	v0 =	vmul.f32 $1.131370830e+01, v0  }
0x4d: {  	v5 =	vld [tilespmem:s22+$0xFFFFFF90];
	p0 =	slt.u32 s21, $0x3E;
	[tilespmem:s20+$0x20] =	vst v6;
	v1 =	vmul.f32 $1.131370830e+01, v1  }
0x4e: {  	v6 =	vld [tilespmem:s22+$0xFFFFFFA0];
	[tilespmem:s20+$0x30] =	vst v0;
	v0 =	vmul.f32 $1.131370830e+01, v2  }
0x4f: {  	v2 =	vld [tilespmem:s22+$0xFFFFFFB0];
	[tilespmem:s20+$0x40] =	vst v1;
	v1 =	vmul.f32 $1.131370830e+01, v3  }
0x50: {  	v3 =	vld [tilespmem:s22+$0xFFFFFFC0];
	v4 =	vmul.f32 $1.131370830e+01, v4;
	[tilespmem:s20+$0x50] =	vst v0  }
0x51: {  	v0 =	vld [tilespmem:s22+$0xFFFFFFD0];
	v7 =	vmul.f32 $1.131370830e+01, v7;
	[tilespmem:s20+$0x60] =	vst v1  }
0x52: {  	v1 =	vmul.f32 $1.131370830e+01, v5;
	v5 =	vld [tilespmem:s22+$0xFFFFFFE0];
	[tilespmem:s20+$0xFFFFFF80] =	vst v4;
	s20 =	smov.u32 s22  }
0x53: {  	v4 =	vmul.f32 $1.131370830e+01, v6;
	v6 =	vld [tilespmem:s22+$0xFFFFFFF0];
	[tilespmem:s22+$0x70] =	vst v7  }
0x54: {  	[tilespmem:s22+$0xFFFFFF90] =	vst v1;
	v1 =	vmul.f32 $1.131370830e+01, v2;
	v2 =	vld [tilespmem:s22+$0x0]  }
0x55: {  	[tilespmem:s22+$0xFFFFFFA0] =	vst v4;
	v3 =	vmul.f32 $1.131370830e+01, v3;
	v4 =	vld [tilespmem:s22+$0x10]  }
0x56: {  	[tilespmem:s22+$0xFFFFFFB0] =	vst v1;
	v1 =	vmul.f32 $1.131370830e+01, v0;
	v7 =	vld [tilespmem:s22+$0x20]  }
.Ltmp0:
0x57: {  	[tilespmem:s22+$0xFFFFFFC0] =	vst v3;
	v3 =	vmul.f32 $1.131370830e+01, v5;
	v0 =	vld [tilespmem:s22+$0x30];
	(pc) =	sbr.rel @p0 .LBB2_3-.Ltmp0, $4  }
0x58: {  	[tilespmem:s22+$0xFFFFFFD0] =	vst v1;
	v5 =	vmul.f32 $1.131370830e+01, v6;
	v1 =	vld [tilespmem:s22+$0x40]  }
0x59: {  	[tilespmem:s22+$0xFFFFFFE0] =	vst v3;
	v6 =	vmul.f32 $1.131370830e+01, v2;
	v2 =	vld [tilespmem:s22+$0x50]  }
0x5a: {  	[tilespmem:s22+$0xFFFFFFF0] =	vst v5;
	v5 =	vmul.f32 $1.131370830e+01, v4;
	v3 =	vld [tilespmem:s22+$0x60]  }
0x5b: {  	s22 =	sadd.s32 $0x100, s22;
	v4 =	vld [tilespmem:s20+$0xFFFFFF80];
	[tilespmem:s20+$0x0] =	vst v6;
	v6 =	vmul.f32 $1.131370830e+01, v7  }
0x5c: {  	[tilespmem:s20+$0x10] =	vst v5;
	v0 =	vmul.f32 $1.131370830e+01, v0  }
0x5d: {  	[tilespmem:s20+$0x20] =	vst v6;
	v1 =	vmul.f32 $1.131370830e+01, v1  }
0x5e: {  	[tilespmem:s20+$0x30] =	vst v0;
	v0 =	vmul.f32 $1.131370830e+01, v2  }
0x5f: {  	[tilespmem:s20+$0x40] =	vst v1;
	v1 =	vmul.f32 $1.131370830e+01, v3  }
0x60: {  	s21 =	smul.u32 $0xA, s19;
	v2 =	vmul.f32 $1.131370830e+01, v4;
	[tilespmem:s20+$0x50] =	vst v0  }
0x61: {  	p0 =	seq.s32 s19, $0x0;
	[tilespmem:s20+$0x60] =	vst v1  }
0x62: {  	s22 =	simm.s32 @!p0 $0x14;
	[tilespmem:s20+$0xFFFFFF80] =	vst v2;
	s20 =	sadd.s32 $0x9, s21  }
0x63: {  	s24 =	simm.s32 @!p0 $0x40;
	_ =	swait.ge @!p0 [sflag:s22], $0x2000;
	s23 =	sadd.s32 @!p0 s28, s20  }
0x64: {  	s26 =	simm.s32 @!p0 $0x15800;
	[sflag:s22] =	ssyncset.done @!p0 $0x0;
	s23 =	sshll.u32 @!p0 s23, $0x9  }
0x65: {  	[sflag:s22] =	ssyncadd.s32 @!p0 $0xFFFFE000;
	s23 =	sshra.s32 @!p0 s23, $0x2;
	s22 =	smul.u32 $0x280, s19  }
0x66: {  	[tilespmem:s26], [sflag:$0xA] =	stream.indirect.gather @!p0 [hbm4b:s2+s24], $0x80, s23, s24, $0xb8;
	[tilespmem:$0x17800] =	vst v63  }
0x67: {  	s24 =	sadd.s32 s29, s22  }
0x68: {  	s23 =	sshll.u32 s24, $0x4  }
0x69: {  	s26 =	simm.s32 $0x3800;
	s23 =	sadd.s32 s3, s23  }
0x6a: {  	[hbm4b:s23+s4] =	stream.linear.scatter [tilespmem:s26], [sflag:$0xB], $0x2000, $0x38;
	[tilespmem:$0x17800] =	vst v63  }
0x6b: {  	_ =	swait.ge [sflag:s17], $0x2000  }
0x6c: {  	[sflag:s17] =	ssyncset.done $0x0  }
0x6d: {  	s23 =	simm.s32 $0x5880;
	[sflag:s17] =	ssyncadd.s32 $0xFFFFE000  }
0x6e: {  	v0 =	vld [tilespmem:s23+$0x70]  }
0x6f: {  	v1 =	vld [tilespmem:s23+$0xFFFFFF90]  }
0x70: {  	v2 =	vld [tilespmem:s23+$0xFFFFFFA0]  }
0x71: {  	v3 =	vld [tilespmem:s23+$0xFFFFFFB0]  }
0x72: {  	v4 =	vld [tilespmem:s23+$0xFFFFFFC0]  }
0x73: {  	v5 =	vld [tilespmem:s23+$0xFFFFFFD0];
	v0 =	vmul.f32 $1.131370830e+01, v0  }
0x74: {  	v6 =	vld [tilespmem:s23+$0xFFFFFFE0];
	v1 =	vmul.f32 $1.131370830e+01, v1  }
0x75: {  	v7 =	vld [tilespmem:s23+$0xFFFFFFF0];
	v2 =	vmul.f32 $1.131370830e+01, v2;
	[tilespmem:s23+$0x70] =	vst v0  }
0x76: {  	[tilespmem:s23+$0xFFFFFF90] =	vst v1;
	v0 =	vmul.f32 $1.131370830e+01, v3;
	v3 =	vld [tilespmem:s23+$0x0]  }
0x77: {  	[tilespmem:s23+$0xFFFFFFA0] =	vst v2;
	v1 =	vmul.f32 $1.131370830e+01, v4;
	v4 =	vld [tilespmem:s23+$0x10]  }
0x78: {  	v8 =	vld [tilespmem:s23+$0x20];
	v2 =	vmul.f32 $1.131370830e+01, v5;
	[tilespmem:s23+$0xFFFFFFB0] =	vst v0  }
0x79: {  	v5 =	vmul.f32 $1.131370830e+01, v6;
	[tilespmem:s23+$0xFFFFFFC0] =	vst v1;
	v0 =	vld [tilespmem:s23+$0x30]  }
0x7a: {  	v6 =	vmul.f32 $1.131370830e+01, v7;
	[tilespmem:s23+$0xFFFFFFD0] =	vst v2;
	v1 =	vld [tilespmem:s23+$0x40]  }
0x7b: {  	[tilespmem:s23+$0xFFFFFFE0] =	vst v5;
	v2 =	vld [tilespmem:s23+$0x50];
	v7 =	vmul.f32 $1.131370830e+01, v3  }
0x7c: {  	[tilespmem:s23+$0xFFFFFFF0] =	vst v6;
	v3 =	vld [tilespmem:s23+$0x60];
	v5 =	vmul.f32 $1.131370830e+01, v4  }
0x7d: {  	s24 =	simm.s32 $0x0;
	s26 =	simm.s32 $0x5980;
	v6 =	vmul.f32 $1.131370830e+01, v8;
	v4 =	vld [tilespmem:s23+$0xFFFFFF80];
	[tilespmem:s23+$0x0] =	vst v7  }
.LBB2_5:
0x7e: {  	v7 =	vld [tilespmem:s26+$0x70];
	s24 =	sadd.s32 $0x2, s24;
	[tilespmem:s23+$0x10] =	vst v5;
	v0 =	vmul.f32 $1.131370830e+01, v0  }
0x7f: {  	v5 =	vld [tilespmem:s26+$0xFFFFFF90];
	p0 =	slt.u32 s24, $0x3E;
	[tilespmem:s23+$0x20] =	vst v6;
	v1 =	vmul.f32 $1.131370830e+01, v1  }
0x80: {  	v6 =	vld [tilespmem:s26+$0xFFFFFFA0];
	[tilespmem:s23+$0x30] =	vst v0;
	v0 =	vmul.f32 $1.131370830e+01, v2  }
0x81: {  	v2 =	vld [tilespmem:s26+$0xFFFFFFB0];
	[tilespmem:s23+$0x40] =	vst v1;
	v1 =	vmul.f32 $1.131370830e+01, v3  }
0x82: {  	v3 =	vld [tilespmem:s26+$0xFFFFFFC0];
	v4 =	vmul.f32 $1.131370830e+01, v4;
	[tilespmem:s23+$0x50] =	vst v0  }
0x83: {  	v0 =	vld [tilespmem:s26+$0xFFFFFFD0];
	v7 =	vmul.f32 $1.131370830e+01, v7;
	[tilespmem:s23+$0x60] =	vst v1  }
0x84: {  	v1 =	vmul.f32 $1.131370830e+01, v5;
	v5 =	vld [tilespmem:s26+$0xFFFFFFE0];
	[tilespmem:s23+$0xFFFFFF80] =	vst v4;
	s23 =	smov.u32 s26  }
0x85: {  	v4 =	vmul.f32 $1.131370830e+01, v6;
	v6 =	vld [tilespmem:s26+$0xFFFFFFF0];
	[tilespmem:s26+$0x70] =	vst v7  }
0x86: {  	[tilespmem:s26+$0xFFFFFF90] =	vst v1;
	v1 =	vmul.f32 $1.131370830e+01, v2;
	v2 =	vld [tilespmem:s26+$0x0]  }
0x87: {  	[tilespmem:s26+$0xFFFFFFA0] =	vst v4;
	v3 =	vmul.f32 $1.131370830e+01, v3;
	v4 =	vld [tilespmem:s26+$0x10]  }
0x88: {  	[tilespmem:s26+$0xFFFFFFB0] =	vst v1;
	v1 =	vmul.f32 $1.131370830e+01, v0;
	v7 =	vld [tilespmem:s26+$0x20]  }
.Ltmp1:
0x89: {  	[tilespmem:s26+$0xFFFFFFC0] =	vst v3;
	v3 =	vmul.f32 $1.131370830e+01, v5;
	v0 =	vld [tilespmem:s26+$0x30];
	(pc) =	sbr.rel @p0 .LBB2_5-.Ltmp1, $4  }
0x8a: {  	[tilespmem:s26+$0xFFFFFFD0] =	vst v1;
	v5 =	vmul.f32 $1.131370830e+01, v6;
	v1 =	vld [tilespmem:s26+$0x40]  }
0x8b: {  	[tilespmem:s26+$0xFFFFFFE0] =	vst v3;
	v6 =	vmul.f32 $1.131370830e+01, v2;
	v2 =	vld [tilespmem:s26+$0x50]  }
0x8c: {  	[tilespmem:s26+$0xFFFFFFF0] =	vst v5;
	v5 =	vmul.f32 $1.131370830e+01, v4;
	v3 =	vld [tilespmem:s26+$0x60]  }
0x8d: {  	s26 =	sadd.s32 $0x100, s26;
	v4 =	vld [tilespmem:s23+$0xFFFFFF80];
	[tilespmem:s23+$0x0] =	vst v6;
	v6 =	vmul.f32 $1.131370830e+01, v7  }
0x8e: {  	[tilespmem:s23+$0x10] =	vst v5;
	v0 =	vmul.f32 $1.131370830e+01, v0  }
0x8f: {  	[tilespmem:s23+$0x20] =	vst v6;
	v1 =	vmul.f32 $1.131370830e+01, v1  }
0x90: {  	[tilespmem:s23+$0x30] =	vst v0;
	v0 =	vmul.f32 $1.131370830e+01, v2  }
0x91: {  	[tilespmem:s23+$0x40] =	vst v1;
	v1 =	vmul.f32 $1.131370830e+01, v3  }
0x92: {  	v2 =	vmul.f32 $1.131370830e+01, v4;
	[tilespmem:s23+$0x50] =	vst v0  }
0x93: {  	p0 =	seq.s32 s19, $0x9;
	[tilespmem:s23+$0x60] =	vst v1  }
0x94: {  	[tilespmem:s23+$0xFFFFFF80] =	vst v2;
	s23 =	simm.s32 @!p0 $0xB  }
0x95: {  	_ =	swait.ge @!p0 [sflag:s23], $0x2000  }
0x96: {  	s24 =	rddreg [dreg:$0xf]  }
0x97: {  	[sflag:s23] =	ssyncset.done @!p0 $0x0;
	s24 =	sadd.s32 @!p0 s21, s24  }
0x98: {  	[sflag:s23] =	ssyncadd.s32 @!p0 $0xFFFFE000;
	s23 =	sshll.u32 @!p0 s24, $0x9  }
0x99: {  	s26 =	simm.s32 @!p0 $0x3800;
	s24 =	simm.s32 @!p0 $0x40;
	s23 =	sshra.s32 @!p0 s23, $0x2  }
0x9a: {  	[tilespmem:s26], [sflag:$0x1] =	stream.indirect.gather @!p0 [hbm4b:s2+s24], $0x80, s23, s24, $0xb8;
	[tilespmem:$0x17800] =	vst v63  }
0x9b: {  	s24 =	rddreg [dreg:$0x10]  }
0x9c: {  	s22 =	sadd.s32 s22, s24  }
0x9d: {  	s22 =	sshll.u32 s22, $0x4  }
0x9e: {  	s26 =	simm.s32 $0x5800;
	s22 =	sadd.s32 s3, s22  }
0x9f: {  	[hbm4b:s22+s4] =	stream.linear.scatter [tilespmem:s26], [sflag:$0xC], $0x2000, $0x38;
	[tilespmem:$0x17800] =	vst v63  }
0xa0: {  	_ =	swait.ge [sflag:s25], $0x2000  }
0xa1: {  	[sflag:s25] =	ssyncset.done $0x0  }
0xa2: {  	s22 =	simm.s32 $0x7880;
	[sflag:s25] =	ssyncadd.s32 $0xFFFFE000  }
0xa3: {  	v0 =	vld [tilespmem:s22+$0x70]  }
0xa4: {  	v1 =	vld [tilespmem:s22+$0xFFFFFF90]  }
0xa5: {  	v2 =	vld [tilespmem:s22+$0xFFFFFFA0]  }
0xa6: {  	v3 =	vld [tilespmem:s22+$0xFFFFFFB0]  }
0xa7: {  	v4 =	vld [tilespmem:s22+$0xFFFFFFC0]  }
0xa8: {  	v5 =	vld [tilespmem:s22+$0xFFFFFFD0];
	v0 =	vmul.f32 $1.131370830e+01, v0  }
0xa9: {  	v6 =	vld [tilespmem:s22+$0xFFFFFFE0];
	v1 =	vmul.f32 $1.131370830e+01, v1  }
0xaa: {  	v7 =	vld [tilespmem:s22+$0xFFFFFFF0];
	v2 =	vmul.f32 $1.131370830e+01, v2;
	[tilespmem:s22+$0x70] =	vst v0  }
0xab: {  	[tilespmem:s22+$0xFFFFFF90] =	vst v1;
	v0 =	vmul.f32 $1.131370830e+01, v3;
	v3 =	vld [tilespmem:s22+$0x0]  }
0xac: {  	[tilespmem:s22+$0xFFFFFFA0] =	vst v2;
	v1 =	vmul.f32 $1.131370830e+01, v4;
	v4 =	vld [tilespmem:s22+$0x10]  }
0xad: {  	v8 =	vld [tilespmem:s22+$0x20];
	v2 =	vmul.f32 $1.131370830e+01, v5;
	[tilespmem:s22+$0xFFFFFFB0] =	vst v0  }
0xae: {  	v5 =	vmul.f32 $1.131370830e+01, v6;
	[tilespmem:s22+$0xFFFFFFC0] =	vst v1;
	v0 =	vld [tilespmem:s22+$0x30]  }
0xaf: {  	v6 =	vmul.f32 $1.131370830e+01, v7;
	[tilespmem:s22+$0xFFFFFFD0] =	vst v2;
	v1 =	vld [tilespmem:s22+$0x40]  }
0xb0: {  	[tilespmem:s22+$0xFFFFFFE0] =	vst v5;
	v2 =	vld [tilespmem:s22+$0x50];
	v7 =	vmul.f32 $1.131370830e+01, v3  }
0xb1: {  	[tilespmem:s22+$0xFFFFFFF0] =	vst v6;
	v3 =	vld [tilespmem:s22+$0x60];
	v5 =	vmul.f32 $1.131370830e+01, v4  }
0xb2: {  	s23 =	simm.s32 $0x0;
	s24 =	simm.s32 $0x7980;
	v6 =	vmul.f32 $1.131370830e+01, v8;
	v4 =	vld [tilespmem:s22+$0xFFFFFF80];
	[tilespmem:s22+$0x0] =	vst v7  }
.LBB2_7:
0xb3: {  	v7 =	vld [tilespmem:s24+$0x70];
	s23 =	sadd.s32 $0x2, s23;
	[tilespmem:s22+$0x10] =	vst v5;
	v0 =	vmul.f32 $1.131370830e+01, v0  }
0xb4: {  	v5 =	vld [tilespmem:s24+$0xFFFFFF90];
	p1 =	slt.u32 s23, $0x3E;
	[tilespmem:s22+$0x20] =	vst v6;
	v1 =	vmul.f32 $1.131370830e+01, v1  }
0xb5: {  	v6 =	vld [tilespmem:s24+$0xFFFFFFA0];
	[tilespmem:s22+$0x30] =	vst v0;
	v0 =	vmul.f32 $1.131370830e+01, v2  }
0xb6: {  	v2 =	vld [tilespmem:s24+$0xFFFFFFB0];
	[tilespmem:s22+$0x40] =	vst v1;
	v1 =	vmul.f32 $1.131370830e+01, v3  }
0xb7: {  	v3 =	vld [tilespmem:s24+$0xFFFFFFC0];
	v4 =	vmul.f32 $1.131370830e+01, v4;
	[tilespmem:s22+$0x50] =	vst v0  }
0xb8: {  	v0 =	vld [tilespmem:s24+$0xFFFFFFD0];
	v7 =	vmul.f32 $1.131370830e+01, v7;
	[tilespmem:s22+$0x60] =	vst v1  }
0xb9: {  	v1 =	vmul.f32 $1.131370830e+01, v5;
	v5 =	vld [tilespmem:s24+$0xFFFFFFE0];
	[tilespmem:s22+$0xFFFFFF80] =	vst v4;
	s22 =	smov.u32 s24  }
0xba: {  	v4 =	vmul.f32 $1.131370830e+01, v6;
	v6 =	vld [tilespmem:s24+$0xFFFFFFF0];
	[tilespmem:s24+$0x70] =	vst v7  }
0xbb: {  	[tilespmem:s24+$0xFFFFFF90] =	vst v1;
	v1 =	vmul.f32 $1.131370830e+01, v2;
	v2 =	vld [tilespmem:s24+$0x0]  }
0xbc: {  	[tilespmem:s24+$0xFFFFFFA0] =	vst v4;
	v3 =	vmul.f32 $1.131370830e+01, v3;
	v4 =	vld [tilespmem:s24+$0x10]  }
0xbd: {  	[tilespmem:s24+$0xFFFFFFB0] =	vst v1;
	v1 =	vmul.f32 $1.131370830e+01, v0;
	v7 =	vld [tilespmem:s24+$0x20]  }
.Ltmp2:
0xbe: {  	[tilespmem:s24+$0xFFFFFFC0] =	vst v3;
	v3 =	vmul.f32 $1.131370830e+01, v5;
	v0 =	vld [tilespmem:s24+$0x30];
	(pc) =	sbr.rel @p1 .LBB2_7-.Ltmp2, $4  }
0xbf: {  	[tilespmem:s24+$0xFFFFFFD0] =	vst v1;
	v5 =	vmul.f32 $1.131370830e+01, v6;
	v1 =	vld [tilespmem:s24+$0x40]  }
0xc0: {  	[tilespmem:s24+$0xFFFFFFE0] =	vst v3;
	v6 =	vmul.f32 $1.131370830e+01, v2;
	v2 =	vld [tilespmem:s24+$0x50]  }
0xc1: {  	[tilespmem:s24+$0xFFFFFFF0] =	vst v5;
	v5 =	vmul.f32 $1.131370830e+01, v4;
	v3 =	vld [tilespmem:s24+$0x60]  }
0xc2: {  	s24 =	sadd.s32 $0x100, s24;
	v4 =	vld [tilespmem:s22+$0xFFFFFF80];
	[tilespmem:s22+$0x0] =	vst v6;
	v6 =	vmul.f32 $1.131370830e+01, v7  }
0xc3: {  	[tilespmem:s22+$0x10] =	vst v5;
	v0 =	vmul.f32 $1.131370830e+01, v0  }
0xc4: {  	[tilespmem:s22+$0x20] =	vst v6;
	v1 =	vmul.f32 $1.131370830e+01, v1  }
0xc5: {  	[tilespmem:s22+$0x30] =	vst v0;
	v0 =	vmul.f32 $1.131370830e+01, v2  }
0xc6: {  	[tilespmem:s22+$0x40] =	vst v1;
	v1 =	vmul.f32 $1.131370830e+01, v3  }
0xc7: {  	v2 =	vmul.f32 $1.131370830e+01, v4;
	[tilespmem:s22+$0x50] =	vst v0  }
0xc8: {  	[tilespmem:s22+$0x60] =	vst v1  }
0xc9: {  	[tilespmem:s22+$0xFFFFFF80] =	vst v2;
	s22 =	simm.s32 @!p0 $0xC  }
0xca: {  	_ =	swait.ge @!p0 [sflag:s22], $0x2000  }
0xcb: {  	s23 =	rddreg [dreg:$0x11]  }
0xcc: {  	s24 =	simm.s32 @!p0 $0x40;
	s23 =	sadd.s32 @!p0 s21, s23  }
0xcd: {  	s26 =	simm.s32 @!p0 $0x5800;
	[sflag:s22] =	ssyncset.done @!p0 $0x0;
	s23 =	sshll.u32 @!p0 s23, $0x9  }
0xce: {  	[sflag:s22] =	ssyncadd.s32 @!p0 $0xFFFFE000;
	s22 =	smul.u32 $0x14000, s19;
	s23 =	sshra.s32 @!p0 s23, $0x2  }
0xcf: {  	[tilespmem:s26], [sflag:$0x2] =	stream.indirect.gather @!p0 [hbm4b:s2+s24], $0x80, s23, s24, $0xb8;
	[tilespmem:$0x17800] =	vst v63  }
0xd0: {  	s24 =	rddreg [dreg:$0x12]  }
0xd1: {  	s23 =	sadd.s32 s24, s22  }
0xd2: {  	s23 =	sshrl.u32 s23, $0x3  }
0xd3: {  	s26 =	simm.s32 $0x7800;
	s23 =	sadd.s32 s3, s23  }
0xd4: {  	[hbm4b:s23+s4] =	stream.linear.scatter [tilespmem:s26], [sflag:$0xD], $0x2000, $0x38;
	[tilespmem:$0x17800] =	vst v63  }
0xd5: {  	_ =	swait.ge [sflag:s6], $0x2000  }
0xd6: {  	[sflag:s6] =	ssyncset.done $0x0  }
0xd7: {  	s23 =	simm.s32 $0x9880;
	[sflag:s6] =	ssyncadd.s32 $0xFFFFE000  }
0xd8: {  	v0 =	vld [tilespmem:s23+$0x70]  }
0xd9: {  	v1 =	vld [tilespmem:s23+$0xFFFFFF90]  }
0xda: {  	v2 =	vld [tilespmem:s23+$0xFFFFFFA0]  }
0xdb: {  	v3 =	vld [tilespmem:s23+$0xFFFFFFB0]  }
0xdc: {  	v4 =	vld [tilespmem:s23+$0xFFFFFFC0]  }
0xdd: {  	v5 =	vld [tilespmem:s23+$0xFFFFFFD0];
	v0 =	vmul.f32 $1.131370830e+01, v0  }
0xde: {  	v6 =	vld [tilespmem:s23+$0xFFFFFFE0];
	v1 =	vmul.f32 $1.131370830e+01, v1  }
0xdf: {  	v7 =	vld [tilespmem:s23+$0xFFFFFFF0];
	v2 =	vmul.f32 $1.131370830e+01, v2;
	[tilespmem:s23+$0x70] =	vst v0  }
0xe0: {  	[tilespmem:s23+$0xFFFFFF90] =	vst v1;
	v0 =	vmul.f32 $1.131370830e+01, v3;
	v3 =	vld [tilespmem:s23+$0x0]  }
0xe1: {  	[tilespmem:s23+$0xFFFFFFA0] =	vst v2;
	v1 =	vmul.f32 $1.131370830e+01, v4;
	v4 =	vld [tilespmem:s23+$0x10]  }
0xe2: {  	v8 =	vld [tilespmem:s23+$0x20];
	v2 =	vmul.f32 $1.131370830e+01, v5;
	[tilespmem:s23+$0xFFFFFFB0] =	vst v0  }
0xe3: {  	v5 =	vmul.f32 $1.131370830e+01, v6;
	[tilespmem:s23+$0xFFFFFFC0] =	vst v1;
	v0 =	vld [tilespmem:s23+$0x30]  }
0xe4: {  	v6 =	vmul.f32 $1.131370830e+01, v7;
	[tilespmem:s23+$0xFFFFFFD0] =	vst v2;
	v1 =	vld [tilespmem:s23+$0x40]  }
0xe5: {  	[tilespmem:s23+$0xFFFFFFE0] =	vst v5;
	v2 =	vld [tilespmem:s23+$0x50];
	v7 =	vmul.f32 $1.131370830e+01, v3  }
0xe6: {  	[tilespmem:s23+$0xFFFFFFF0] =	vst v6;
	v3 =	vld [tilespmem:s23+$0x60];
	v5 =	vmul.f32 $1.131370830e+01, v4  }
0xe7: {  	s24 =	simm.s32 $0x0;
	s26 =	simm.s32 $0x9980;
	v6 =	vmul.f32 $1.131370830e+01, v8;
	v4 =	vld [tilespmem:s23+$0xFFFFFF80];
	[tilespmem:s23+$0x0] =	vst v7  }
.LBB2_9:
0xe8: {  	v7 =	vld [tilespmem:s26+$0x70];
	s24 =	sadd.s32 $0x2, s24;
	[tilespmem:s23+$0x10] =	vst v5;
	v0 =	vmul.f32 $1.131370830e+01, v0  }
0xe9: {  	v5 =	vld [tilespmem:s26+$0xFFFFFF90];
	p1 =	slt.u32 s24, $0x3E;
	[tilespmem:s23+$0x20] =	vst v6;
	v1 =	vmul.f32 $1.131370830e+01, v1  }
0xea: {  	v6 =	vld [tilespmem:s26+$0xFFFFFFA0];
	[tilespmem:s23+$0x30] =	vst v0;
	v0 =	vmul.f32 $1.131370830e+01, v2  }
0xeb: {  	v2 =	vld [tilespmem:s26+$0xFFFFFFB0];
	[tilespmem:s23+$0x40] =	vst v1;
	v1 =	vmul.f32 $1.131370830e+01, v3  }
0xec: {  	v3 =	vld [tilespmem:s26+$0xFFFFFFC0];
	v4 =	vmul.f32 $1.131370830e+01, v4;
	[tilespmem:s23+$0x50] =	vst v0  }
0xed: {  	v0 =	vld [tilespmem:s26+$0xFFFFFFD0];
	v7 =	vmul.f32 $1.131370830e+01, v7;
	[tilespmem:s23+$0x60] =	vst v1  }
0xee: {  	v1 =	vmul.f32 $1.131370830e+01, v5;
	v5 =	vld [tilespmem:s26+$0xFFFFFFE0];
	[tilespmem:s23+$0xFFFFFF80] =	vst v4;
	s23 =	smov.u32 s26  }
0xef: {  	v4 =	vmul.f32 $1.131370830e+01, v6;
	v6 =	vld [tilespmem:s26+$0xFFFFFFF0];
	[tilespmem:s26+$0x70] =	vst v7  }
0xf0: {  	[tilespmem:s26+$0xFFFFFF90] =	vst v1;
	v1 =	vmul.f32 $1.131370830e+01, v2;
	v2 =	vld [tilespmem:s26+$0x0]  }
0xf1: {  	[tilespmem:s26+$0xFFFFFFA0] =	vst v4;
	v3 =	vmul.f32 $1.131370830e+01, v3;
	v4 =	vld [tilespmem:s26+$0x10]  }
0xf2: {  	[tilespmem:s26+$0xFFFFFFB0] =	vst v1;
	v1 =	vmul.f32 $1.131370830e+01, v0;
	v7 =	vld [tilespmem:s26+$0x20]  }
.Ltmp3:
0xf3: {  	[tilespmem:s26+$0xFFFFFFC0] =	vst v3;
	v3 =	vmul.f32 $1.131370830e+01, v5;
	v0 =	vld [tilespmem:s26+$0x30];
	(pc) =	sbr.rel @p1 .LBB2_9-.Ltmp3, $4  }
0xf4: {  	[tilespmem:s26+$0xFFFFFFD0] =	vst v1;
	v5 =	vmul.f32 $1.131370830e+01, v6;
	v1 =	vld [tilespmem:s26+$0x40]  }
0xf5: {  	[tilespmem:s26+$0xFFFFFFE0] =	vst v3;
	v6 =	vmul.f32 $1.131370830e+01, v2;
	v2 =	vld [tilespmem:s26+$0x50]  }
0xf6: {  	[tilespmem:s26+$0xFFFFFFF0] =	vst v5;
	v5 =	vmul.f32 $1.131370830e+01, v4;
	v3 =	vld [tilespmem:s26+$0x60]  }
0xf7: {  	s26 =	sadd.s32 $0x100, s26;
	v4 =	vld [tilespmem:s23+$0xFFFFFF80];
	[tilespmem:s23+$0x0] =	vst v6;
	v6 =	vmul.f32 $1.131370830e+01, v7  }
0xf8: {  	[tilespmem:s23+$0x10] =	vst v5;
	v0 =	vmul.f32 $1.131370830e+01, v0  }
0xf9: {  	[tilespmem:s23+$0x20] =	vst v6;
	v1 =	vmul.f32 $1.131370830e+01, v1  }
0xfa: {  	[tilespmem:s23+$0x30] =	vst v0;
	v0 =	vmul.f32 $1.131370830e+01, v2  }
0xfb: {  	[tilespmem:s23+$0x40] =	vst v1;
	v1 =	vmul.f32 $1.131370830e+01, v3  }
0xfc: {  	v2 =	vmul.f32 $1.131370830e+01, v4;
	[tilespmem:s23+$0x50] =	vst v0  }
0xfd: {  	[tilespmem:s23+$0x60] =	vst v1  }
0xfe: {  	[tilespmem:s23+$0xFFFFFF80] =	vst v2;
	s23 =	simm.s32 @!p0 $0xD  }
0xff: {  	_ =	swait.ge @!p0 [sflag:s23], $0x2000  }
0x100: {  	s24 =	rddreg [dreg:$0x13]  }
0x101: {  	[sflag:s23] =	ssyncset.done @!p0 $0x0;
	s24 =	sadd.s32 @!p0 s21, s24  }
0x102: {  	[sflag:s23] =	ssyncadd.s32 @!p0 $0xFFFFE000;
	s23 =	sshll.u32 @!p0 s24, $0x9  }
0x103: {  	s26 =	simm.s32 @!p0 $0x7800;
	s24 =	simm.s32 @!p0 $0x40;
	s23 =	sshra.s32 @!p0 s23, $0x2  }
0x104: {  	[tilespmem:s26], [sflag:$0x3] =	stream.indirect.gather @!p0 [hbm4b:s2+s24], $0x80, s23, s24, $0xb8;
	[tilespmem:$0x17800] =	vst v63  }
0x105: {  	s24 =	rddreg [dreg:$0x14]  }
0x106: {  	s23 =	sadd.s32 s24, s22  }
0x107: {  	s23 =	sshrl.u32 s23, $0x3  }
0x108: {  	s26 =	simm.s32 $0x9800;
	s23 =	sadd.s32 s3, s23  }
0x109: {  	[hbm4b:s23+s4] =	stream.linear.scatter [tilespmem:s26], [sflag:$0xE], $0x2000, $0x38;
	[tilespmem:$0x17800] =	vst v63  }
0x10a: {  	_ =	swait.ge [sflag:s11], $0x2000  }
0x10b: {  	[sflag:s11] =	ssyncset.done $0x0  }
0x10c: {  	s23 =	simm.s32 $0xB880;
	[sflag:s11] =	ssyncadd.s32 $0xFFFFE000  }
0x10d: {  	v0 =	vld [tilespmem:s23+$0x70]  }
0x10e: {  	v1 =	vld [tilespmem:s23+$0xFFFFFF90]  }
0x10f: {  	v2 =	vld [tilespmem:s23+$0xFFFFFFA0]  }
0x110: {  	v3 =	vld [tilespmem:s23+$0xFFFFFFB0]  }
0x111: {  	v4 =	vld [tilespmem:s23+$0xFFFFFFC0]  }
0x112: {  	v5 =	vld [tilespmem:s23+$0xFFFFFFD0];
	v0 =	vmul.f32 $1.131370830e+01, v0  }
0x113: {  	v6 =	vld [tilespmem:s23+$0xFFFFFFE0];
	v1 =	vmul.f32 $1.131370830e+01, v1  }
0x114: {  	v7 =	vld [tilespmem:s23+$0xFFFFFFF0];
	v2 =	vmul.f32 $1.131370830e+01, v2;
	[tilespmem:s23+$0x70] =	vst v0  }
0x115: {  	[tilespmem:s23+$0xFFFFFF90] =	vst v1;
	v0 =	vmul.f32 $1.131370830e+01, v3;
	v3 =	vld [tilespmem:s23+$0x0]  }
0x116: {  	[tilespmem:s23+$0xFFFFFFA0] =	vst v2;
	v1 =	vmul.f32 $1.131370830e+01, v4;
	v4 =	vld [tilespmem:s23+$0x10]  }
0x117: {  	v8 =	vld [tilespmem:s23+$0x20];
	v2 =	vmul.f32 $1.131370830e+01, v5;
	[tilespmem:s23+$0xFFFFFFB0] =	vst v0  }
0x118: {  	v5 =	vmul.f32 $1.131370830e+01, v6;
	[tilespmem:s23+$0xFFFFFFC0] =	vst v1;
	v0 =	vld [tilespmem:s23+$0x30]  }
0x119: {  	v6 =	vmul.f32 $1.131370830e+01, v7;
	[tilespmem:s23+$0xFFFFFFD0] =	vst v2;
	v1 =	vld [tilespmem:s23+$0x40]  }
0x11a: {  	[tilespmem:s23+$0xFFFFFFE0] =	vst v5;
	v2 =	vld [tilespmem:s23+$0x50];
	v7 =	vmul.f32 $1.131370830e+01, v3  }
0x11b: {  	[tilespmem:s23+$0xFFFFFFF0] =	vst v6;
	v3 =	vld [tilespmem:s23+$0x60];
	v5 =	vmul.f32 $1.131370830e+01, v4  }
0x11c: {  	s24 =	simm.s32 $0x0;
	s26 =	simm.s32 $0xB980;
	v6 =	vmul.f32 $1.131370830e+01, v8;
	v4 =	vld [tilespmem:s23+$0xFFFFFF80];
	[tilespmem:s23+$0x0] =	vst v7  }
.LBB2_11:
0x11d: {  	v7 =	vld [tilespmem:s26+$0x70];
	s24 =	sadd.s32 $0x2, s24;
	[tilespmem:s23+$0x10] =	vst v5;
	v0 =	vmul.f32 $1.131370830e+01, v0  }
0x11e: {  	v5 =	vld [tilespmem:s26+$0xFFFFFF90];
	p1 =	slt.u32 s24, $0x3E;
	[tilespmem:s23+$0x20] =	vst v6;
	v1 =	vmul.f32 $1.131370830e+01, v1  }
0x11f: {  	v6 =	vld [tilespmem:s26+$0xFFFFFFA0];
	[tilespmem:s23+$0x30] =	vst v0;
	v0 =	vmul.f32 $1.131370830e+01, v2  }
0x120: {  	v2 =	vld [tilespmem:s26+$0xFFFFFFB0];
	[tilespmem:s23+$0x40] =	vst v1;
	v1 =	vmul.f32 $1.131370830e+01, v3  }
0x121: {  	v3 =	vld [tilespmem:s26+$0xFFFFFFC0];
	v4 =	vmul.f32 $1.131370830e+01, v4;
	[tilespmem:s23+$0x50] =	vst v0  }
0x122: {  	v0 =	vld [tilespmem:s26+$0xFFFFFFD0];
	v7 =	vmul.f32 $1.131370830e+01, v7;
	[tilespmem:s23+$0x60] =	vst v1  }
0x123: {  	v1 =	vmul.f32 $1.131370830e+01, v5;
	v5 =	vld [tilespmem:s26+$0xFFFFFFE0];
	[tilespmem:s23+$0xFFFFFF80] =	vst v4;
	s23 =	smov.u32 s26  }
0x124: {  	v4 =	vmul.f32 $1.131370830e+01, v6;
	v6 =	vld [tilespmem:s26+$0xFFFFFFF0];
	[tilespmem:s26+$0x70] =	vst v7  }
0x125: {  	[tilespmem:s26+$0xFFFFFF90] =	vst v1;
	v1 =	vmul.f32 $1.131370830e+01, v2;
	v2 =	vld [tilespmem:s26+$0x0]  }
0x126: {  	[tilespmem:s26+$0xFFFFFFA0] =	vst v4;
	v3 =	vmul.f32 $1.131370830e+01, v3;
	v4 =	vld [tilespmem:s26+$0x10]  }
0x127: {  	[tilespmem:s26+$0xFFFFFFB0] =	vst v1;
	v1 =	vmul.f32 $1.131370830e+01, v0;
	v7 =	vld [tilespmem:s26+$0x20]  }
.Ltmp4:
0x128: {  	[tilespmem:s26+$0xFFFFFFC0] =	vst v3;
	v3 =	vmul.f32 $1.131370830e+01, v5;
	v0 =	vld [tilespmem:s26+$0x30];
	(pc) =	sbr.rel @p1 .LBB2_11-.Ltmp4, $4  }
0x129: {  	[tilespmem:s26+$0xFFFFFFD0] =	vst v1;
	v5 =	vmul.f32 $1.131370830e+01, v6;
	v1 =	vld [tilespmem:s26+$0x40]  }
0x12a: {  	[tilespmem:s26+$0xFFFFFFE0] =	vst v3;
	v6 =	vmul.f32 $1.131370830e+01, v2;
	v2 =	vld [tilespmem:s26+$0x50]  }
0x12b: {  	[tilespmem:s26+$0xFFFFFFF0] =	vst v5;
	v5 =	vmul.f32 $1.131370830e+01, v4;
	v3 =	vld [tilespmem:s26+$0x60]  }
0x12c: {  	s26 =	sadd.s32 $0x100, s26;
	v4 =	vld [tilespmem:s23+$0xFFFFFF80];
	[tilespmem:s23+$0x0] =	vst v6;
	v6 =	vmul.f32 $1.131370830e+01, v7  }
0x12d: {  	[tilespmem:s23+$0x10] =	vst v5;
	v0 =	vmul.f32 $1.131370830e+01, v0  }
0x12e: {  	[tilespmem:s23+$0x20] =	vst v6;
	v1 =	vmul.f32 $1.131370830e+01, v1  }
0x12f: {  	[tilespmem:s23+$0x30] =	vst v0;
	v0 =	vmul.f32 $1.131370830e+01, v2  }
0x130: {  	[tilespmem:s23+$0x40] =	vst v1;
	v1 =	vmul.f32 $1.131370830e+01, v3  }
0x131: {  	v2 =	vmul.f32 $1.131370830e+01, v4;
	[tilespmem:s23+$0x50] =	vst v0  }
0x132: {  	[tilespmem:s23+$0x60] =	vst v1  }
0x133: {  	[tilespmem:s23+$0xFFFFFF80] =	vst v2;
	s23 =	simm.s32 @!p0 $0xE  }
0x134: {  	_ =	swait.ge @!p0 [sflag:s23], $0x2000  }
0x135: {  	s24 =	rddreg [dreg:$0x16]  }
0x136: {  	[sflag:s23] =	ssyncset.done @!p0 $0x0;
	s24 =	sadd.s32 @!p0 s21, s24  }
0x137: {  	[sflag:s23] =	ssyncadd.s32 @!p0 $0xFFFFE000;
	s23 =	sshll.u32 @!p0 s24, $0x9  }
0x138: {  	s26 =	simm.s32 @!p0 $0x9800;
	s24 =	simm.s32 @!p0 $0x40;
	s23 =	sshra.s32 @!p0 s23, $0x2  }
0x139: {  	[tilespmem:s26], [sflag:$0x4] =	stream.indirect.gather @!p0 [hbm4b:s2+s24], $0x80, s23, s24, $0xb8;
	[tilespmem:$0x17800] =	vst v63  }
0x13a: {  	s24 =	rddreg [dreg:$0x17]  }
0x13b: {  	s23 =	sadd.s32 s24, s22  }
0x13c: {  	s23 =	sshrl.u32 s23, $0x3  }
0x13d: {  	s26 =	simm.s32 $0xB800;
	s23 =	sadd.s32 s3, s23  }
0x13e: {  	[hbm4b:s23+s4] =	stream.linear.scatter [tilespmem:s26], [sflag:$0xF], $0x2000, $0x38;
	[tilespmem:$0x17800] =	vst v63  }
0x13f: {  	_ =	swait.ge [sflag:s12], $0x2000  }
0x140: {  	[sflag:s12] =	ssyncset.done $0x0  }
0x141: {  	s23 =	simm.s32 $0xD880;
	[sflag:s12] =	ssyncadd.s32 $0xFFFFE000  }
0x142: {  	v0 =	vld [tilespmem:s23+$0x70]  }
0x143: {  	v1 =	vld [tilespmem:s23+$0xFFFFFF90]  }
0x144: {  	v2 =	vld [tilespmem:s23+$0xFFFFFFA0]  }
0x145: {  	v3 =	vld [tilespmem:s23+$0xFFFFFFB0]  }
0x146: {  	v4 =	vld [tilespmem:s23+$0xFFFFFFC0]  }
0x147: {  	v5 =	vld [tilespmem:s23+$0xFFFFFFD0];
	v0 =	vmul.f32 $1.131370830e+01, v0  }
0x148: {  	v6 =	vld [tilespmem:s23+$0xFFFFFFE0];
	v1 =	vmul.f32 $1.131370830e+01, v1  }
0x149: {  	v7 =	vld [tilespmem:s23+$0xFFFFFFF0];
	v2 =	vmul.f32 $1.131370830e+01, v2;
	[tilespmem:s23+$0x70] =	vst v0  }
0x14a: {  	[tilespmem:s23+$0xFFFFFF90] =	vst v1;
	v0 =	vmul.f32 $1.131370830e+01, v3;
	v3 =	vld [tilespmem:s23+$0x0]  }
0x14b: {  	[tilespmem:s23+$0xFFFFFFA0] =	vst v2;
	v1 =	vmul.f32 $1.131370830e+01, v4;
	v4 =	vld [tilespmem:s23+$0x10]  }
0x14c: {  	v8 =	vld [tilespmem:s23+$0x20];
	v2 =	vmul.f32 $1.131370830e+01, v5;
	[tilespmem:s23+$0xFFFFFFB0] =	vst v0  }
0x14d: {  	v5 =	vmul.f32 $1.131370830e+01, v6;
	[tilespmem:s23+$0xFFFFFFC0] =	vst v1;
	v0 =	vld [tilespmem:s23+$0x30]  }
0x14e: {  	v6 =	vmul.f32 $1.131370830e+01, v7;
	[tilespmem:s23+$0xFFFFFFD0] =	vst v2;
	v1 =	vld [tilespmem:s23+$0x40]  }
0x14f: {  	[tilespmem:s23+$0xFFFFFFE0] =	vst v5;
	v2 =	vld [tilespmem:s23+$0x50];
	v7 =	vmul.f32 $1.131370830e+01, v3  }
0x150: {  	[tilespmem:s23+$0xFFFFFFF0] =	vst v6;
	v3 =	vld [tilespmem:s23+$0x60];
	v5 =	vmul.f32 $1.131370830e+01, v4  }
0x151: {  	s24 =	simm.s32 $0x0;
	s26 =	simm.s32 $0xD980;
	v6 =	vmul.f32 $1.131370830e+01, v8;
	v4 =	vld [tilespmem:s23+$0xFFFFFF80];
	[tilespmem:s23+$0x0] =	vst v7  }
.LBB2_13:
0x152: {  	v7 =	vld [tilespmem:s26+$0x70];
	s24 =	sadd.s32 $0x2, s24;
	[tilespmem:s23+$0x10] =	vst v5;
	v0 =	vmul.f32 $1.131370830e+01, v0  }
0x153: {  	v5 =	vld [tilespmem:s26+$0xFFFFFF90];
	p1 =	slt.u32 s24, $0x3E;
	[tilespmem:s23+$0x20] =	vst v6;
	v1 =	vmul.f32 $1.131370830e+01, v1  }
0x154: {  	v6 =	vld [tilespmem:s26+$0xFFFFFFA0];
	[tilespmem:s23+$0x30] =	vst v0;
	v0 =	vmul.f32 $1.131370830e+01, v2  }
0x155: {  	v2 =	vld [tilespmem:s26+$0xFFFFFFB0];
	[tilespmem:s23+$0x40] =	vst v1;
	v1 =	vmul.f32 $1.131370830e+01, v3  }
0x156: {  	v3 =	vld [tilespmem:s26+$0xFFFFFFC0];
	v4 =	vmul.f32 $1.131370830e+01, v4;
	[tilespmem:s23+$0x50] =	vst v0  }
0x157: {  	v0 =	vld [tilespmem:s26+$0xFFFFFFD0];
	v7 =	vmul.f32 $1.131370830e+01, v7;
	[tilespmem:s23+$0x60] =	vst v1  }
0x158: {  	v1 =	vmul.f32 $1.131370830e+01, v5;
	v5 =	vld [tilespmem:s26+$0xFFFFFFE0];
	[tilespmem:s23+$0xFFFFFF80] =	vst v4;
	s23 =	smov.u32 s26  }
0x159: {  	v4 =	vmul.f32 $1.131370830e+01, v6;
	v6 =	vld [tilespmem:s26+$0xFFFFFFF0];
	[tilespmem:s26+$0x70] =	vst v7  }
0x15a: {  	[tilespmem:s26+$0xFFFFFF90] =	vst v1;
	v1 =	vmul.f32 $1.131370830e+01, v2;
	v2 =	vld [tilespmem:s26+$0x0]  }
0x15b: {  	[tilespmem:s26+$0xFFFFFFA0] =	vst v4;
	v3 =	vmul.f32 $1.131370830e+01, v3;
	v4 =	vld [tilespmem:s26+$0x10]  }
0x15c: {  	[tilespmem:s26+$0xFFFFFFB0] =	vst v1;
	v1 =	vmul.f32 $1.131370830e+01, v0;
	v7 =	vld [tilespmem:s26+$0x20]  }
.Ltmp5:
0x15d: {  	[tilespmem:s26+$0xFFFFFFC0] =	vst v3;
	v3 =	vmul.f32 $1.131370830e+01, v5;
	v0 =	vld [tilespmem:s26+$0x30];
	(pc) =	sbr.rel @p1 .LBB2_13-.Ltmp5, $4  }
0x15e: {  	[tilespmem:s26+$0xFFFFFFD0] =	vst v1;
	v5 =	vmul.f32 $1.131370830e+01, v6;
	v1 =	vld [tilespmem:s26+$0x40]  }
0x15f: {  	[tilespmem:s26+$0xFFFFFFE0] =	vst v3;
	v6 =	vmul.f32 $1.131370830e+01, v2;
	v2 =	vld [tilespmem:s26+$0x50]  }
0x160: {  	[tilespmem:s26+$0xFFFFFFF0] =	vst v5;
	v5 =	vmul.f32 $1.131370830e+01, v4;
	v3 =	vld [tilespmem:s26+$0x60]  }
0x161: {  	s26 =	sadd.s32 $0x100, s26;
	v4 =	vld [tilespmem:s23+$0xFFFFFF80];
	[tilespmem:s23+$0x0] =	vst v6;
	v6 =	vmul.f32 $1.131370830e+01, v7  }
0x162: {  	[tilespmem:s23+$0x10] =	vst v5;
	v0 =	vmul.f32 $1.131370830e+01, v0  }
0x163: {  	[tilespmem:s23+$0x20] =	vst v6;
	v1 =	vmul.f32 $1.131370830e+01, v1  }
0x164: {  	[tilespmem:s23+$0x30] =	vst v0;
	v0 =	vmul.f32 $1.131370830e+01, v2  }
0x165: {  	[tilespmem:s23+$0x40] =	vst v1;
	v1 =	vmul.f32 $1.131370830e+01, v3  }
0x166: {  	v2 =	vmul.f32 $1.131370830e+01, v4;
	[tilespmem:s23+$0x50] =	vst v0  }
0x167: {  	[tilespmem:s23+$0x60] =	vst v1  }
0x168: {  	[tilespmem:s23+$0xFFFFFF80] =	vst v2;
	s23 =	simm.s32 @!p0 $0xF  }
0x169: {  	_ =	swait.ge @!p0 [sflag:s23], $0x2000  }
0x16a: {  	s24 =	rddreg [dreg:$0x18]  }
0x16b: {  	[sflag:s23] =	ssyncset.done @!p0 $0x0;
	s24 =	sadd.s32 @!p0 s21, s24  }
0x16c: {  	[sflag:s23] =	ssyncadd.s32 @!p0 $0xFFFFE000;
	s23 =	sshll.u32 @!p0 s24, $0x9  }
0x16d: {  	s26 =	simm.s32 @!p0 $0xB800;
	s24 =	simm.s32 @!p0 $0x40;
	s23 =	sshra.s32 @!p0 s23, $0x2  }
0x16e: {  	[tilespmem:s26], [sflag:$0x5] =	stream.indirect.gather @!p0 [hbm4b:s2+s24], $0x80, s23, s24, $0xb8;
	[tilespmem:$0x17800] =	vst v63  }
0x16f: {  	s24 =	sadd.s32 s30, s22  }
0x170: {  	s23 =	sshrl.u32 s24, $0x3  }
0x171: {  	s26 =	simm.s32 $0xD800;
	s23 =	sadd.s32 s3, s23  }
0x172: {  	[hbm4b:s23+s4] =	stream.linear.scatter [tilespmem:s26], [sflag:$0x10], $0x2000, $0x38;
	[tilespmem:$0x17800] =	vst v63  }
0x173: {  	_ =	swait.ge [sflag:s13], $0x2000  }
0x174: {  	[sflag:s13] =	ssyncset.done $0x0  }
0x175: {  	s23 =	simm.s32 $0xF880;
	[sflag:s13] =	ssyncadd.s32 $0xFFFFE000  }
0x176: {  	v0 =	vld [tilespmem:s23+$0x70]  }
0x177: {  	v1 =	vld [tilespmem:s23+$0xFFFFFF90]  }
0x178: {  	v2 =	vld [tilespmem:s23+$0xFFFFFFA0]  }
0x179: {  	v3 =	vld [tilespmem:s23+$0xFFFFFFB0]  }
0x17a: {  	v4 =	vld [tilespmem:s23+$0xFFFFFFC0]  }
0x17b: {  	v5 =	vld [tilespmem:s23+$0xFFFFFFD0];
	v0 =	vmul.f32 $1.131370830e+01, v0  }
0x17c: {  	v6 =	vld [tilespmem:s23+$0xFFFFFFE0];
	v1 =	vmul.f32 $1.131370830e+01, v1  }
0x17d: {  	v7 =	vld [tilespmem:s23+$0xFFFFFFF0];
	v2 =	vmul.f32 $1.131370830e+01, v2;
	[tilespmem:s23+$0x70] =	vst v0  }
0x17e: {  	[tilespmem:s23+$0xFFFFFF90] =	vst v1;
	v0 =	vmul.f32 $1.131370830e+01, v3;
	v3 =	vld [tilespmem:s23+$0x0]  }
0x17f: {  	[tilespmem:s23+$0xFFFFFFA0] =	vst v2;
	v1 =	vmul.f32 $1.131370830e+01, v4;
	v4 =	vld [tilespmem:s23+$0x10]  }
0x180: {  	v8 =	vld [tilespmem:s23+$0x20];
	v2 =	vmul.f32 $1.131370830e+01, v5;
	[tilespmem:s23+$0xFFFFFFB0] =	vst v0  }
0x181: {  	v5 =	vmul.f32 $1.131370830e+01, v6;
	[tilespmem:s23+$0xFFFFFFC0] =	vst v1;
	v0 =	vld [tilespmem:s23+$0x30]  }
0x182: {  	v6 =	vmul.f32 $1.131370830e+01, v7;
	[tilespmem:s23+$0xFFFFFFD0] =	vst v2;
	v1 =	vld [tilespmem:s23+$0x40]  }
0x183: {  	[tilespmem:s23+$0xFFFFFFE0] =	vst v5;
	v2 =	vld [tilespmem:s23+$0x50];
	v7 =	vmul.f32 $1.131370830e+01, v3  }
0x184: {  	[tilespmem:s23+$0xFFFFFFF0] =	vst v6;
	v3 =	vld [tilespmem:s23+$0x60];
	v5 =	vmul.f32 $1.131370830e+01, v4  }
0x185: {  	s24 =	simm.s32 $0x0;
	s26 =	simm.s32 $0xF980;
	v6 =	vmul.f32 $1.131370830e+01, v8;
	v4 =	vld [tilespmem:s23+$0xFFFFFF80];
	[tilespmem:s23+$0x0] =	vst v7  }
.LBB2_15:
0x186: {  	v7 =	vld [tilespmem:s26+$0x70];
	s24 =	sadd.s32 $0x2, s24;
	[tilespmem:s23+$0x10] =	vst v5;
	v0 =	vmul.f32 $1.131370830e+01, v0  }
0x187: {  	v5 =	vld [tilespmem:s26+$0xFFFFFF90];
	p1 =	slt.u32 s24, $0x3E;
	[tilespmem:s23+$0x20] =	vst v6;
	v1 =	vmul.f32 $1.131370830e+01, v1  }
0x188: {  	v6 =	vld [tilespmem:s26+$0xFFFFFFA0];
	[tilespmem:s23+$0x30] =	vst v0;
	v0 =	vmul.f32 $1.131370830e+01, v2  }
0x189: {  	v2 =	vld [tilespmem:s26+$0xFFFFFFB0];
	[tilespmem:s23+$0x40] =	vst v1;
	v1 =	vmul.f32 $1.131370830e+01, v3  }
0x18a: {  	v3 =	vld [tilespmem:s26+$0xFFFFFFC0];
	v4 =	vmul.f32 $1.131370830e+01, v4;
	[tilespmem:s23+$0x50] =	vst v0  }
0x18b: {  	v0 =	vld [tilespmem:s26+$0xFFFFFFD0];
	v7 =	vmul.f32 $1.131370830e+01, v7;
	[tilespmem:s23+$0x60] =	vst v1  }
0x18c: {  	v1 =	vmul.f32 $1.131370830e+01, v5;
	v5 =	vld [tilespmem:s26+$0xFFFFFFE0];
	[tilespmem:s23+$0xFFFFFF80] =	vst v4;
	s23 =	smov.u32 s26  }
0x18d: {  	v4 =	vmul.f32 $1.131370830e+01, v6;
	v6 =	vld [tilespmem:s26+$0xFFFFFFF0];
	[tilespmem:s26+$0x70] =	vst v7  }
0x18e: {  	[tilespmem:s26+$0xFFFFFF90] =	vst v1;
	v1 =	vmul.f32 $1.131370830e+01, v2;
	v2 =	vld [tilespmem:s26+$0x0]  }
0x18f: {  	[tilespmem:s26+$0xFFFFFFA0] =	vst v4;
	v3 =	vmul.f32 $1.131370830e+01, v3;
	v4 =	vld [tilespmem:s26+$0x10]  }
0x190: {  	[tilespmem:s26+$0xFFFFFFB0] =	vst v1;
	v1 =	vmul.f32 $1.131370830e+01, v0;
	v7 =	vld [tilespmem:s26+$0x20]  }
.Ltmp6:
0x191: {  	[tilespmem:s26+$0xFFFFFFC0] =	vst v3;
	v3 =	vmul.f32 $1.131370830e+01, v5;
	v0 =	vld [tilespmem:s26+$0x30];
	(pc) =	sbr.rel @p1 .LBB2_15-.Ltmp6, $4  }
0x192: {  	[tilespmem:s26+$0xFFFFFFD0] =	vst v1;
	v5 =	vmul.f32 $1.131370830e+01, v6;
	v1 =	vld [tilespmem:s26+$0x40]  }
0x193: {  	[tilespmem:s26+$0xFFFFFFE0] =	vst v3;
	v6 =	vmul.f32 $1.131370830e+01, v2;
	v2 =	vld [tilespmem:s26+$0x50]  }
0x194: {  	[tilespmem:s26+$0xFFFFFFF0] =	vst v5;
	v5 =	vmul.f32 $1.131370830e+01, v4;
	v3 =	vld [tilespmem:s26+$0x60]  }
0x195: {  	s26 =	sadd.s32 $0x100, s26;
	v4 =	vld [tilespmem:s23+$0xFFFFFF80];
	[tilespmem:s23+$0x0] =	vst v6;
	v6 =	vmul.f32 $1.131370830e+01, v7  }
0x196: {  	[tilespmem:s23+$0x10] =	vst v5;
	v0 =	vmul.f32 $1.131370830e+01, v0  }
0x197: {  	[tilespmem:s23+$0x20] =	vst v6;
	v1 =	vmul.f32 $1.131370830e+01, v1  }
0x198: {  	[tilespmem:s23+$0x30] =	vst v0;
	v0 =	vmul.f32 $1.131370830e+01, v2  }
0x199: {  	[tilespmem:s23+$0x40] =	vst v1;
	v1 =	vmul.f32 $1.131370830e+01, v3  }
0x19a: {  	v2 =	vmul.f32 $1.131370830e+01, v4;
	[tilespmem:s23+$0x50] =	vst v0  }
0x19b: {  	[tilespmem:s23+$0x60] =	vst v1  }
0x19c: {  	[tilespmem:s23+$0xFFFFFF80] =	vst v2;
	s23 =	simm.s32 @!p0 $0x10  }
0x19d: {  	_ =	swait.ge @!p0 [sflag:s23], $0x2000  }
0x19e: {  	s24 =	sadd.s32 @!p0 s21, s31;
	[sflag:s23] =	ssyncset.done @!p0 $0x0  }
0x19f: {  	[sflag:s23] =	ssyncadd.s32 @!p0 $0xFFFFE000;
	s23 =	sshll.u32 @!p0 s24, $0x9  }
0x1a0: {  	s26 =	simm.s32 @!p0 $0xD800;
	s24 =	simm.s32 @!p0 $0x40;
	s23 =	sshra.s32 @!p0 s23, $0x2  }
0x1a1: {  	[tilespmem:s26], [sflag:$0x6] =	stream.indirect.gather @!p0 [hbm4b:s2+s24], $0x80, s23, s24, $0xb8;
	[tilespmem:$0x17800] =	vst v63  }
0x1a2: {  	s24 =	sadd.s32 s1, s22  }
0x1a3: {  	s23 =	sshrl.u32 s24, $0x3  }
0x1a4: {  	s26 =	simm.s32 $0xF800;
	s23 =	sadd.s32 s3, s23  }
0x1a5: {  	[hbm4b:s23+s4] =	stream.linear.scatter [tilespmem:s26], [sflag:$0x11], $0x2000, $0x38;
	[tilespmem:$0x17800] =	vst v63  }
0x1a6: {  	_ =	swait.ge [sflag:s14], $0x2000  }
0x1a7: {  	[sflag:s14] =	ssyncset.done $0x0  }
0x1a8: {  	s23 =	simm.s32 $0x11880;
	[sflag:s14] =	ssyncadd.s32 $0xFFFFE000  }
0x1a9: {  	v0 =	vld [tilespmem:s23+$0x70]  }
0x1aa: {  	v1 =	vld [tilespmem:s23+$0xFFFFFF90]  }
0x1ab: {  	v2 =	vld [tilespmem:s23+$0xFFFFFFA0]  }
0x1ac: {  	v3 =	vld [tilespmem:s23+$0xFFFFFFB0]  }
0x1ad: {  	v4 =	vld [tilespmem:s23+$0xFFFFFFC0]  }
0x1ae: {  	v5 =	vld [tilespmem:s23+$0xFFFFFFD0];
	v0 =	vmul.f32 $1.131370830e+01, v0  }
0x1af: {  	v6 =	vld [tilespmem:s23+$0xFFFFFFE0];
	v1 =	vmul.f32 $1.131370830e+01, v1  }
0x1b0: {  	v7 =	vld [tilespmem:s23+$0xFFFFFFF0];
	v2 =	vmul.f32 $1.131370830e+01, v2;
	[tilespmem:s23+$0x70] =	vst v0  }
0x1b1: {  	[tilespmem:s23+$0xFFFFFF90] =	vst v1;
	v0 =	vmul.f32 $1.131370830e+01, v3;
	v3 =	vld [tilespmem:s23+$0x0]  }
0x1b2: {  	[tilespmem:s23+$0xFFFFFFA0] =	vst v2;
	v1 =	vmul.f32 $1.131370830e+01, v4;
	v4 =	vld [tilespmem:s23+$0x10]  }
0x1b3: {  	v8 =	vld [tilespmem:s23+$0x20];
	v2 =	vmul.f32 $1.131370830e+01, v5;
	[tilespmem:s23+$0xFFFFFFB0] =	vst v0  }
0x1b4: {  	v5 =	vmul.f32 $1.131370830e+01, v6;
	[tilespmem:s23+$0xFFFFFFC0] =	vst v1;
	v0 =	vld [tilespmem:s23+$0x30]  }
0x1b5: {  	v6 =	vmul.f32 $1.131370830e+01, v7;
	[tilespmem:s23+$0xFFFFFFD0] =	vst v2;
	v1 =	vld [tilespmem:s23+$0x40]  }
0x1b6: {  	[tilespmem:s23+$0xFFFFFFE0] =	vst v5;
	v2 =	vld [tilespmem:s23+$0x50];
	v7 =	vmul.f32 $1.131370830e+01, v3  }
0x1b7: {  	[tilespmem:s23+$0xFFFFFFF0] =	vst v6;
	v3 =	vld [tilespmem:s23+$0x60];
	v5 =	vmul.f32 $1.131370830e+01, v4  }
0x1b8: {  	s24 =	simm.s32 $0x0;
	s26 =	simm.s32 $0x11980;
	v6 =	vmul.f32 $1.131370830e+01, v8;
	v4 =	vld [tilespmem:s23+$0xFFFFFF80];
	[tilespmem:s23+$0x0] =	vst v7  }
.LBB2_17:
0x1b9: {  	v7 =	vld [tilespmem:s26+$0x70];
	s24 =	sadd.s32 $0x2, s24;
	[tilespmem:s23+$0x10] =	vst v5;
	v0 =	vmul.f32 $1.131370830e+01, v0  }
0x1ba: {  	v5 =	vld [tilespmem:s26+$0xFFFFFF90];
	p1 =	slt.u32 s24, $0x3E;
	[tilespmem:s23+$0x20] =	vst v6;
	v1 =	vmul.f32 $1.131370830e+01, v1  }
0x1bb: {  	v6 =	vld [tilespmem:s26+$0xFFFFFFA0];
	[tilespmem:s23+$0x30] =	vst v0;
	v0 =	vmul.f32 $1.131370830e+01, v2  }
0x1bc: {  	v2 =	vld [tilespmem:s26+$0xFFFFFFB0];
	[tilespmem:s23+$0x40] =	vst v1;
	v1 =	vmul.f32 $1.131370830e+01, v3  }
0x1bd: {  	v3 =	vld [tilespmem:s26+$0xFFFFFFC0];
	v4 =	vmul.f32 $1.131370830e+01, v4;
	[tilespmem:s23+$0x50] =	vst v0  }
0x1be: {  	v0 =	vld [tilespmem:s26+$0xFFFFFFD0];
	v7 =	vmul.f32 $1.131370830e+01, v7;
	[tilespmem:s23+$0x60] =	vst v1  }
0x1bf: {  	v1 =	vmul.f32 $1.131370830e+01, v5;
	v5 =	vld [tilespmem:s26+$0xFFFFFFE0];
	[tilespmem:s23+$0xFFFFFF80] =	vst v4;
	s23 =	smov.u32 s26  }
0x1c0: {  	v4 =	vmul.f32 $1.131370830e+01, v6;
	v6 =	vld [tilespmem:s26+$0xFFFFFFF0];
	[tilespmem:s26+$0x70] =	vst v7  }
0x1c1: {  	[tilespmem:s26+$0xFFFFFF90] =	vst v1;
	v1 =	vmul.f32 $1.131370830e+01, v2;
	v2 =	vld [tilespmem:s26+$0x0]  }
0x1c2: {  	[tilespmem:s26+$0xFFFFFFA0] =	vst v4;
	v3 =	vmul.f32 $1.131370830e+01, v3;
	v4 =	vld [tilespmem:s26+$0x10]  }
0x1c3: {  	[tilespmem:s26+$0xFFFFFFB0] =	vst v1;
	v1 =	vmul.f32 $1.131370830e+01, v0;
	v7 =	vld [tilespmem:s26+$0x20]  }
.Ltmp7:
0x1c4: {  	[tilespmem:s26+$0xFFFFFFC0] =	vst v3;
	v3 =	vmul.f32 $1.131370830e+01, v5;
	v0 =	vld [tilespmem:s26+$0x30];
	(pc) =	sbr.rel @p1 .LBB2_17-.Ltmp7, $4  }
0x1c5: {  	[tilespmem:s26+$0xFFFFFFD0] =	vst v1;
	v5 =	vmul.f32 $1.131370830e+01, v6;
	v1 =	vld [tilespmem:s26+$0x40]  }
0x1c6: {  	[tilespmem:s26+$0xFFFFFFE0] =	vst v3;
	v6 =	vmul.f32 $1.131370830e+01, v2;
	v2 =	vld [tilespmem:s26+$0x50]  }
0x1c7: {  	[tilespmem:s26+$0xFFFFFFF0] =	vst v5;
	v5 =	vmul.f32 $1.131370830e+01, v4;
	v3 =	vld [tilespmem:s26+$0x60]  }
0x1c8: {  	s26 =	sadd.s32 $0x100, s26;
	v4 =	vld [tilespmem:s23+$0xFFFFFF80];
	[tilespmem:s23+$0x0] =	vst v6;
	v6 =	vmul.f32 $1.131370830e+01, v7  }
0x1c9: {  	[tilespmem:s23+$0x10] =	vst v5;
	v0 =	vmul.f32 $1.131370830e+01, v0  }
0x1ca: {  	[tilespmem:s23+$0x20] =	vst v6;
	v1 =	vmul.f32 $1.131370830e+01, v1  }
0x1cb: {  	[tilespmem:s23+$0x30] =	vst v0;
	v0 =	vmul.f32 $1.131370830e+01, v2  }
0x1cc: {  	[tilespmem:s23+$0x40] =	vst v1;
	v1 =	vmul.f32 $1.131370830e+01, v3  }
0x1cd: {  	v2 =	vmul.f32 $1.131370830e+01, v4;
	[tilespmem:s23+$0x50] =	vst v0  }
0x1ce: {  	[tilespmem:s23+$0x60] =	vst v1  }
0x1cf: {  	[tilespmem:s23+$0xFFFFFF80] =	vst v2;
	s23 =	simm.s32 @!p0 $0x11  }
0x1d0: {  	_ =	swait.ge @!p0 [sflag:s23], $0x2000  }
0x1d1: {  	s24 =	sadd.s32 @!p0 s21, s0;
	[sflag:s23] =	ssyncset.done @!p0 $0x0  }
0x1d2: {  	[sflag:s23] =	ssyncadd.s32 @!p0 $0xFFFFE000;
	s23 =	sshll.u32 @!p0 s24, $0x9  }
0x1d3: {  	s26 =	simm.s32 @!p0 $0xF800;
	s24 =	simm.s32 @!p0 $0x40;
	s23 =	sshra.s32 @!p0 s23, $0x2  }
0x1d4: {  	[tilespmem:s26], [sflag:$0x7] =	stream.indirect.gather @!p0 [hbm4b:s2+s24], $0x80, s23, s24, $0xb8;
	[tilespmem:$0x17800] =	vst v63  }
0x1d5: {  	s24 =	sadd.s32 s7, s22  }
0x1d6: {  	s23 =	sshrl.u32 s24, $0x3  }
0x1d7: {  	s26 =	simm.s32 $0x11800;
	s23 =	sadd.s32 s3, s23  }
0x1d8: {  	[hbm4b:s23+s4] =	stream.linear.scatter [tilespmem:s26], [sflag:$0x12], $0x2000, $0x38;
	[tilespmem:$0x17800] =	vst v63  }
0x1d9: {  	_ =	swait.ge [sflag:s5], $0x2000  }
0x1da: {  	[sflag:s5] =	ssyncset.done $0x0  }
0x1db: {  	s23 =	simm.s32 $0x13880;
	[sflag:s5] =	ssyncadd.s32 $0xFFFFE000  }
0x1dc: {  	v0 =	vld [tilespmem:s23+$0x70]  }
0x1dd: {  	v1 =	vld [tilespmem:s23+$0xFFFFFF90]  }
0x1de: {  	v2 =	vld [tilespmem:s23+$0xFFFFFFA0]  }
0x1df: {  	v3 =	vld [tilespmem:s23+$0xFFFFFFB0]  }
0x1e0: {  	v4 =	vld [tilespmem:s23+$0xFFFFFFC0]  }
0x1e1: {  	v5 =	vld [tilespmem:s23+$0xFFFFFFD0];
	v0 =	vmul.f32 $1.131370830e+01, v0  }
0x1e2: {  	v6 =	vld [tilespmem:s23+$0xFFFFFFE0];
	v1 =	vmul.f32 $1.131370830e+01, v1  }
0x1e3: {  	v7 =	vld [tilespmem:s23+$0xFFFFFFF0];
	v2 =	vmul.f32 $1.131370830e+01, v2;
	[tilespmem:s23+$0x70] =	vst v0  }
0x1e4: {  	[tilespmem:s23+$0xFFFFFF90] =	vst v1;
	v0 =	vmul.f32 $1.131370830e+01, v3;
	v3 =	vld [tilespmem:s23+$0x0]  }
0x1e5: {  	[tilespmem:s23+$0xFFFFFFA0] =	vst v2;
	v1 =	vmul.f32 $1.131370830e+01, v4;
	v4 =	vld [tilespmem:s23+$0x10]  }
0x1e6: {  	v8 =	vld [tilespmem:s23+$0x20];
	v2 =	vmul.f32 $1.131370830e+01, v5;
	[tilespmem:s23+$0xFFFFFFB0] =	vst v0  }
0x1e7: {  	v5 =	vmul.f32 $1.131370830e+01, v6;
	[tilespmem:s23+$0xFFFFFFC0] =	vst v1;
	v0 =	vld [tilespmem:s23+$0x30]  }
0x1e8: {  	v6 =	vmul.f32 $1.131370830e+01, v7;
	[tilespmem:s23+$0xFFFFFFD0] =	vst v2;
	v1 =	vld [tilespmem:s23+$0x40]  }
0x1e9: {  	[tilespmem:s23+$0xFFFFFFE0] =	vst v5;
	v2 =	vld [tilespmem:s23+$0x50];
	v7 =	vmul.f32 $1.131370830e+01, v3  }
0x1ea: {  	[tilespmem:s23+$0xFFFFFFF0] =	vst v6;
	v3 =	vld [tilespmem:s23+$0x60];
	v5 =	vmul.f32 $1.131370830e+01, v4  }
0x1eb: {  	s24 =	simm.s32 $0x0;
	s26 =	simm.s32 $0x13980;
	v6 =	vmul.f32 $1.131370830e+01, v8;
	v4 =	vld [tilespmem:s23+$0xFFFFFF80];
	[tilespmem:s23+$0x0] =	vst v7  }
.LBB2_19:
0x1ec: {  	v7 =	vld [tilespmem:s26+$0x70];
	s24 =	sadd.s32 $0x2, s24;
	[tilespmem:s23+$0x10] =	vst v5;
	v0 =	vmul.f32 $1.131370830e+01, v0  }
0x1ed: {  	v5 =	vld [tilespmem:s26+$0xFFFFFF90];
	p1 =	slt.u32 s24, $0x3E;
	[tilespmem:s23+$0x20] =	vst v6;
	v1 =	vmul.f32 $1.131370830e+01, v1  }
0x1ee: {  	v6 =	vld [tilespmem:s26+$0xFFFFFFA0];
	[tilespmem:s23+$0x30] =	vst v0;
	v0 =	vmul.f32 $1.131370830e+01, v2  }
0x1ef: {  	v2 =	vld [tilespmem:s26+$0xFFFFFFB0];
	[tilespmem:s23+$0x40] =	vst v1;
	v1 =	vmul.f32 $1.131370830e+01, v3  }
0x1f0: {  	v3 =	vld [tilespmem:s26+$0xFFFFFFC0];
	v4 =	vmul.f32 $1.131370830e+01, v4;
	[tilespmem:s23+$0x50] =	vst v0  }
0x1f1: {  	v0 =	vld [tilespmem:s26+$0xFFFFFFD0];
	v7 =	vmul.f32 $1.131370830e+01, v7;
	[tilespmem:s23+$0x60] =	vst v1  }
0x1f2: {  	v1 =	vmul.f32 $1.131370830e+01, v5;
	v5 =	vld [tilespmem:s26+$0xFFFFFFE0];
	[tilespmem:s23+$0xFFFFFF80] =	vst v4;
	s23 =	smov.u32 s26  }
0x1f3: {  	v4 =	vmul.f32 $1.131370830e+01, v6;
	v6 =	vld [tilespmem:s26+$0xFFFFFFF0];
	[tilespmem:s26+$0x70] =	vst v7  }
0x1f4: {  	[tilespmem:s26+$0xFFFFFF90] =	vst v1;
	v1 =	vmul.f32 $1.131370830e+01, v2;
	v2 =	vld [tilespmem:s26+$0x0]  }
0x1f5: {  	[tilespmem:s26+$0xFFFFFFA0] =	vst v4;
	v3 =	vmul.f32 $1.131370830e+01, v3;
	v4 =	vld [tilespmem:s26+$0x10]  }
0x1f6: {  	[tilespmem:s26+$0xFFFFFFB0] =	vst v1;
	v1 =	vmul.f32 $1.131370830e+01, v0;
	v7 =	vld [tilespmem:s26+$0x20]  }
.Ltmp8:
0x1f7: {  	[tilespmem:s26+$0xFFFFFFC0] =	vst v3;
	v3 =	vmul.f32 $1.131370830e+01, v5;
	v0 =	vld [tilespmem:s26+$0x30];
	(pc) =	sbr.rel @p1 .LBB2_19-.Ltmp8, $4  }
0x1f8: {  	[tilespmem:s26+$0xFFFFFFD0] =	vst v1;
	v5 =	vmul.f32 $1.131370830e+01, v6;
	v1 =	vld [tilespmem:s26+$0x40]  }
0x1f9: {  	[tilespmem:s26+$0xFFFFFFE0] =	vst v3;
	v6 =	vmul.f32 $1.131370830e+01, v2;
	v2 =	vld [tilespmem:s26+$0x50]  }
0x1fa: {  	[tilespmem:s26+$0xFFFFFFF0] =	vst v5;
	v5 =	vmul.f32 $1.131370830e+01, v4;
	v3 =	vld [tilespmem:s26+$0x60]  }
0x1fb: {  	s26 =	sadd.s32 $0x100, s26;
	v4 =	vld [tilespmem:s23+$0xFFFFFF80];
	[tilespmem:s23+$0x0] =	vst v6;
	v6 =	vmul.f32 $1.131370830e+01, v7  }
0x1fc: {  	[tilespmem:s23+$0x10] =	vst v5;
	v0 =	vmul.f32 $1.131370830e+01, v0  }
0x1fd: {  	[tilespmem:s23+$0x20] =	vst v6;
	v1 =	vmul.f32 $1.131370830e+01, v1  }
0x1fe: {  	[tilespmem:s23+$0x30] =	vst v0;
	v0 =	vmul.f32 $1.131370830e+01, v2  }
0x1ff: {  	[tilespmem:s23+$0x40] =	vst v1;
	v1 =	vmul.f32 $1.131370830e+01, v3  }
0x200: {  	v2 =	vmul.f32 $1.131370830e+01, v4;
	[tilespmem:s23+$0x50] =	vst v0  }
0x201: {  	[tilespmem:s23+$0x60] =	vst v1  }
0x202: {  	[tilespmem:s23+$0xFFFFFF80] =	vst v2;
	s23 =	simm.s32 @!p0 $0x12  }
0x203: {  	_ =	swait.ge @!p0 [sflag:s23], $0x2000  }
0x204: {  	s24 =	sadd.s32 @!p0 s21, s8;
	s26 =	simm.s32 @!p0 $0x11800;
	[sflag:s23] =	ssyncset.done @!p0 $0x0  }
0x205: {  	s22 =	sadd.s32 s9, s22;
	[sflag:s23] =	ssyncadd.s32 @!p0 $0xFFFFE000;
	s23 =	sshll.u32 @!p0 s24, $0x9  }
0x206: {  	s22 =	sshrl.u32 s22, $0x3;
	s24 =	simm.s32 @!p0 $0x40;
	s23 =	sshra.s32 @!p0 s23, $0x2  }
0x207: {  	[tilespmem:s26], [sflag:$0x8] =	stream.indirect.gather @!p0 [hbm4b:s2+s24], $0x80, s23, s24, $0xb8;
	[tilespmem:$0x17800] =	vst v63  }
0x208: {  	s22 =	sadd.s32 s3, s22;
	s26 =	simm.s32 $0x13800  }
0x209: {  	[hbm4b:s22+s4] =	stream.linear.scatter [tilespmem:s26], [sflag:$0x13], $0x2000, $0x38;
	[tilespmem:$0x17800] =	vst v63  }
0x20a: {  	_ =	swait.ge [sflag:s15], $0x2000  }
0x20b: {  	[sflag:s15] =	ssyncset.done $0x0  }
0x20c: {  	s22 =	simm.s32 $0x15880;
	[sflag:s15] =	ssyncadd.s32 $0xFFFFE000  }
0x20d: {  	v0 =	vld [tilespmem:s22+$0x70]  }
0x20e: {  	v1 =	vld [tilespmem:s22+$0xFFFFFF90]  }
0x20f: {  	v2 =	vld [tilespmem:s22+$0xFFFFFFA0]  }
0x210: {  	v3 =	vld [tilespmem:s22+$0xFFFFFFB0]  }
0x211: {  	v4 =	vld [tilespmem:s22+$0xFFFFFFC0]  }
0x212: {  	v5 =	vld [tilespmem:s22+$0xFFFFFFD0];
	v0 =	vmul.f32 $1.131370830e+01, v0  }
0x213: {  	v6 =	vld [tilespmem:s22+$0xFFFFFFE0];
	v1 =	vmul.f32 $1.131370830e+01, v1  }
0x214: {  	v7 =	vld [tilespmem:s22+$0xFFFFFFF0];
	v2 =	vmul.f32 $1.131370830e+01, v2;
	[tilespmem:s22+$0x70] =	vst v0  }
0x215: {  	[tilespmem:s22+$0xFFFFFF90] =	vst v1;
	v0 =	vmul.f32 $1.131370830e+01, v3;
	v3 =	vld [tilespmem:s22+$0x0]  }
0x216: {  	[tilespmem:s22+$0xFFFFFFA0] =	vst v2;
	v1 =	vmul.f32 $1.131370830e+01, v4;
	v4 =	vld [tilespmem:s22+$0x10]  }
0x217: {  	v8 =	vld [tilespmem:s22+$0x20];
	v2 =	vmul.f32 $1.131370830e+01, v5;
	[tilespmem:s22+$0xFFFFFFB0] =	vst v0  }
0x218: {  	v5 =	vmul.f32 $1.131370830e+01, v6;
	[tilespmem:s22+$0xFFFFFFC0] =	vst v1;
	v0 =	vld [tilespmem:s22+$0x30]  }
0x219: {  	v6 =	vmul.f32 $1.131370830e+01, v7;
	[tilespmem:s22+$0xFFFFFFD0] =	vst v2;
	v1 =	vld [tilespmem:s22+$0x40]  }
0x21a: {  	[tilespmem:s22+$0xFFFFFFE0] =	vst v5;
	v2 =	vld [tilespmem:s22+$0x50];
	v7 =	vmul.f32 $1.131370830e+01, v3  }
0x21b: {  	[tilespmem:s22+$0xFFFFFFF0] =	vst v6;
	v3 =	vld [tilespmem:s22+$0x60];
	v5 =	vmul.f32 $1.131370830e+01, v4  }
0x21c: {  	s23 =	simm.s32 $0x0;
	s24 =	simm.s32 $0x15980;
	v6 =	vmul.f32 $1.131370830e+01, v8;
	v4 =	vld [tilespmem:s22+$0xFFFFFF80];
	[tilespmem:s22+$0x0] =	vst v7  }
.LBB2_21:
0x21d: {  	v7 =	vld [tilespmem:s24+$0x70];
	s23 =	sadd.s32 $0x2, s23;
	[tilespmem:s22+$0x10] =	vst v5;
	v0 =	vmul.f32 $1.131370830e+01, v0  }
0x21e: {  	v5 =	vld [tilespmem:s24+$0xFFFFFF90];
	p1 =	slt.u32 s23, $0x3E;
	[tilespmem:s22+$0x20] =	vst v6;
	v1 =	vmul.f32 $1.131370830e+01, v1  }
0x21f: {  	v6 =	vld [tilespmem:s24+$0xFFFFFFA0];
	[tilespmem:s22+$0x30] =	vst v0;
	v0 =	vmul.f32 $1.131370830e+01, v2  }
0x220: {  	v2 =	vld [tilespmem:s24+$0xFFFFFFB0];
	[tilespmem:s22+$0x40] =	vst v1;
	v1 =	vmul.f32 $1.131370830e+01, v3  }
0x221: {  	v3 =	vld [tilespmem:s24+$0xFFFFFFC0];
	v4 =	vmul.f32 $1.131370830e+01, v4;
	[tilespmem:s22+$0x50] =	vst v0  }
0x222: {  	v0 =	vld [tilespmem:s24+$0xFFFFFFD0];
	v7 =	vmul.f32 $1.131370830e+01, v7;
	[tilespmem:s22+$0x60] =	vst v1  }
0x223: {  	v1 =	vmul.f32 $1.131370830e+01, v5;
	v5 =	vld [tilespmem:s24+$0xFFFFFFE0];
	[tilespmem:s22+$0xFFFFFF80] =	vst v4;
	s22 =	smov.u32 s24  }
0x224: {  	v4 =	vmul.f32 $1.131370830e+01, v6;
	v6 =	vld [tilespmem:s24+$0xFFFFFFF0];
	[tilespmem:s24+$0x70] =	vst v7  }
0x225: {  	[tilespmem:s24+$0xFFFFFF90] =	vst v1;
	v1 =	vmul.f32 $1.131370830e+01, v2;
	v2 =	vld [tilespmem:s24+$0x0]  }
0x226: {  	[tilespmem:s24+$0xFFFFFFA0] =	vst v4;
	v3 =	vmul.f32 $1.131370830e+01, v3;
	v4 =	vld [tilespmem:s24+$0x10]  }
0x227: {  	[tilespmem:s24+$0xFFFFFFB0] =	vst v1;
	v1 =	vmul.f32 $1.131370830e+01, v0;
	v7 =	vld [tilespmem:s24+$0x20]  }
.Ltmp9:
0x228: {  	[tilespmem:s24+$0xFFFFFFC0] =	vst v3;
	v3 =	vmul.f32 $1.131370830e+01, v5;
	v0 =	vld [tilespmem:s24+$0x30];
	(pc) =	sbr.rel @p1 .LBB2_21-.Ltmp9, $4  }
0x229: {  	[tilespmem:s24+$0xFFFFFFD0] =	vst v1;
	v5 =	vmul.f32 $1.131370830e+01, v6;
	v1 =	vld [tilespmem:s24+$0x40]  }
0x22a: {  	[tilespmem:s24+$0xFFFFFFE0] =	vst v3;
	v6 =	vmul.f32 $1.131370830e+01, v2;
	v2 =	vld [tilespmem:s24+$0x50]  }
0x22b: {  	[tilespmem:s24+$0xFFFFFFF0] =	vst v5;
	v5 =	vmul.f32 $1.131370830e+01, v4;
	v3 =	vld [tilespmem:s24+$0x60]  }
0x22c: {  	s24 =	sadd.s32 $0x100, s24;
	v4 =	vld [tilespmem:s22+$0xFFFFFF80];
	[tilespmem:s22+$0x0] =	vst v6;
	v6 =	vmul.f32 $1.131370830e+01, v7  }
0x22d: {  	[tilespmem:s22+$0x10] =	vst v5;
	v0 =	vmul.f32 $1.131370830e+01, v0  }
0x22e: {  	[tilespmem:s22+$0x20] =	vst v6;
	v1 =	vmul.f32 $1.131370830e+01, v1  }
0x22f: {  	[tilespmem:s22+$0x30] =	vst v0;
	v61 =	vmul.f32 $1.131370830e+01, v2  }
0x230: {  	[tilespmem:s22+$0x40] =	vst v1;
	v62 =	vmul.f32 $1.131370830e+01, v3  }
0x231: {  	v63 =	vmul.f32 $1.131370830e+01, v4;
	[tilespmem:s22+$0x50] =	vst v61  }
0x232: {  	[tilespmem:s22+$0x60] =	vst v62  }
0x233: {  	[tilespmem:s22+$0xFFFFFF80] =	vst v63;
	s22 =	simm.s32 @!p0 $0x13  }
0x234: {  	s21 =	sadd.s32 @!p0 s21, s10;
	s23 =	simm.s32 @!p0 $0x13800;
	_ =	swait.ge @!p0 [sflag:s22], $0x2000  }
0x235: {  	s19 =	sadd.s32 $0x1, s19;
	s21 =	sshll.u32 @!p0 s21, $0x9;
	[sflag:s22] =	ssyncset.done @!p0 $0x0  }
0x236: {  	s21 =	sshra.s32 @!p0 s21, $0x2;
	[sflag:s22] =	ssyncadd.s32 @!p0 $0xFFFFE000;
	s22 =	simm.s32 @!p0 $0x40  }
0x237: {  	[tilespmem:s23], [sflag:$0x9] =	stream.indirect.gather @!p0 [hbm4b:s2+s22], $0x80, s21, s22, $0xb8;
	[tilespmem:$0x17800] =	vst v63  }
0x238: {  	p0 =	sne.s32 s19, $0xA  }
.Ltmp10:
0x239: {  	s20 =	sshll.u32 s20, $0xD;
	(pc) =	sbr.rel @p0 .LBB2_2-.Ltmp10, $4  }
0x23a: {  	s20 =	sadd.s32 s18, s20  }
0x23b: {  	s20 =	sshrl.u32 s20, $0x3  }
0x23c: {  	s26 =	simm.s32 $0x15800;
	s20 =	sadd.s32 s3, s20  }
0x23d: {  	[hbm4b:s20+s4] =	stream.linear.scatter [tilespmem:s26], [sflag:$0x14], $0x2000, $0x38;
	[tilespmem:$0x17800] =	vst v63  }
0x23e: {  	s19 =	simm.s32 $0xB  }
0x23f: {  	_ =	swait.ge [sflag:s19], $0x2000  }
0x240: {  	[sflag:s19] =	ssyncset.done $0x0  }
0x241: {  	s23 =	simm.s32 $0xC;
	[sflag:s19] =	ssyncadd.s32 $0xFFFFE000  }
0x242: {  	_ =	swait.ge [sflag:s23], $0x2000  }
0x243: {  	[sflag:s23] =	ssyncset.done $0x0  }
0x244: {  	s24 =	simm.s32 $0xD;
	[sflag:s23] =	ssyncadd.s32 $0xFFFFE000  }
0x245: {  	_ =	swait.ge [sflag:s24], $0x2000  }
0x246: {  	[sflag:s24] =	ssyncset.done $0x0  }
0x247: {  	s26 =	simm.s32 $0xE;
	[sflag:s24] =	ssyncadd.s32 $0xFFFFE000  }
0x248: {  	_ =	swait.ge [sflag:s26], $0x2000  }
0x249: {  	[sflag:s26] =	ssyncset.done $0x0  }
0x24a: {  	s20 =	simm.s32 $0xF;
	[sflag:s26] =	ssyncadd.s32 $0xFFFFE000  }
0x24b: {  	_ =	swait.ge [sflag:s20], $0x2000  }
0x24c: {  	[sflag:s20] =	ssyncset.done $0x0  }
0x24d: {  	s21 =	simm.s32 $0x10;
	[sflag:s20] =	ssyncadd.s32 $0xFFFFE000  }
0x24e: {  	_ =	swait.ge [sflag:s21], $0x2000  }
0x24f: {  	[sflag:s21] =	ssyncset.done $0x0  }
0x250: {  	s22 =	simm.s32 $0x11;
	[sflag:s21] =	ssyncadd.s32 $0xFFFFE000  }
0x251: {  	_ =	swait.ge [sflag:s22], $0x2000  }
0x252: {  	[sflag:s22] =	ssyncset.done $0x0  }
0x253: {  	s23 =	simm.s32 $0x12;
	[sflag:s22] =	ssyncadd.s32 $0xFFFFE000  }
0x254: {  	_ =	swait.ge [sflag:s23], $0x2000  }
0x255: {  	[sflag:s23] =	ssyncset.done $0x0  }
0x256: {  	s24 =	simm.s32 $0x13;
	[sflag:s23] =	ssyncadd.s32 $0xFFFFE000  }
0x257: {  	_ =	swait.ge [sflag:s24], $0x2000  }
0x258: {  	[sflag:s24] =	ssyncset.done $0x0  }
0x259: {  	s20 =	simm.s32 $0x14;
	[sflag:s24] =	ssyncadd.s32 $0xFFFFE000  }
0x25a: {  	_ =	swait.ge [sflag:s20], $0x2000  }
0x25b: {  	s21 =	rddreg [dreg:$0x19]  }
0x25c: {  	s26 =	rddreg [dreg:$0x15];
	s21 =	sadd.s32 $0x1, s21  }
0x25d: {  	p0 =	sne.s32 s21, s26  }
.Ltmp11:
0x25e: {  	_ = 	snop;
	(pc) =	sbr.rel @p0 .LBB2_1-.Ltmp11, $3  }
0x25f: {  	_ =	sdelay $0x1  }
0x260: {  	[sflag:s20] =	ssyncset.done $0x0  }
0x261: {  	[sflag:s20] =	ssyncadd.s32 $0xFFFFE000  }
0x262: {  	_ =	sfence.sel $0x180000  }
0x263: {  	[bflag:$0x0] =	sbarrier.arrive $0xFFFF  }
0x264: {  	_ =	strace $0x90000047  }
0x265: {  	s0 =	stileid.u32;
	[bflag:$0x2] =	sbarrier.arrive $0xFFFF  }
0x266: {  	p0 =	sne.s32 s0, $0x0;
	s0 =	rddreg [dreg:$0x3]  }
0x267: {  	s0 =	sadd.s32 @!p0 $0x100000, s0  }
0x268: {  	[sflag:s0] =	ssyncadd.tile.s32 @!p0 $0x1;
	_ =	shalt  }
.Lfunc_end2:
_tile_overlayer_lowered:
.L_overlay_start_2:
0x269: {  	(tag) =	ssettag $0x2  }
0x26a: {  	s0 =	rddreg [dreg:$0x0];
	s2 =	stileid.u32  }
0x26b: {  	s1 =	rddreg [dreg:$0x1];
	p0 =	sne.s32 s2, $0x0  }
0x26c: {  	s3 =	rddreg [dreg:$0x2];
	[bflag:$0x3] =	sbarrier.arrive $0xFFFF;
	s2 =	simm.s32 @!p0 $0x1C15  }
0x26d: {  	[timem:s3], [sflag:s2] =	dma.local @!p0 [hbm:s0], s1  }
0x26e: {  	s0 =	simm.s32 @!p0 $0x15  }
0x26f: {  	_ =	swait.ge @!p0 [sflag:s0], s1  }
0x270: {  	s1 =	ssub.s32 @!p0 $0x0, s1;
	[sflag:s0] =	ssyncset.done @!p0 $0x0  }
0x271: {  	[sflag:s0] =	ssyncadd.s32 @!p0 s1  }
0x272: {  	[bflag:$0x3] =	sbarrier.arrive $0xFFFF  }
0x273: {  	_ =	shalt  }

</sc_bundles>
